<compile_context>
chip_gen: v7x
topology: tpu7x:2x2x1
jax: 0.10.2.dev20260603
libtpu: 0.0.44.dev20260713+nightly
codegen_flags: <defaults>
</compile_context>

<pallas_src>
import functools

import jax
import jax.numpy as jnp
from jax import lax
from jax.experimental import pallas as pl
from jax.experimental.pallas import tpu as pltpu
from jax.experimental.pallas import tpu_sc as plsc

N = 10000
E = 320000
H = 128

NC = 2
NS = 16
CHW = 128
EP = 327680
Q0 = 128
Q1 = 32
HCHK = 32
MAXG = Q0 // HCHK
ACC_N = 10240
STRIPE = ACC_N // NS

_mesh = plsc.VectorSubcoreMesh(
    core_axis_name="c", subcore_axis_name="s", num_cores=NC, num_subcores=NS)

_part = jax.ShapeDtypeStruct((NC * ACC_N, H), jnp.float32)


@functools.partial(
    pl.kernel,
    out_type=[_part, _part, _part],
    mesh=_mesh,
    scratch_types=[
        pltpu.VMEM((HCHK, CHW), jnp.int32),
        pltpu.VMEM((HCHK, CHW), jnp.int32),
        pltpu.VMEM((CHW, H), jnp.float32),
        pltpu.VMEM((CHW, H), jnp.float32),
        pltpu.VMEM_SHARED((ACC_N, H), jnp.float32),
        pltpu.SemaphoreType.DMA,
        pltpu.SemaphoreType.DMA,
    ],
)
def _segsum_kernel(src_hbm, dst_hbm, h_hbm, x_hbm, c_hbm,
                   outh_hbm, outx_hbm, outc_hbm,
                   srcb, dstb, rows, rows1, acc, sem, sem1):
    c = lax.axis_index("c")
    s = lax.axis_index("s")
    q = jnp.where(c == 0, Q0, Q1)
    cbase = c * (NS * Q0) + s * q
    ngrp = q // HCHK

    for feat_hbm, out_hbm in ((h_hbm, outh_hbm), (x_hbm, outx_hbm),
                              (c_hbm, outc_hbm)):
        zv = jnp.zeros((16,), jnp.float32)

        def _zrow(r, _):
            def _zcol(k, _):
                rows[r, pl.ds(k * 16, 16)] = zv
                return 0
            return lax.fori_loop(0, H // 16, _zcol, 0)
        lax.fori_loop(0, CHW, _zrow, 0)

        def _zacc(k, _):
            pltpu.sync_copy(rows, acc.at[pl.ds(s * STRIPE + k * CHW, CHW)])
            return 0
        lax.fori_loop(0, STRIPE // CHW, _zacc, 0)
        plsc.subcore_barrier()

        for grp in range(MAXG):
            @pl.when(grp < ngrp)
            def _():
                gb = cbase + grp * HCHK
                pltpu.sync_copy(src_hbm.at[pl.ds(gb, HCHK)], srcb)
                pltpu.sync_copy(dst_hbm.at[pl.ds(gb, HCHK)], dstb)
                pltpu.async_copy(feat_hbm.at[srcb.at[0]], rows, sem)

                def _pair(jj, _):
                    j0 = 2 * jj
                    j1 = j0 + 1
                    pltpu.async_copy(feat_hbm.at[srcb.at[j1]], rows1, sem1)
                    pltpu.make_async_copy(feat_hbm.at[srcb.at[j0]], rows,
                                          sem).wait()
                    pltpu.sync_copy(rows, acc.at[dstb.at[j0]], add=True)

                    @pl.when(j1 + 1 < HCHK)
                    def _():
                        pltpu.async_copy(feat_hbm.at[srcb.at[j1 + 1]], rows,
                                         sem)
                    pltpu.make_async_copy(feat_hbm.at[srcb.at[j1]], rows1,
                                          sem1).wait()
                    pltpu.sync_copy(rows1, acc.at[dstb.at[j1]], add=True)
                    return 0
                lax.fori_loop(0, HCHK // 2, _pair, 0)
        plsc.subcore_barrier()

        pltpu.sync_copy(acc.at[pl.ds(s * STRIPE, STRIPE)],
                        out_hbm.at[pl.ds(c * ACC_N + s * STRIPE, STRIPE)])


def _gates_body(hp_ref, xp_ref, cp_ref, wh_ref, wx_ref, b_ref, h_ref, c_ref):
    hsum = hp_ref[0] + hp_ref[1]
    xsum = xp_ref[0] + xp_ref[1]
    csum = cp_ref[0] + cp_ref[1]
    gp = (jnp.dot(hsum, wh_ref[:], preferred_element_type=jnp.float32)
          + jnp.dot(xsum, wx_ref[:], preferred_element_type=jnp.float32)
          + b_ref[:])
    f = jax.nn.sigmoid(gp[:, :H])
    i = jax.nn.sigmoid(gp[:, H:2 * H])
    u = jnp.tanh(gp[:, 2 * H:3 * H])
    o = jax.nn.sigmoid(gp[:, 3 * H:])
    c_new = i * u + f * csum
    h_ref[:] = o * jnp.tanh(c_new)
    c_ref[:] = c_new


def _gates(hp, xp, cp, wh, wx, bias):
    blk = 256
    grid = (ACC_N // blk,)
    part_spec = pl.BlockSpec((NC, blk, H), lambda i: (0, i, 0))
    return pl.pallas_call(
        _gates_body,
        grid=grid,
        in_specs=[
            part_spec, part_spec, part_spec,
            pl.BlockSpec((H, 4 * H), lambda i: (0, 0)),
            pl.BlockSpec((H, 4 * H), lambda i: (0, 0)),
            pl.BlockSpec((1, 4 * H), lambda i: (0, 0)),
        ],
        out_specs=[
            pl.BlockSpec((blk, H), lambda i: (i, 0)),
            pl.BlockSpec((blk, H), lambda i: (i, 0)),
        ],
        out_shape=[
            jax.ShapeDtypeStruct((ACC_N, H), jnp.float32),
            jax.ShapeDtypeStruct((ACC_N, H), jnp.float32),
        ],
    )(hp, xp, cp, wh, wx, bias)


def kernel(embed, h, c, edge_index, W_f, bw_f, b_f, W_i, bw_i, b_i,
           W_u, bw_u, b_u, W_o, bw_o, b_o):
    src = jnp.concatenate(
        [edge_index[0].astype(jnp.int32),
         jnp.zeros((EP - E,), jnp.int32)]).reshape(EP // CHW, CHW)
    dst = jnp.concatenate(
        [edge_index[1].astype(jnp.int32),
         jnp.full((EP - E,), N, jnp.int32)]).reshape(EP // CHW, CHW)
    sh, sx, sc = _segsum_kernel(src, dst, h, embed, c)
    hp = sh.reshape(NC, ACC_N, H)
    xp = sx.reshape(NC, ACC_N, H)
    cp = sc.reshape(NC, ACC_N, H)
    w_cat = jnp.concatenate([W_f.T, W_i.T, W_u.T, W_o.T], axis=1)
    bias = jnp.concatenate([bw_f + b_f, bw_i + b_i,
                            bw_u + b_u, bw_o + b_o]).reshape(1, 4 * H)
    h_new, c_new = _gates(hp, xp, cp, w_cat[:H], w_cat[H:], bias)
    return h_new[:N], c_new[:N]

# --- scband reference (transcript-rebuilt; emitter-appended) ---
"""Pipeline reference for scband-child-sum-tree-lstmcell-80616536146706 (READ-ONLY COPY).

The authoritative reference and input builder live on the scoring server;
editing this copy changes nothing except your own understanding.
"""

import jax, jax.numpy as jnp
import numpy as np

N = 10000
E = 320000
X = 128
H = 128


def setup_inputs(seed: int = 0) -> dict:
    key = jax.random.key(seed)
    ks = jax.random.split(key, 20)
    inp = {}
    inp['embed'] = jax.random.normal(ks[0], (N, X), dtype=jnp.float32)
    inp['h'] = jax.random.normal(ks[1], (N, H), dtype=jnp.float32)
    inp['c'] = jax.random.normal(ks[2], (N, H), dtype=jnp.float32)
    inp['edge_index'] = jax.random.randint(ks[3], (2, E), 0, N)
    scale = 1.0 / np.sqrt(X + H)
    inp['W_f'] = jax.random.normal(ks[4], (H, X + H), dtype=jnp.float32) * scale
    inp['bw_f'] = jax.random.normal(ks[5], (H,), dtype=jnp.float32) * scale
    inp['b_f'] = jnp.zeros((H,), dtype=jnp.float32)
    inp['W_i'] = jax.random.normal(ks[6], (H, X + H), dtype=jnp.float32) * scale
    inp['bw_i'] = jax.random.normal(ks[7], (H,), dtype=jnp.float32) * scale
    inp['b_i'] = jnp.zeros((H,), dtype=jnp.float32)
    inp['W_u'] = jax.random.normal(ks[8], (H, X + H), dtype=jnp.float32) * scale
    inp['bw_u'] = jax.random.normal(ks[9], (H,), dtype=jnp.float32) * scale
    inp['b_u'] = jnp.zeros((H,), dtype=jnp.float32)
    inp['W_o'] = jax.random.normal(ks[10], (H, X + H), dtype=jnp.float32) * scale
    inp['bw_o'] = jax.random.normal(ks[11], (H,), dtype=jnp.float32) * scale
    inp['b_o'] = jnp.zeros((H,), dtype=jnp.float32)
    return inp


def reference(embed, h, c, edge_index, W_f, bw_f, b_f, W_i, bw_i, b_i, W_u, bw_u, b_u, W_o, bw_o, b_o):
    # message_func: per edge (src->dst), msg_h = concat(h[src], embed[src]), msg_c = c[src]
    src = edge_index[0]
    dst = edge_index[1]
    msg_h = jnp.concatenate([jnp.take(h, src, axis=0), jnp.take(embed, src, axis=0)], axis=1)
    msg_c = jnp.take(c, src, axis=0)
    # reduce_func: h_sum = sum of child messages; f = sigmoid(W_f(h_sum)+b_f) applied once per node,
    # c_tilde = sum(f * c_child) = f * sum(c_child) since f is constant over a node's children
    h_sum = jax.ops.segment_sum(msg_h, dst, num_segments=N)
    c_sum = jax.ops.segment_sum(msg_c, dst, num_segments=N)
    f = jax.nn.sigmoid(h_sum @ W_f.T + bw_f + b_f)
    c_tilde = f * c_sum
    # apply_node_func
    i = jax.nn.sigmoid(h_sum @ W_i.T + bw_i + b_i)
    u = jnp.tanh(h_sum @ W_u.T + bw_u + b_u)
    c_new = i * u + c_tilde
    o = jax.nn.sigmoid(h_sum @ W_o.T + bw_o + b_o)
    h_new = o * jnp.tanh(c_new)
    return (h_new, c_new)

if __name__ == "__main__":
    import jax
    _d = setup_inputs()
    print(jax.jit(kernel)(*tuple(_d.values())))

</pallas_src>

<mosaic_0001>
#map = affine_map<(d0, d1) -> (0, 0)>
module attributes {stable_mosaic.version = 14 : i64} {
  func.func @_segsum_kernel(%arg0: i32, %arg1: i32, %arg2: memref<2560x128xi32, #tpu.memory_space<hbm>>, %arg3: memref<2560x128xi32, #tpu.memory_space<hbm>>, %arg4: memref<10000x128xf32, #tpu.memory_space<hbm>>, %arg5: memref<10000x128xf32, #tpu.memory_space<hbm>>, %arg6: memref<10000x128xf32, #tpu.memory_space<hbm>>, %arg7: memref<20480x128xf32, #tpu.memory_space<hbm>>, %arg8: memref<20480x128xf32, #tpu.memory_space<hbm>>, %arg9: memref<20480x128xf32, #tpu.memory_space<hbm>>, %arg10: memref<32x128xi32, #tpu.memory_space<vmem>>, %arg11: memref<32x128xi32, #tpu.memory_space<vmem>>, %arg12: memref<128x128xf32, #tpu.memory_space<vmem>>, %arg13: memref<128x128xf32, #tpu.memory_space<vmem>>, %arg14: memref<10240x128xf32, #tpu.memory_space<vmem_shared>>, %arg15: memref<!tpu.dma_semaphore, #tpu.memory_space<semaphore_mem>>, %arg16: memref<!tpu.dma_semaphore, #tpu.memory_space<semaphore_mem>>) attributes {dimension_semantics = [#tpu.dimension_semantics<core_parallel>, #tpu.dimension_semantics<subcore_parallel>], iteration_bounds = array<i64: 2, 16>, scalar_prefetch = 0 : i64, scratch_operands = 7 : i64, tpu.core_type = #tpu.core_type<sc_vector_subcore>, window_params = [{transform_indices = #map}, {transform_indices = #map}, {transform_indices = #map}, {transform_indices = #map}, {transform_indices = #map}, {transform_indices = #map}, {transform_indices = #map}, {transform_indices = #map}]} {
    %eq3A = arith.constant 0 : i32
    %eq3A_0 = arith.cmpi eq, %arg0, %eq3A : i32
    %jit3A = arith.constant 128 : i32
    %jit3A_1 = arith.constant 32 : i32
    %select_n3A = arith.select %eq3A_0, %jit3A, %jit3A_1 : i32
    %mul3A = arith.constant 2048 : i32
    %mul3A_2 = arith.muli %arg0, %mul3A : i32
    %mul3A_3 = arith.muli %arg1, %select_n3A : i32
    %add3A = arith.addi %mul3A_2, %mul3A_3 : i32
    %jit3A_4 = arith.constant 32 : i32
    %div3A = arith.divsi %select_n3A, %jit3A_4 : i32
    %sign3A = arith.constant 0 : i32
    %sign3A_5 = arith.cmpi sgt, %select_n3A, %sign3A : i32
    %sign3A_6 = arith.extui %sign3A_5 : i1 to i32
    %sign3A_7 = arith.constant 0 : i32
    %sign3A_8 = arith.cmpi slt, %select_n3A, %sign3A_7 : i32
    %sign3A_9 = arith.extui %sign3A_8 : i1 to i32
    %sign3A_10 = arith.subi %sign3A_6, %sign3A_9 : i32
    %sign3A_11 = arith.constant 0 : i32
    %sign3A_12 = arith.cmpi sgt, %jit3A_4, %sign3A_11 : i32
    %sign3A_13 = arith.extui %sign3A_12 : i1 to i32
    %sign3A_14 = arith.constant 0 : i32
    %sign3A_15 = arith.cmpi slt, %jit3A_4, %sign3A_14 : i32
    %sign3A_16 = arith.extui %sign3A_15 : i1 to i32
    %sign3A_17 = arith.subi %sign3A_13, %sign3A_16 : i32
    %ne3A = arith.cmpi ne, %sign3A_10, %sign3A_17 : i32
    %rem3A = arith.remsi %select_n3A, %jit3A_4 : i32
    %ne3A_18 = arith.constant 0 : i32
    %ne3A_19 = arith.cmpi ne, %rem3A, %ne3A_18 : i32
    %and3A = arith.andi %ne3A, %ne3A_19 : i1
    %sub3A = arith.constant 1 : i32
    %sub3A_20 = arith.subi %div3A, %sub3A : i32
    %select_n3A_21 = arith.select %and3A, %sub3A_20, %div3A : i32
    %broadcast_in_dim3A = arith.constant 0.000000e+00 : f32
    %broadcast_in_dim3A_22 = vector.broadcast %broadcast_in_dim3A : f32 to vector<16xf32>
    %scan3A = arith.constant 0 : i32
    %scan3A_23 = arith.constant 0 : i32
    %scan3A_24 = arith.constant 128 : i32
    %scan3A_25 = arith.addi %scan3A_23, %scan3A_24 : i32
    %scan3A_26 = arith.constant 1 : i32
    %scan3A_27 = scf.for %scan3A_151 = %scan3A_23 to %scan3A_25 step %scan3A_26 iter_args(%scan3A_152 = %scan3A) -> (i32)  : i32 {
      %scan3A_153 = arith.constant 0 : i32
      %scan3A_154 = arith.constant 0 : i32
      %scan3A_155 = arith.constant 8 : i32
      %scan3A_156 = arith.addi %scan3A_154, %scan3A_155 : i32
      %scan3A_157 = arith.constant 1 : i32
      %scan3A_158 = scf.for %scan3A_160 = %scan3A_154 to %scan3A_156 step %scan3A_157 iter_args(%scan3A_161 = %scan3A_153) -> (i32)  : i32 {
        %mul3A_162 = arith.constant 16 : i32
        %mul3A_163 = arith.muli %scan3A_160, %mul3A_162 : i32
        %swap3A = arith.index_cast %scan3A_151 : i32 to index
        %swap3A_164 = arith.index_cast %mul3A_163 : i32 to index
        %swap3A_165 = tpu.vector_load %arg12[%swap3A, %swap3A_164] {strides = array<i32>} : memref<128x128xf32, #tpu.memory_space<vmem>>, vector<1x16xf32>,
        %swap3A_166 = vector.shape_cast %swap3A_165 : vector<1x16xf32> to vector<16xf32>
        %swap3A_167 = vector.shape_cast %broadcast_in_dim3A_22 : vector<16xf32> to vector<1x16xf32>
        tpu.vector_store %arg12[%swap3A, %swap3A_164], %swap3A_167 {strides = array<i32>} : memref<128x128xf32, #tpu.memory_space<vmem>>, vector<1x16xf32>,
        %scan3A_168 = arith.constant 0 : i32
        scf.yield %scan3A_168 : i32
      }
      %scan3A_159 = arith.constant 8 : i32
      scf.yield %scan3A_158 : i32
    }
    %scan3A_28 = arith.constant 128 : i32
    %scan3A_29 = arith.constant 0 : i32
    %scan3A_30 = arith.constant 0 : i32
    %scan3A_31 = arith.constant 5 : i32
    %scan3A_32 = arith.addi %scan3A_30, %scan3A_31 : i32
    %scan3A_33 = arith.constant 1 : i32
    %scan3A_34 = scf.for %scan3A_151 = %scan3A_30 to %scan3A_32 step %scan3A_33 iter_args(%scan3A_152 = %scan3A_29) -> (i32)  : i32 {
      %mul3A_153 = arith.constant 640 : i32
      %mul3A_154 = arith.muli %arg1, %mul3A_153 : i32
      %mul3A_155 = arith.constant 128 : i32
      %mul3A_156 = arith.muli %scan3A_151, %mul3A_155 : i32
      %add3A_157 = arith.addi %mul3A_154, %mul3A_156 : i32
      "tpu.region"() ({
        %run_scoped3A = tpu.sem_alloc : memref<!tpu.dma_semaphore, #tpu.memory_space<semaphore_mem>>
        %dma_start3A = arith.constant 0 : i32
        %dma_start3A_159 = tpu.memref_slice %arg14[%add3A_157, %dma_start3A] : memref<10240x128xf32, #tpu.memory_space<vmem_shared>> -> memref<128x128xf32, #tpu.memory_space<vmem_shared>>
        %dma_start3A_160 = arith.constant 0 : i32
        %dma_start3A_161 = tpu.memref_slice %arg14[%add3A_157, %dma_start3A_160] : memref<10240x128xf32, #tpu.memory_space<vmem_shared>> -> memref<128x128xf32, #tpu.memory_space<vmem_shared>>
        tpu.enqueue_dma source(%arg12 : memref<128x128xf32, #tpu.memory_space<vmem>>) target(%dma_start3A_161 : memref<128x128xf32, #tpu.memory_space<vmem_shared>>) target_semaphore(%run_scoped3A : memref<!tpu.dma_semaphore, #tpu.memory_space<semaphore_mem>>)
        %dma_wait3A = arith.constant 0 : i32
        %dma_wait3A_162 = tpu.memref_slice %arg14[%add3A_157, %dma_wait3A] : memref<10240x128xf32, #tpu.memory_space<vmem_shared>> -> memref<128x128xf32, #tpu.memory_space<vmem_shared>>
        %dma_wait3A_163 = arith.constant 0 : i32
        %dma_wait3A_164 = tpu.memref_slice %arg14[%add3A_157, %dma_wait3A_163] : memref<10240x128xf32, #tpu.memory_space<vmem_shared>> -> memref<128x128xf32, #tpu.memory_space<vmem_shared>>
        tpu.wait_dma2 semaphore(%run_scoped3A : memref<!tpu.dma_semaphore, #tpu.memory_space<semaphore_mem>>) src(%arg12 : memref<128x128xf32, #tpu.memory_space<vmem>>) dst(%dma_wait3A_164 : memref<128x128xf32, #tpu.memory_space<vmem_shared>>)
        tpu.yield
      }) : () -> ()
      %scan3A_158 = arith.constant 0 : i32
      scf.yield %scan3A_158 : i32
    }
    %scan3A_35 = arith.constant 5 : i32
    %barrier3A = arith.constant 0 : index
    tpu.barrier barrier_id(%barrier3A)
    %gt3A = arith.constant 0 : i32
    %gt3A_36 = arith.cmpi sgt, %select_n3A_21, %gt3A : i32
    %convert_element_type3A = arith.extui %gt3A_36 : i1 to i32
    %cond3A = arith.constant 0 : i32
    %cond3A_37 = arith.cmpi ne, %convert_element_type3A, %cond3A : i32
    scf.if %cond3A_37 {
      %add3A_151 = arith.constant 0 : i32
      %add3A_152 = arith.addi %add3A, %add3A_151 : i32
      "tpu.region"() ({
        %run_scoped3A = tpu.sem_alloc : memref<!tpu.dma_semaphore, #tpu.memory_space<semaphore_mem>>
        %dma_start3A_166 = arith.constant 0 : i32
        %dma_start3A_167 = tpu.memref_slice %arg2[%add3A_152, %dma_start3A_166] : memref<2560x128xi32, #tpu.memory_space<hbm>> -> memref<32x128xi32, #tpu.memory_space<hbm>>
        %dma_start3A_168 = arith.constant 0 : i32
        %dma_start3A_169 = tpu.memref_slice %arg2[%add3A_152, %dma_start3A_168] : memref<2560x128xi32, #tpu.memory_space<hbm>> -> memref<32x128xi32, #tpu.memory_space<hbm>>
        tpu.enqueue_dma source(%dma_start3A_169 : memref<32x128xi32, #tpu.memory_space<hbm>>) target(%arg10 : memref<32x128xi32, #tpu.memory_space<vmem>>) target_semaphore(%run_scoped3A : memref<!tpu.dma_semaphore, #tpu.memory_space<semaphore_mem>>)
        %dma_wait3A = arith.constant 0 : i32
        %dma_wait3A_170 = tpu.memref_slice %arg2[%add3A_152, %dma_wait3A] : memref<2560x128xi32, #tpu.memory_space<hbm>> -> memref<32x128xi32, #tpu.memory_space<hbm>>
        %dma_wait3A_171 = arith.constant 0 : i32
        %dma_wait3A_172 = tpu.memref_slice %arg2[%add3A_152, %dma_wait3A_171] : memref<2560x128xi32, #tpu.memory_space<hbm>> -> memref<32x128xi32, #tpu.memory_space<hbm>>
        tpu.wait_dma2 semaphore(%run_scoped3A : memref<!tpu.dma_semaphore, #tpu.memory_space<semaphore_mem>>) src(%dma_wait3A_172 : memref<32x128xi32, #tpu.memory_space<hbm>>) dst(%arg10 : memref<32x128xi32, #tpu.memory_space<vmem>>)
        tpu.yield
      }) : () -> ()
      "tpu.region"() ({
        %run_scoped3A = tpu.sem_alloc : memref<!tpu.dma_semaphore, #tpu.memory_space<semaphore_mem>>
        %dma_start3A_166 = arith.constant 0 : i32
        %dma_start3A_167 = tpu.memref_slice %arg3[%add3A_152, %dma_start3A_166] : memref<2560x128xi32, #tpu.memory_space<hbm>> -> memref<32x128xi32, #tpu.memory_space<hbm>>
        %dma_start3A_168 = arith.constant 0 : i32
        %dma_start3A_169 = tpu.memref_slice %arg3[%add3A_152, %dma_start3A_168] : memref<2560x128xi32, #tpu.memory_space<hbm>> -> memref<32x128xi32, #tpu.memory_space<hbm>>
        tpu.enqueue_dma source(%dma_start3A_169 : memref<32x128xi32, #tpu.memory_space<hbm>>) target(%arg11 : memref<32x128xi32, #tpu.memory_space<vmem>>) target_semaphore(%run_scoped3A : memref<!tpu.dma_semaphore, #tpu.memory_space<semaphore_mem>>)
        %dma_wait3A = arith.constant 0 : i32
        %dma_wait3A_170 = tpu.memref_slice %arg3[%add3A_152, %dma_wait3A] : memref<2560x128xi32, #tpu.memory_space<hbm>> -> memref<32x128xi32, #tpu.memory_space<hbm>>
        %dma_wait3A_171 = arith.constant 0 : i32
        %dma_wait3A_172 = tpu.memref_slice %arg3[%add3A_152, %dma_wait3A_171] : memref<2560x128xi32, #tpu.memory_space<hbm>> -> memref<32x128xi32, #tpu.memory_space<hbm>>
        tpu.wait_dma2 semaphore(%run_scoped3A : memref<!tpu.dma_semaphore, #tpu.memory_space<semaphore_mem>>) src(%dma_wait3A_172 : memref<32x128xi32, #tpu.memory_space<hbm>>) dst(%arg11 : memref<32x128xi32, #tpu.memory_space<vmem>>)
        tpu.yield
      }) : () -> ()
      %dma_start3A = arith.constant 0 : i32
      %dma_start3A_153 = arith.constant 0 : i32
      %dma_start3A_154 = tpu.memref_slice %arg10[%dma_start3A, %dma_start3A_153] : memref<32x128xi32, #tpu.memory_space<vmem>> -> memref<1x128xi32, #tpu.memory_space<vmem>>
      %dma_start3A_155 = tpu.memref_squeeze %dma_start3A_154 : memref<1x128xi32, #tpu.memory_space<vmem>> -> memref<128xi32, #tpu.memory_space<vmem>>
      %dma_start3A_156 = arith.constant 0 : i32
      %dma_start3A_157 = arith.constant 0 : i32
      %dma_start3A_158 = tpu.memref_slice %arg4[%dma_start3A_156, %dma_start3A_157] : memref<10000x128xf32, #tpu.memory_space<hbm>> -> memref<10000x128xf32, #tpu.memory_space<hbm>>
      tpu.enqueue_indirect_dma source(%dma_start3A_158 : memref<10000x128xf32, #tpu.memory_space<hbm>>) target(%arg12 : memref<128x128xf32, #tpu.memory_space<vmem>>) offsets(%dma_start3A_155 : memref<128xi32, #tpu.memory_space<vmem>>) semaphore(%arg15 : memref<!tpu.dma_semaphore, #tpu.memory_space<semaphore_mem>>)
      %scan3A_159 = arith.constant 0 : i32
      %scan3A_160 = arith.constant 0 : i32
      %scan3A_161 = arith.constant 16 : i32
      %scan3A_162 = arith.addi %scan3A_160, %scan3A_161 : i32
      %scan3A_163 = arith.constant 1 : i32
      %scan3A_164 = scf.for %scan3A_166 = %scan3A_160 to %scan3A_162 step %scan3A_163 iter_args(%scan3A_167 = %scan3A_159) -> (i32)  : i32 {
        %mul3A_168 = arith.constant 2 : i32
        %mul3A_169 = arith.muli %mul3A_168, %scan3A_166 : i32
        %add3A_170 = arith.constant 1 : i32
        %add3A_171 = arith.addi %mul3A_169, %add3A_170 : i32
        %dma_start3A_172 = arith.constant 0 : i32
        %dma_start3A_173 = tpu.memref_slice %arg10[%add3A_171, %dma_start3A_172] : memref<32x128xi32, #tpu.memory_space<vmem>> -> memref<1x128xi32, #tpu.memory_space<vmem>>
        %dma_start3A_174 = tpu.memref_squeeze %dma_start3A_173 : memref<1x128xi32, #tpu.memory_space<vmem>> -> memref<128xi32, #tpu.memory_space<vmem>>
        %dma_start3A_175 = arith.constant 0 : i32
        %dma_start3A_176 = arith.constant 0 : i32
        %dma_start3A_177 = tpu.memref_slice %arg4[%dma_start3A_175, %dma_start3A_176] : memref<10000x128xf32, #tpu.memory_space<hbm>> -> memref<10000x128xf32, #tpu.memory_space<hbm>>
        tpu.enqueue_indirect_dma source(%dma_start3A_177 : memref<10000x128xf32, #tpu.memory_space<hbm>>) target(%arg13 : memref<128x128xf32, #tpu.memory_space<vmem>>) offsets(%dma_start3A_174 : memref<128xi32, #tpu.memory_space<vmem>>) semaphore(%arg16 : memref<!tpu.dma_semaphore, #tpu.memory_space<semaphore_mem>>)
        %dma_wait3A = arith.constant 0 : i32
        %dma_wait3A_178 = tpu.memref_slice %arg10[%mul3A_169, %dma_wait3A] : memref<32x128xi32, #tpu.memory_space<vmem>> -> memref<1x128xi32, #tpu.memory_space<vmem>>
        %dma_wait3A_179 = tpu.memref_squeeze %dma_wait3A_178 : memref<1x128xi32, #tpu.memory_space<vmem>> -> memref<128xi32, #tpu.memory_space<vmem>>
        %dma_wait3A_180 = arith.constant 0 : i32
        %dma_wait3A_181 = arith.constant 0 : i32
        %dma_wait3A_182 = tpu.memref_slice %arg4[%dma_wait3A_180, %dma_wait3A_181] : memref<10000x128xf32, #tpu.memory_space<hbm>> -> memref<10000x128xf32, #tpu.memory_space<hbm>>
        tpu.wait_indirect_dma semaphore(%arg15 : memref<!tpu.dma_semaphore, #tpu.memory_space<semaphore_mem>>) src(%dma_wait3A_182 : memref<10000x128xf32, #tpu.memory_space<hbm>>) dst(%arg12 : memref<128x128xf32, #tpu.memory_space<vmem>>)
        "tpu.region"() ({
          %run_scoped3A = tpu.sem_alloc : memref<!tpu.dma_semaphore, #tpu.memory_space<semaphore_mem>>
          %dma_start3A_196 = arith.constant 0 : i32
          %dma_start3A_197 = tpu.memref_slice %arg11[%mul3A_169, %dma_start3A_196] : memref<32x128xi32, #tpu.memory_space<vmem>> -> memref<1x128xi32, #tpu.memory_space<vmem>>
          %dma_start3A_198 = tpu.memref_squeeze %dma_start3A_197 : memref<1x128xi32, #tpu.memory_space<vmem>> -> memref<128xi32, #tpu.memory_space<vmem>>
          %dma_start3A_199 = arith.constant 0 : i32
          %dma_start3A_200 = arith.constant 0 : i32
          %dma_start3A_201 = tpu.memref_slice %arg14[%dma_start3A_199, %dma_start3A_200] : memref<10240x128xf32, #tpu.memory_space<vmem_shared>> -> memref<10240x128xf32, #tpu.memory_space<vmem_shared>>
          tpu.enqueue_indirect_dma source(%arg12 : memref<128x128xf32, #tpu.memory_space<vmem>>) target(%dma_start3A_201 : memref<10240x128xf32, #tpu.memory_space<vmem_shared>>) offsets(%dma_start3A_198 : memref<128xi32, #tpu.memory_space<vmem>>) semaphore(%run_scoped3A : memref<!tpu.dma_semaphore, #tpu.memory_space<semaphore_mem>>) {add = true}
          %dma_wait3A_202 = arith.constant 0 : i32
          %dma_wait3A_203 = tpu.memref_slice %arg11[%mul3A_169, %dma_wait3A_202] : memref<32x128xi32, #tpu.memory_space<vmem>> -> memref<1x128xi32, #tpu.memory_space<vmem>>
          %dma_wait3A_204 = tpu.memref_squeeze %dma_wait3A_203 : memref<1x128xi32, #tpu.memory_space<vmem>> -> memref<128xi32, #tpu.memory_space<vmem>>
          %dma_wait3A_205 = arith.constant 0 : i32
          %dma_wait3A_206 = arith.constant 0 : i32
          %dma_wait3A_207 = tpu.memref_slice %arg14[%dma_wait3A_205, %dma_wait3A_206] : memref<10240x128xf32, #tpu.memory_space<vmem_shared>> -> memref<10240x128xf32, #tpu.memory_space<vmem_shared>>
          tpu.wait_indirect_dma semaphore(%run_scoped3A : memref<!tpu.dma_semaphore, #tpu.memory_space<semaphore_mem>>) src(%arg12 : memref<128x128xf32, #tpu.memory_space<vmem>>) dst(%dma_wait3A_207 : memref<10240x128xf32, #tpu.memory_space<vmem_shared>>)
          tpu.yield
        }) : () -> ()
        %add3A_183 = arith.constant 1 : i32
        %add3A_184 = arith.addi %add3A_171, %add3A_183 : i32
        %lt3A = arith.constant 32 : i32
        %lt3A_185 = arith.cmpi slt, %add3A_184, %lt3A : i32
        %convert_element_type3A_186 = arith.extui %lt3A_185 : i1 to i32
        %cond3A_187 = arith.constant 0 : i32
        %cond3A_188 = arith.cmpi ne, %convert_element_type3A_186, %cond3A_187 : i32
        scf.if %cond3A_188 {
          %add3A_196 = arith.constant 1 : i32
          %add3A_197 = arith.addi %add3A_171, %add3A_196 : i32
          %dma_start3A_198 = arith.constant 0 : i32
          %dma_start3A_199 = tpu.memref_slice %arg10[%add3A_197, %dma_start3A_198] : memref<32x128xi32, #tpu.memory_space<vmem>> -> memref<1x128xi32, #tpu.memory_space<vmem>>
          %dma_start3A_200 = tpu.memref_squeeze %dma_start3A_199 : memref<1x128xi32, #tpu.memory_space<vmem>> -> memref<128xi32, #tpu.memory_space<vmem>>
          %dma_start3A_201 = arith.constant 0 : i32
          %dma_start3A_202 = arith.constant 0 : i32
          %dma_start3A_203 = tpu.memref_slice %arg4[%dma_start3A_201, %dma_start3A_202] : memref<10000x128xf32, #tpu.memory_space<hbm>> -> memref<10000x128xf32, #tpu.memory_space<hbm>>
          tpu.enqueue_indirect_dma source(%dma_start3A_203 : memref<10000x128xf32, #tpu.memory_space<hbm>>) target(%arg12 : memref<128x128xf32, #tpu.memory_space<vmem>>) offsets(%dma_start3A_200 : memref<128xi32, #tpu.memory_space<vmem>>) semaphore(%arg15 : memref<!tpu.dma_semaphore, #tpu.memory_space<semaphore_mem>>)
        } else {
        }
        %dma_wait3A_189 = arith.constant 0 : i32
        %dma_wait3A_190 = tpu.memref_slice %arg10[%add3A_171, %dma_wait3A_189] : memref<32x128xi32, #tpu.memory_space<vmem>> -> memref<1x128xi32, #tpu.memory_space<vmem>>
        %dma_wait3A_191 = tpu.memref_squeeze %dma_wait3A_190 : memref<1x128xi32, #tpu.memory_space<vmem>> -> memref<128xi32, #tpu.memory_space<vmem>>
        %dma_wait3A_192 = arith.constant 0 : i32
        %dma_wait3A_193 = arith.constant 0 : i32
        %dma_wait3A_194 = tpu.memref_slice %arg4[%dma_wait3A_192, %dma_wait3A_193] : memref<10000x128xf32, #tpu.memory_space<hbm>> -> memref<10000x128xf32, #tpu.memory_space<hbm>>
        tpu.wait_indirect_dma semaphore(%arg16 : memref<!tpu.dma_semaphore, #tpu.memory_space<semaphore_mem>>) src(%dma_wait3A_194 : memref<10000x128xf32, #tpu.memory_space<hbm>>) dst(%arg13 : memref<128x128xf32, #tpu.memory_space<vmem>>)
        "tpu.region"() ({
          %run_scoped3A = tpu.sem_alloc : memref<!tpu.dma_semaphore, #tpu.memory_space<semaphore_mem>>
          %dma_start3A_196 = arith.constant 0 : i32
          %dma_start3A_197 = tpu.memref_slice %arg11[%add3A_171, %dma_start3A_196] : memref<32x128xi32, #tpu.memory_space<vmem>> -> memref<1x128xi32, #tpu.memory_space<vmem>>
          %dma_start3A_198 = tpu.memref_squeeze %dma_start3A_197 : memref<1x128xi32, #tpu.memory_space<vmem>> -> memref<128xi32, #tpu.memory_space<vmem>>
          %dma_start3A_199 = arith.constant 0 : i32
          %dma_start3A_200 = arith.constant 0 : i32
          %dma_start3A_201 = tpu.memref_slice %arg14[%dma_start3A_199, %dma_start3A_200] : memref<10240x128xf32, #tpu.memory_space<vmem_shared>> -> memref<10240x128xf32, #tpu.memory_space<vmem_shared>>
          tpu.enqueue_indirect_dma source(%arg13 : memref<128x128xf32, #tpu.memory_space<vmem>>) target(%dma_start3A_201 : memref<10240x128xf32, #tpu.memory_space<vmem_shared>>) offsets(%dma_start3A_198 : memref<128xi32, #tpu.memory_space<vmem>>) semaphore(%run_scoped3A : memref<!tpu.dma_semaphore, #tpu.memory_space<semaphore_mem>>) {add = true}
          %dma_wait3A_202 = arith.constant 0 : i32
          %dma_wait3A_203 = tpu.memref_slice %arg11[%add3A_171, %dma_wait3A_202] : memref<32x128xi32, #tpu.memory_space<vmem>> -> memref<1x128xi32, #tpu.memory_space<vmem>>
          %dma_wait3A_204 = tpu.memref_squeeze %dma_wait3A_203 : memref<1x128xi32, #tpu.memory_space<vmem>> -> memref<128xi32, #tpu.memory_space<vmem>>
          %dma_wait3A_205 = arith.constant 0 : i32
          %dma_wait3A_206 = arith.constant 0 : i32
          %dma_wait3A_207 = tpu.memref_slice %arg14[%dma_wait3A_205, %dma_wait3A_206] : memref<10240x128xf32, #tpu.memory_space<vmem_shared>> -> memref<10240x128xf32, #tpu.memory_space<vmem_shared>>
          tpu.wait_indirect_dma semaphore(%run_scoped3A : memref<!tpu.dma_semaphore, #tpu.memory_space<semaphore_mem>>) src(%arg13 : memref<128x128xf32, #tpu.memory_space<vmem>>) dst(%dma_wait3A_207 : memref<10240x128xf32, #tpu.memory_space<vmem_shared>>)
          tpu.yield
        }) : () -> ()
        %scan3A_195 = arith.constant 0 : i32
        scf.yield %scan3A_195 : i32
      }
      %scan3A_165 = arith.constant 16 : i32
    } else {
    }
    %gt3A_38 = arith.constant 1 : i32
    %gt3A_39 = arith.cmpi sgt, %select_n3A_21, %gt3A_38 : i32
    %convert_element_type3A_40 = arith.extui %gt3A_39 : i1 to i32
    %cond3A_41 = arith.constant 0 : i32
    %cond3A_42 = arith.cmpi ne, %convert_element_type3A_40, %cond3A_41 : i32
    scf.if %cond3A_42 {
      %add3A_151 = arith.constant 32 : i32
      %add3A_152 = arith.addi %add3A, %add3A_151 : i32
      "tpu.region"() ({
        %run_scoped3A = tpu.sem_alloc : memref<!tpu.dma_semaphore, #tpu.memory_space<semaphore_mem>>
        %dma_start3A_166 = arith.constant 0 : i32
        %dma_start3A_167 = tpu.memref_slice %arg2[%add3A_152, %dma_start3A_166] : memref<2560x128xi32, #tpu.memory_space<hbm>> -> memref<32x128xi32, #tpu.memory_space<hbm>>
        %dma_start3A_168 = arith.constant 0 : i32
        %dma_start3A_169 = tpu.memref_slice %arg2[%add3A_152, %dma_start3A_168] : memref<2560x128xi32, #tpu.memory_space<hbm>> -> memref<32x128xi32, #tpu.memory_space<hbm>>
        tpu.enqueue_dma source(%dma_start3A_169 : memref<32x128xi32, #tpu.memory_space<hbm>>) target(%arg10 : memref<32x128xi32, #tpu.memory_space<vmem>>) target_semaphore(%run_scoped3A : memref<!tpu.dma_semaphore, #tpu.memory_space<semaphore_mem>>)
        %dma_wait3A = arith.constant 0 : i32
        %dma_wait3A_170 = tpu.memref_slice %arg2[%add3A_152, %dma_wait3A] : memref<2560x128xi32, #tpu.memory_space<hbm>> -> memref<32x128xi32, #tpu.memory_space<hbm>>
        %dma_wait3A_171 = arith.constant 0 : i32
        %dma_wait3A_172 = tpu.memref_slice %arg2[%add3A_152, %dma_wait3A_171] : memref<2560x128xi32, #tpu.memory_space<hbm>> -> memref<32x128xi32, #tpu.memory_space<hbm>>
        tpu.wait_dma2 semaphore(%run_scoped3A : memref<!tpu.dma_semaphore, #tpu.memory_space<semaphore_mem>>) src(%dma_wait3A_172 : memref<32x128xi32, #tpu.memory_space<hbm>>) dst(%arg10 : memref<32x128xi32, #tpu.memory_space<vmem>>)
        tpu.yield
      }) : () -> ()
      "tpu.region"() ({
        %run_scoped3A = tpu.sem_alloc : memref<!tpu.dma_semaphore, #tpu.memory_space<semaphore_mem>>
        %dma_start3A_166 = arith.constant 0 : i32
        %dma_start3A_167 = tpu.memref_slice %arg3[%add3A_152, %dma_start3A_166] : memref<2560x128xi32, #tpu.memory_space<hbm>> -> memref<32x128xi32, #tpu.memory_space<hbm>>
        %dma_start3A_168 = arith.constant 0 : i32
        %dma_start3A_169 = tpu.memref_slice %arg3[%add3A_152, %dma_start3A_168] : memref<2560x128xi32, #tpu.memory_space<hbm>> -> memref<32x128xi32, #tpu.memory_space<hbm>>
        tpu.enqueue_dma source(%dma_start3A_169 : memref<32x128xi32, #tpu.memory_space<hbm>>) target(%arg11 : memref<32x128xi32, #tpu.memory_space<vmem>>) target_semaphore(%run_scoped3A : memref<!tpu.dma_semaphore, #tpu.memory_space<semaphore_mem>>)
        %dma_wait3A = arith.constant 0 : i32
        %dma_wait3A_170 = tpu.memref_slice %arg3[%add3A_152, %dma_wait3A] : memref<2560x128xi32, #tpu.memory_space<hbm>> -> memref<32x128xi32, #tpu.memory_space<hbm>>
        %dma_wait3A_171 = arith.constant 0 : i32
        %dma_wait3A_172 = tpu.memref_slice %arg3[%add3A_152, %dma_wait3A_171] : memref<2560x128xi32, #tpu.memory_space<hbm>> -> memref<32x128xi32, #tpu.memory_space<hbm>>
        tpu.wait_dma2 semaphore(%run_scoped3A : memref<!tpu.dma_semaphore, #tpu.memory_space<semaphore_mem>>) src(%dma_wait3A_172 : memref<32x128xi32, #tpu.memory_space<hbm>>) dst(%arg11 : memref<32x128xi32, #tpu.memory_space<vmem>>)
        tpu.yield
      }) : () -> ()
      %dma_start3A = arith.constant 0 : i32
      %dma_start3A_153 = arith.constant 0 : i32
      %dma_start3A_154 = tpu.memref_slice %arg10[%dma_start3A, %dma_start3A_153] : memref<32x128xi32, #tpu.memory_space<vmem>> -> memref<1x128xi32, #tpu.memory_space<vmem>>
      %dma_start3A_155 = tpu.memref_squeeze %dma_start3A_154 : memref<1x128xi32, #tpu.memory_space<vmem>> -> memref<128xi32, #tpu.memory_space<vmem>>
      %dma_start3A_156 = arith.constant 0 : i32
      %dma_start3A_157 = arith.constant 0 : i32
      %dma_start3A_158 = tpu.memref_slice %arg4[%dma_start3A_156, %dma_start3A_157] : memref<10000x128xf32, #tpu.memory_space<hbm>> -> memref<10000x128xf32, #tpu.memory_space<hbm>>
      tpu.enqueue_indirect_dma source(%dma_start3A_158 : memref<10000x128xf32, #tpu.memory_space<hbm>>) target(%arg12 : memref<128x128xf32, #tpu.memory_space<vmem>>) offsets(%dma_start3A_155 : memref<128xi32, #tpu.memory_space<vmem>>) semaphore(%arg15 : memref<!tpu.dma_semaphore, #tpu.memory_space<semaphore_mem>>)
      %scan3A_159 = arith.constant 0 : i32
      %scan3A_160 = arith.constant 0 : i32
      %scan3A_161 = arith.constant 16 : i32
      %scan3A_162 = arith.addi %scan3A_160, %scan3A_161 : i32
      %scan3A_163 = arith.constant 1 : i32
      %scan3A_164 = scf.for %scan3A_166 = %scan3A_160 to %scan3A_162 step %scan3A_163 iter_args(%scan3A_167 = %scan3A_159) -> (i32)  : i32 {
        %mul3A_168 = arith.constant 2 : i32
        %mul3A_169 = arith.muli %mul3A_168, %scan3A_166 : i32
        %add3A_170 = arith.constant 1 : i32
        %add3A_171 = arith.addi %mul3A_169, %add3A_170 : i32
        %dma_start3A_172 = arith.constant 0 : i32
        %dma_start3A_173 = tpu.memref_slice %arg10[%add3A_171, %dma_start3A_172] : memref<32x128xi32, #tpu.memory_space<vmem>> -> memref<1x128xi32, #tpu.memory_space<vmem>>
        %dma_start3A_174 = tpu.memref_squeeze %dma_start3A_173 : memref<1x128xi32, #tpu.memory_space<vmem>> -> memref<128xi32, #tpu.memory_space<vmem>>
        %dma_start3A_175 = arith.constant 0 : i32
        %dma_start3A_176 = arith.constant 0 : i32
        %dma_start3A_177 = tpu.memref_slice %arg4[%dma_start3A_175, %dma_start3A_176] : memref<10000x128xf32, #tpu.memory_space<hbm>> -> memref<10000x128xf32, #tpu.memory_space<hbm>>
        tpu.enqueue_indirect_dma source(%dma_start3A_177 : memref<10000x128xf32, #tpu.memory_space<hbm>>) target(%arg13 : memref<128x128xf32, #tpu.memory_space<vmem>>) offsets(%dma_start3A_174 : memref<128xi32, #tpu.memory_space<vmem>>) semaphore(%arg16 : memref<!tpu.dma_semaphore, #tpu.memory_space<semaphore_mem>>)
        %dma_wait3A = arith.constant 0 : i32
        %dma_wait3A_178 = tpu.memref_slice %arg10[%mul3A_169, %dma_wait3A] : memref<32x128xi32, #tpu.memory_space<vmem>> -> memref<1x128xi32, #tpu.memory_space<vmem>>
        %dma_wait3A_179 = tpu.memref_squeeze %dma_wait3A_178 : memref<1x128xi32, #tpu.memory_space<vmem>> -> memref<128xi32, #tpu.memory_space<vmem>>
        %dma_wait3A_180 = arith.constant 0 : i32
        %dma_wait3A_181 = arith.constant 0 : i32
        %dma_wait3A_182 = tpu.memref_slice %arg4[%dma_wait3A_180, %dma_wait3A_181] : memref<10000x128xf32, #tpu.memory_space<hbm>> -> memref<10000x128xf32, #tpu.memory_space<hbm>>
        tpu.wait_indirect_dma semaphore(%arg15 : memref<!tpu.dma_semaphore, #tpu.memory_space<semaphore_mem>>) src(%dma_wait3A_182 : memref<10000x128xf32, #tpu.memory_space<hbm>>) dst(%arg12 : memref<128x128xf32, #tpu.memory_space<vmem>>)
        "tpu.region"() ({
          %run_scoped3A = tpu.sem_alloc : memref<!tpu.dma_semaphore, #tpu.memory_space<semaphore_mem>>
          %dma_start3A_196 = arith.constant 0 : i32
          %dma_start3A_197 = tpu.memref_slice %arg11[%mul3A_169, %dma_start3A_196] : memref<32x128xi32, #tpu.memory_space<vmem>> -> memref<1x128xi32, #tpu.memory_space<vmem>>
          %dma_start3A_198 = tpu.memref_squeeze %dma_start3A_197 : memref<1x128xi32, #tpu.memory_space<vmem>> -> memref<128xi32, #tpu.memory_space<vmem>>
          %dma_start3A_199 = arith.constant 0 : i32
          %dma_start3A_200 = arith.constant 0 : i32
          %dma_start3A_201 = tpu.memref_slice %arg14[%dma_start3A_199, %dma_start3A_200] : memref<10240x128xf32, #tpu.memory_space<vmem_shared>> -> memref<10240x128xf32, #tpu.memory_space<vmem_shared>>
          tpu.enqueue_indirect_dma source(%arg12 : memref<128x128xf32, #tpu.memory_space<vmem>>) target(%dma_start3A_201 : memref<10240x128xf32, #tpu.memory_space<vmem_shared>>) offsets(%dma_start3A_198 : memref<128xi32, #tpu.memory_space<vmem>>) semaphore(%run_scoped3A : memref<!tpu.dma_semaphore, #tpu.memory_space<semaphore_mem>>) {add = true}
          %dma_wait3A_202 = arith.constant 0 : i32
          %dma_wait3A_203 = tpu.memref_slice %arg11[%mul3A_169, %dma_wait3A_202] : memref<32x128xi32, #tpu.memory_space<vmem>> -> memref<1x128xi32, #tpu.memory_space<vmem>>
          %dma_wait3A_204 = tpu.memref_squeeze %dma_wait3A_203 : memref<1x128xi32, #tpu.memory_space<vmem>> -> memref<128xi32, #tpu.memory_space<vmem>>
          %dma_wait3A_205 = arith.constant 0 : i32
          %dma_wait3A_206 = arith.constant 0 : i32
          %dma_wait3A_207 = tpu.memref_slice %arg14[%dma_wait3A_205, %dma_wait3A_206] : memref<10240x128xf32, #tpu.memory_space<vmem_shared>> -> memref<10240x128xf32, #tpu.memory_space<vmem_shared>>
          tpu.wait_indirect_dma semaphore(%run_scoped3A : memref<!tpu.dma_semaphore, #tpu.memory_space<semaphore_mem>>) src(%arg12 : memref<128x128xf32, #tpu.memory_space<vmem>>) dst(%dma_wait3A_207 : memref<10240x128xf32, #tpu.memory_space<vmem_shared>>)
          tpu.yield
        }) : () -> ()
        %add3A_183 = arith.constant 1 : i32
        %add3A_184 = arith.addi %add3A_171, %add3A_183 : i32
        %lt3A = arith.constant 32 : i32
        %lt3A_185 = arith.cmpi slt, %add3A_184, %lt3A : i32
        %convert_element_type3A_186 = arith.extui %lt3A_185 : i1 to i32
        %cond3A_187 = arith.constant 0 : i32
        %cond3A_188 = arith.cmpi ne, %convert_element_type3A_186, %cond3A_187 : i32
        scf.if %cond3A_188 {
          %add3A_196 = arith.constant 1 : i32
          %add3A_197 = arith.addi %add3A_171, %add3A_196 : i32
          %dma_start3A_198 = arith.constant 0 : i32
          %dma_start3A_199 = tpu.memref_slice %arg10[%add3A_197, %dma_start3A_198] : memref<32x128xi32, #tpu.memory_space<vmem>> -> memref<1x128xi32, #tpu.memory_space<vmem>>
          %dma_start3A_200 = tpu.memref_squeeze %dma_start3A_199 : memref<1x128xi32, #tpu.memory_space<vmem>> -> memref<128xi32, #tpu.memory_space<vmem>>
          %dma_start3A_201 = arith.constant 0 : i32
          %dma_start3A_202 = arith.constant 0 : i32
          %dma_start3A_203 = tpu.memref_slice %arg4[%dma_start3A_201, %dma_start3A_202] : memref<10000x128xf32, #tpu.memory_space<hbm>> -> memref<10000x128xf32, #tpu.memory_space<hbm>>
          tpu.enqueue_indirect_dma source(%dma_start3A_203 : memref<10000x128xf32, #tpu.memory_space<hbm>>) target(%arg12 : memref<128x128xf32, #tpu.memory_space<vmem>>) offsets(%dma_start3A_200 : memref<128xi32, #tpu.memory_space<vmem>>) semaphore(%arg15 : memref<!tpu.dma_semaphore, #tpu.memory_space<semaphore_mem>>)
        } else {
        }
        %dma_wait3A_189 = arith.constant 0 : i32
        %dma_wait3A_190 = tpu.memref_slice %arg10[%add3A_171, %dma_wait3A_189] : memref<32x128xi32, #tpu.memory_space<vmem>> -> memref<1x128xi32, #tpu.memory_space<vmem>>
        %dma_wait3A_191 = tpu.memref_squeeze %dma_wait3A_190 : memref<1x128xi32, #tpu.memory_space<vmem>> -> memref<128xi32, #tpu.memory_space<vmem>>
        %dma_wait3A_192 = arith.constant 0 : i32
        %dma_wait3A_193 = arith.constant 0 : i32
        %dma_wait3A_194 = tpu.memref_slice %arg4[%dma_wait3A_192, %dma_wait3A_193] : memref<10000x128xf32, #tpu.memory_space<hbm>> -> memref<10000x128xf32, #tpu.memory_space<hbm>>
        tpu.wait_indirect_dma semaphore(%arg16 : memref<!tpu.dma_semaphore, #tpu.memory_space<semaphore_mem>>) src(%dma_wait3A_194 : memref<10000x128xf32, #tpu.memory_space<hbm>>) dst(%arg13 : memref<128x128xf32, #tpu.memory_space<vmem>>)
        "tpu.region"() ({
          %run_scoped3A = tpu.sem_alloc : memref<!tpu.dma_semaphore, #tpu.memory_space<semaphore_mem>>
          %dma_start3A_196 = arith.constant 0 : i32
          %dma_start3A_197 = tpu.memref_slice %arg11[%add3A_171, %dma_start3A_196] : memref<32x128xi32, #tpu.memory_space<vmem>> -> memref<1x128xi32, #tpu.memory_space<vmem>>
          %dma_start3A_198 = tpu.memref_squeeze %dma_start3A_197 : memref<1x128xi32, #tpu.memory_space<vmem>> -> memref<128xi32, #tpu.memory_space<vmem>>
          %dma_start3A_199 = arith.constant 0 : i32
          %dma_start3A_200 = arith.constant 0 : i32
          %dma_start3A_201 = tpu.memref_slice %arg14[%dma_start3A_199, %dma_start3A_200] : memref<10240x128xf32, #tpu.memory_space<vmem_shared>> -> memref<10240x128xf32, #tpu.memory_space<vmem_shared>>
          tpu.enqueue_indirect_dma source(%arg13 : memref<128x128xf32, #tpu.memory_space<vmem>>) target(%dma_start3A_201 : memref<10240x128xf32, #tpu.memory_space<vmem_shared>>) offsets(%dma_start3A_198 : memref<128xi32, #tpu.memory_space<vmem>>) semaphore(%run_scoped3A : memref<!tpu.dma_semaphore, #tpu.memory_space<semaphore_mem>>) {add = true}
          %dma_wait3A_202 = arith.constant 0 : i32
          %dma_wait3A_203 = tpu.memref_slice %arg11[%add3A_171, %dma_wait3A_202] : memref<32x128xi32, #tpu.memory_space<vmem>> -> memref<1x128xi32, #tpu.memory_space<vmem>>
          %dma_wait3A_204 = tpu.memref_squeeze %dma_wait3A_203 : memref<1x128xi32, #tpu.memory_space<vmem>> -> memref<128xi32, #tpu.memory_space<vmem>>
          %dma_wait3A_205 = arith.constant 0 : i32
          %dma_wait3A_206 = arith.constant 0 : i32
          %dma_wait3A_207 = tpu.memref_slice %arg14[%dma_wait3A_205, %dma_wait3A_206] : memref<10240x128xf32, #tpu.memory_space<vmem_shared>> -> memref<10240x128xf32, #tpu.memory_space<vmem_shared>>
          tpu.wait_indirect_dma semaphore(%run_scoped3A : memref<!tpu.dma_semaphore, #tpu.memory_space<semaphore_mem>>) src(%arg13 : memref<128x128xf32, #tpu.memory_space<vmem>>) dst(%dma_wait3A_207 : memref<10240x128xf32, #tpu.memory_space<vmem_shared>>)
          tpu.yield
        }) : () -> ()
        %scan3A_195 = arith.constant 0 : i32
        scf.yield %scan3A_195 : i32
      }
      %scan3A_165 = arith.constant 16 : i32
    } else {
    }
    %gt3A_43 = arith.constant 2 : i32
    %gt3A_44 = arith.cmpi sgt, %select_n3A_21, %gt3A_43 : i32
    %convert_element_type3A_45 = arith.extui %gt3A_44 : i1 to i32
    %cond3A_46 = arith.constant 0 : i32
    %cond3A_47 = arith.cmpi ne, %convert_element_type3A_45, %cond3A_46 : i32
    scf.if %cond3A_47 {
      %add3A_151 = arith.constant 64 : i32
      %add3A_152 = arith.addi %add3A, %add3A_151 : i32
      "tpu.region"() ({
        %run_scoped3A = tpu.sem_alloc : memref<!tpu.dma_semaphore, #tpu.memory_space<semaphore_mem>>
        %dma_start3A_166 = arith.constant 0 : i32
        %dma_start3A_167 = tpu.memref_slice %arg2[%add3A_152, %dma_start3A_166] : memref<2560x128xi32, #tpu.memory_space<hbm>> -> memref<32x128xi32, #tpu.memory_space<hbm>>
        %dma_start3A_168 = arith.constant 0 : i32
        %dma_start3A_169 = tpu.memref_slice %arg2[%add3A_152, %dma_start3A_168] : memref<2560x128xi32, #tpu.memory_space<hbm>> -> memref<32x128xi32, #tpu.memory_space<hbm>>
        tpu.enqueue_dma source(%dma_start3A_169 : memref<32x128xi32, #tpu.memory_space<hbm>>) target(%arg10 : memref<32x128xi32, #tpu.memory_space<vmem>>) target_semaphore(%run_scoped3A : memref<!tpu.dma_semaphore, #tpu.memory_space<semaphore_mem>>)
        %dma_wait3A = arith.constant 0 : i32
        %dma_wait3A_170 = tpu.memref_slice %arg2[%add3A_152, %dma_wait3A] : memref<2560x128xi32, #tpu.memory_space<hbm>> -> memref<32x128xi32, #tpu.memory_space<hbm>>
        %dma_wait3A_171 = arith.constant 0 : i32
        %dma_wait3A_172 = tpu.memref_slice %arg2[%add3A_152, %dma_wait3A_171] : memref<2560x128xi32, #tpu.memory_space<hbm>> -> memref<32x128xi32, #tpu.memory_space<hbm>>
        tpu.wait_dma2 semaphore(%run_scoped3A : memref<!tpu.dma_semaphore, #tpu.memory_space<semaphore_mem>>) src(%dma_wait3A_172 : memref<32x128xi32, #tpu.memory_space<hbm>>) dst(%arg10 : memref<32x128xi32, #tpu.memory_space<vmem>>)
        tpu.yield
      }) : () -> ()
      "tpu.region"() ({
        %run_scoped3A = tpu.sem_alloc : memref<!tpu.dma_semaphore, #tpu.memory_space<semaphore_mem>>
        %dma_start3A_166 = arith.constant 0 : i32
        %dma_start3A_167 = tpu.memref_slice %arg3[%add3A_152, %dma_start3A_166] : memref<2560x128xi32, #tpu.memory_space<hbm>> -> memref<32x128xi32, #tpu.memory_space<hbm>>
        %dma_start3A_168 = arith.constant 0 : i32
        %dma_start3A_169 = tpu.memref_slice %arg3[%add3A_152, %dma_start3A_168] : memref<2560x128xi32, #tpu.memory_space<hbm>> -> memref<32x128xi32, #tpu.memory_space<hbm>>
        tpu.enqueue_dma source(%dma_start3A_169 : memref<32x128xi32, #tpu.memory_space<hbm>>) target(%arg11 : memref<32x128xi32, #tpu.memory_space<vmem>>) target_semaphore(%run_scoped3A : memref<!tpu.dma_semaphore, #tpu.memory_space<semaphore_mem>>)
        %dma_wait3A = arith.constant 0 : i32
        %dma_wait3A_170 = tpu.memref_slice %arg3[%add3A_152, %dma_wait3A] : memref<2560x128xi32, #tpu.memory_space<hbm>> -> memref<32x128xi32, #tpu.memory_space<hbm>>
        %dma_wait3A_171 = arith.constant 0 : i32
        %dma_wait3A_172 = tpu.memref_slice %arg3[%add3A_152, %dma_wait3A_171] : memref<2560x128xi32, #tpu.memory_space<hbm>> -> memref<32x128xi32, #tpu.memory_space<hbm>>
        tpu.wait_dma2 semaphore(%run_scoped3A : memref<!tpu.dma_semaphore, #tpu.memory_space<semaphore_mem>>) src(%dma_wait3A_172 : memref<32x128xi32, #tpu.memory_space<hbm>>) dst(%arg11 : memref<32x128xi32, #tpu.memory_space<vmem>>)
        tpu.yield
      }) : () -> ()
      %dma_start3A = arith.constant 0 : i32
      %dma_start3A_153 = arith.constant 0 : i32
      %dma_start3A_154 = tpu.memref_slice %arg10[%dma_start3A, %dma_start3A_153] : memref<32x128xi32, #tpu.memory_space<vmem>> -> memref<1x128xi32, #tpu.memory_space<vmem>>
      %dma_start3A_155 = tpu.memref_squeeze %dma_start3A_154 : memref<1x128xi32, #tpu.memory_space<vmem>> -> memref<128xi32, #tpu.memory_space<vmem>>
      %dma_start3A_156 = arith.constant 0 : i32
      %dma_start3A_157 = arith.constant 0 : i32
      %dma_start3A_158 = tpu.memref_slice %arg4[%dma_start3A_156, %dma_start3A_157] : memref<10000x128xf32, #tpu.memory_space<hbm>> -> memref<10000x128xf32, #tpu.memory_space<hbm>>
      tpu.enqueue_indirect_dma source(%dma_start3A_158 : memref<10000x128xf32, #tpu.memory_space<hbm>>) target(%arg12 : memref<128x128xf32, #tpu.memory_space<vmem>>) offsets(%dma_start3A_155 : memref<128xi32, #tpu.memory_space<vmem>>) semaphore(%arg15 : memref<!tpu.dma_semaphore, #tpu.memory_space<semaphore_mem>>)
      %scan3A_159 = arith.constant 0 : i32
      %scan3A_160 = arith.constant 0 : i32
      %scan3A_161 = arith.constant 16 : i32
      %scan3A_162 = arith.addi %scan3A_160, %scan3A_161 : i32
      %scan3A_163 = arith.constant 1 : i32
      %scan3A_164 = scf.for %scan3A_166 = %scan3A_160 to %scan3A_162 step %scan3A_163 iter_args(%scan3A_167 = %scan3A_159) -> (i32)  : i32 {
        %mul3A_168 = arith.constant 2 : i32
        %mul3A_169 = arith.muli %mul3A_168, %scan3A_166 : i32
        %add3A_170 = arith.constant 1 : i32
        %add3A_171 = arith.addi %mul3A_169, %add3A_170 : i32
        %dma_start3A_172 = arith.constant 0 : i32
        %dma_start3A_173 = tpu.memref_slice %arg10[%add3A_171, %dma_start3A_172] : memref<32x128xi32, #tpu.memory_space<vmem>> -> memref<1x128xi32, #tpu.memory_space<vmem>>
        %dma_start3A_174 = tpu.memref_squeeze %dma_start3A_173 : memref<1x128xi32, #tpu.memory_space<vmem>> -> memref<128xi32, #tpu.memory_space<vmem>>
        %dma_start3A_175 = arith.constant 0 : i32
        %dma_start3A_176 = arith.constant 0 : i32
        %dma_start3A_177 = tpu.memref_slice %arg4[%dma_start3A_175, %dma_start3A_176] : memref<10000x128xf32, #tpu.memory_space<hbm>> -> memref<10000x128xf32, #tpu.memory_space<hbm>>
        tpu.enqueue_indirect_dma source(%dma_start3A_177 : memref<10000x128xf32, #tpu.memory_space<hbm>>) target(%arg13 : memref<128x128xf32, #tpu.memory_space<vmem>>) offsets(%dma_start3A_174 : memref<128xi32, #tpu.memory_space<vmem>>) semaphore(%arg16 : memref<!tpu.dma_semaphore, #tpu.memory_space<semaphore_mem>>)
        %dma_wait3A = arith.constant 0 : i32
        %dma_wait3A_178 = tpu.memref_slice %arg10[%mul3A_169, %dma_wait3A] : memref<32x128xi32, #tpu.memory_space<vmem>> -> memref<1x128xi32, #tpu.memory_space<vmem>>
        %dma_wait3A_179 = tpu.memref_squeeze %dma_wait3A_178 : memref<1x128xi32, #tpu.memory_space<vmem>> -> memref<128xi32, #tpu.memory_space<vmem>>
        %dma_wait3A_180 = arith.constant 0 : i32
        %dma_wait3A_181 = arith.constant 0 : i32
        %dma_wait3A_182 = tpu.memref_slice %arg4[%dma_wait3A_180, %dma_wait3A_181] : memref<10000x128xf32, #tpu.memory_space<hbm>> -> memref<10000x128xf32, #tpu.memory_space<hbm>>
        tpu.wait_indirect_dma semaphore(%arg15 : memref<!tpu.dma_semaphore, #tpu.memory_space<semaphore_mem>>) src(%dma_wait3A_182 : memref<10000x128xf32, #tpu.memory_space<hbm>>) dst(%arg12 : memref<128x128xf32, #tpu.memory_space<vmem>>)
        "tpu.region"() ({
          %run_scoped3A = tpu.sem_alloc : memref<!tpu.dma_semaphore, #tpu.memory_space<semaphore_mem>>
          %dma_start3A_196 = arith.constant 0 : i32
          %dma_start3A_197 = tpu.memref_slice %arg11[%mul3A_169, %dma_start3A_196] : memref<32x128xi32, #tpu.memory_space<vmem>> -> memref<1x128xi32, #tpu.memory_space<vmem>>
          %dma_start3A_198 = tpu.memref_squeeze %dma_start3A_197 : memref<1x128xi32, #tpu.memory_space<vmem>> -> memref<128xi32, #tpu.memory_space<vmem>>
          %dma_start3A_199 = arith.constant 0 : i32
          %dma_start3A_200 = arith.constant 0 : i32
          %dma_start3A_201 = tpu.memref_slice %arg14[%dma_start3A_199, %dma_start3A_200] : memref<10240x128xf32, #tpu.memory_space<vmem_shared>> -> memref<10240x128xf32, #tpu.memory_space<vmem_shared>>
          tpu.enqueue_indirect_dma source(%arg12 : memref<128x128xf32, #tpu.memory_space<vmem>>) target(%dma_start3A_201 : memref<10240x128xf32, #tpu.memory_space<vmem_shared>>) offsets(%dma_start3A_198 : memref<128xi32, #tpu.memory_space<vmem>>) semaphore(%run_scoped3A : memref<!tpu.dma_semaphore, #tpu.memory_space<semaphore_mem>>) {add = true}
          %dma_wait3A_202 = arith.constant 0 : i32
          %dma_wait3A_203 = tpu.memref_slice %arg11[%mul3A_169, %dma_wait3A_202] : memref<32x128xi32, #tpu.memory_space<vmem>> -> memref<1x128xi32, #tpu.memory_space<vmem>>
          %dma_wait3A_204 = tpu.memref_squeeze %dma_wait3A_203 : memref<1x128xi32, #tpu.memory_space<vmem>> -> memref<128xi32, #tpu.memory_space<vmem>>
          %dma_wait3A_205 = arith.constant 0 : i32
          %dma_wait3A_206 = arith.constant 0 : i32
          %dma_wait3A_207 = tpu.memref_slice %arg14[%dma_wait3A_205, %dma_wait3A_206] : memref<10240x128xf32, #tpu.memory_space<vmem_shared>> -> memref<10240x128xf32, #tpu.memory_space<vmem_shared>>
          tpu.wait_indirect_dma semaphore(%run_scoped3A : memref<!tpu.dma_semaphore, #tpu.memory_space<semaphore_mem>>) src(%arg12 : memref<128x128xf32, #tpu.memory_space<vmem>>) dst(%dma_wait3A_207 : memref<10240x128xf32, #tpu.memory_space<vmem_shared>>)
          tpu.yield
        }) : () -> ()
        %add3A_183 = arith.constant 1 : i32
        %add3A_184 = arith.addi %add3A_171, %add3A_183 : i32
        %lt3A = arith.constant 32 : i32
        %lt3A_185 = arith.cmpi slt, %add3A_184, %lt3A : i32
        %convert_element_type3A_186 = arith.extui %lt3A_185 : i1 to i32
        %cond3A_187 = arith.constant 0 : i32
        %cond3A_188 = arith.cmpi ne, %convert_element_type3A_186, %cond3A_187 : i32
        scf.if %cond3A_188 {
          %add3A_196 = arith.constant 1 : i32
          %add3A_197 = arith.addi %add3A_171, %add3A_196 : i32
          %dma_start3A_198 = arith.constant 0 : i32
          %dma_start3A_199 = tpu.memref_slice %arg10[%add3A_197, %dma_start3A_198] : memref<32x128xi32, #tpu.memory_space<vmem>> -> memref<1x128xi32, #tpu.memory_space<vmem>>
          %dma_start3A_200 = tpu.memref_squeeze %dma_start3A_199 : memref<1x128xi32, #tpu.memory_space<vmem>> -> memref<128xi32, #tpu.memory_space<vmem>>
          %dma_start3A_201 = arith.constant 0 : i32
          %dma_start3A_202 = arith.constant 0 : i32
          %dma_start3A_203 = tpu.memref_slice %arg4[%dma_start3A_201, %dma_start3A_202] : memref<10000x128xf32, #tpu.memory_space<hbm>> -> memref<10000x128xf32, #tpu.memory_space<hbm>>
          tpu.enqueue_indirect_dma source(%dma_start3A_203 : memref<10000x128xf32, #tpu.memory_space<hbm>>) target(%arg12 : memref<128x128xf32, #tpu.memory_space<vmem>>) offsets(%dma_start3A_200 : memref<128xi32, #tpu.memory_space<vmem>>) semaphore(%arg15 : memref<!tpu.dma_semaphore, #tpu.memory_space<semaphore_mem>>)
        } else {
        }
        %dma_wait3A_189 = arith.constant 0 : i32
        %dma_wait3A_190 = tpu.memref_slice %arg10[%add3A_171, %dma_wait3A_189] : memref<32x128xi32, #tpu.memory_space<vmem>> -> memref<1x128xi32, #tpu.memory_space<vmem>>
        %dma_wait3A_191 = tpu.memref_squeeze %dma_wait3A_190 : memref<1x128xi32, #tpu.memory_space<vmem>> -> memref<128xi32, #tpu.memory_space<vmem>>
        %dma_wait3A_192 = arith.constant 0 : i32
        %dma_wait3A_193 = arith.constant 0 : i32
        %dma_wait3A_194 = tpu.memref_slice %arg4[%dma_wait3A_192, %dma_wait3A_193] : memref<10000x128xf32, #tpu.memory_space<hbm>> -> memref<10000x128xf32, #tpu.memory_space<hbm>>
        tpu.wait_indirect_dma semaphore(%arg16 : memref<!tpu.dma_semaphore, #tpu.memory_space<semaphore_mem>>) src(%dma_wait3A_194 : memref<10000x128xf32, #tpu.memory_space<hbm>>) dst(%arg13 : memref<128x128xf32, #tpu.memory_space<vmem>>)
        "tpu.region"() ({
          %run_scoped3A = tpu.sem_alloc : memref<!tpu.dma_semaphore, #tpu.memory_space<semaphore_mem>>
          %dma_start3A_196 = arith.constant 0 : i32
          %dma_start3A_197 = tpu.memref_slice %arg11[%add3A_171, %dma_start3A_196] : memref<32x128xi32, #tpu.memory_space<vmem>> -> memref<1x128xi32, #tpu.memory_space<vmem>>
          %dma_start3A_198 = tpu.memref_squeeze %dma_start3A_197 : memref<1x128xi32, #tpu.memory_space<vmem>> -> memref<128xi32, #tpu.memory_space<vmem>>
          %dma_start3A_199 = arith.constant 0 : i32
          %dma_start3A_200 = arith.constant 0 : i32
          %dma_start3A_201 = tpu.memref_slice %arg14[%dma_start3A_199, %dma_start3A_200] : memref<10240x128xf32, #tpu.memory_space<vmem_shared>> -> memref<10240x128xf32, #tpu.memory_space<vmem_shared>>
          tpu.enqueue_indirect_dma source(%arg13 : memref<128x128xf32, #tpu.memory_space<vmem>>) target(%dma_start3A_201 : memref<10240x128xf32, #tpu.memory_space<vmem_shared>>) offsets(%dma_start3A_198 : memref<128xi32, #tpu.memory_space<vmem>>) semaphore(%run_scoped3A : memref<!tpu.dma_semaphore, #tpu.memory_space<semaphore_mem>>) {add = true}
          %dma_wait3A_202 = arith.constant 0 : i32
          %dma_wait3A_203 = tpu.memref_slice %arg11[%add3A_171, %dma_wait3A_202] : memref<32x128xi32, #tpu.memory_space<vmem>> -> memref<1x128xi32, #tpu.memory_space<vmem>>
          %dma_wait3A_204 = tpu.memref_squeeze %dma_wait3A_203 : memref<1x128xi32, #tpu.memory_space<vmem>> -> memref<128xi32, #tpu.memory_space<vmem>>
          %dma_wait3A_205 = arith.constant 0 : i32
          %dma_wait3A_206 = arith.constant 0 : i32
          %dma_wait3A_207 = tpu.memref_slice %arg14[%dma_wait3A_205, %dma_wait3A_206] : memref<10240x128xf32, #tpu.memory_space<vmem_shared>> -> memref<10240x128xf32, #tpu.memory_space<vmem_shared>>
          tpu.wait_indirect_dma semaphore(%run_scoped3A : memref<!tpu.dma_semaphore, #tpu.memory_space<semaphore_mem>>) src(%arg13 : memref<128x128xf32, #tpu.memory_space<vmem>>) dst(%dma_wait3A_207 : memref<10240x128xf32, #tpu.memory_space<vmem_shared>>)
          tpu.yield
        }) : () -> ()
        %scan3A_195 = arith.constant 0 : i32
        scf.yield %scan3A_195 : i32
      }
      %scan3A_165 = arith.constant 16 : i32
    } else {
    }
    %gt3A_48 = arith.constant 3 : i32
    %gt3A_49 = arith.cmpi sgt, %select_n3A_21, %gt3A_48 : i32
    %convert_element_type3A_50 = arith.extui %gt3A_49 : i1 to i32
    %cond3A_51 = arith.constant 0 : i32
    %cond3A_52 = arith.cmpi ne, %convert_element_type3A_50, %cond3A_51 : i32
    scf.if %cond3A_52 {
      %add3A_151 = arith.constant 96 : i32
      %add3A_152 = arith.addi %add3A, %add3A_151 : i32
      "tpu.region"() ({
        %run_scoped3A = tpu.sem_alloc : memref<!tpu.dma_semaphore, #tpu.memory_space<semaphore_mem>>
        %dma_start3A_166 = arith.constant 0 : i32
        %dma_start3A_167 = tpu.memref_slice %arg2[%add3A_152, %dma_start3A_166] : memref<2560x128xi32, #tpu.memory_space<hbm>> -> memref<32x128xi32, #tpu.memory_space<hbm>>
        %dma_start3A_168 = arith.constant 0 : i32
        %dma_start3A_169 = tpu.memref_slice %arg2[%add3A_152, %dma_start3A_168] : memref<2560x128xi32, #tpu.memory_space<hbm>> -> memref<32x128xi32, #tpu.memory_space<hbm>>
        tpu.enqueue_dma source(%dma_start3A_169 : memref<32x128xi32, #tpu.memory_space<hbm>>) target(%arg10 : memref<32x128xi32, #tpu.memory_space<vmem>>) target_semaphore(%run_scoped3A : memref<!tpu.dma_semaphore, #tpu.memory_space<semaphore_mem>>)
        %dma_wait3A = arith.constant 0 : i32
        %dma_wait3A_170 = tpu.memref_slice %arg2[%add3A_152, %dma_wait3A] : memref<2560x128xi32, #tpu.memory_space<hbm>> -> memref<32x128xi32, #tpu.memory_space<hbm>>
        %dma_wait3A_171 = arith.constant 0 : i32
        %dma_wait3A_172 = tpu.memref_slice %arg2[%add3A_152, %dma_wait3A_171] : memref<2560x128xi32, #tpu.memory_space<hbm>> -> memref<32x128xi32, #tpu.memory_space<hbm>>
        tpu.wait_dma2 semaphore(%run_scoped3A : memref<!tpu.dma_semaphore, #tpu.memory_space<semaphore_mem>>) src(%dma_wait3A_172 : memref<32x128xi32, #tpu.memory_space<hbm>>) dst(%arg10 : memref<32x128xi32, #tpu.memory_space<vmem>>)
        tpu.yield
      }) : () -> ()
      "tpu.region"() ({
        %run_scoped3A = tpu.sem_alloc : memref<!tpu.dma_semaphore, #tpu.memory_space<semaphore_mem>>
        %dma_start3A_166 = arith.constant 0 : i32
        %dma_start3A_167 = tpu.memref_slice %arg3[%add3A_152, %dma_start3A_166] : memref<2560x128xi32, #tpu.memory_space<hbm>> -> memref<32x128xi32, #tpu.memory_space<hbm>>
        %dma_start3A_168 = arith.constant 0 : i32
        %dma_start3A_169 = tpu.memref_slice %arg3[%add3A_152, %dma_start3A_168] : memref<2560x128xi32, #tpu.memory_space<hbm>> -> memref<32x128xi32, #tpu.memory_space<hbm>>
        tpu.enqueue_dma source(%dma_start3A_169 : memref<32x128xi32, #tpu.memory_space<hbm>>) target(%arg11 : memref<32x128xi32, #tpu.memory_space<vmem>>) target_semaphore(%run_scoped3A : memref<!tpu.dma_semaphore, #tpu.memory_space<semaphore_mem>>)
        %dma_wait3A = arith.constant 0 : i32
        %dma_wait3A_170 = tpu.memref_slice %arg3[%add3A_152, %dma_wait3A] : memref<2560x128xi32, #tpu.memory_space<hbm>> -> memref<32x128xi32, #tpu.memory_space<hbm>>
        %dma_wait3A_171 = arith.constant 0 : i32
        %dma_wait3A_172 = tpu.memref_slice %arg3[%add3A_152, %dma_wait3A_171] : memref<2560x128xi32, #tpu.memory_space<hbm>> -> memref<32x128xi32, #tpu.memory_space<hbm>>
        tpu.wait_dma2 semaphore(%run_scoped3A : memref<!tpu.dma_semaphore, #tpu.memory_space<semaphore_mem>>) src(%dma_wait3A_172 : memref<32x128xi32, #tpu.memory_space<hbm>>) dst(%arg11 : memref<32x128xi32, #tpu.memory_space<vmem>>)
        tpu.yield
      }) : () -> ()
      %dma_start3A = arith.constant 0 : i32
      %dma_start3A_153 = arith.constant 0 : i32
      %dma_start3A_154 = tpu.memref_slice %arg10[%dma_start3A, %dma_start3A_153] : memref<32x128xi32, #tpu.memory_space<vmem>> -> memref<1x128xi32, #tpu.memory_space<vmem>>
      %dma_start3A_155 = tpu.memref_squeeze %dma_start3A_154 : memref<1x128xi32, #tpu.memory_space<vmem>> -> memref<128xi32, #tpu.memory_space<vmem>>
      %dma_start3A_156 = arith.constant 0 : i32
      %dma_start3A_157 = arith.constant 0 : i32
      %dma_start3A_158 = tpu.memref_slice %arg4[%dma_start3A_156, %dma_start3A_157] : memref<10000x128xf32, #tpu.memory_space<hbm>> -> memref<10000x128xf32, #tpu.memory_space<hbm>>
      tpu.enqueue_indirect_dma source(%dma_start3A_158 : memref<10000x128xf32, #tpu.memory_space<hbm>>) target(%arg12 : memref<128x128xf32, #tpu.memory_space<vmem>>) offsets(%dma_start3A_155 : memref<128xi32, #tpu.memory_space<vmem>>) semaphore(%arg15 : memref<!tpu.dma_semaphore, #tpu.memory_space<semaphore_mem>>)
      %scan3A_159 = arith.constant 0 : i32
      %scan3A_160 = arith.constant 0 : i32
      %scan3A_161 = arith.constant 16 : i32
      %scan3A_162 = arith.addi %scan3A_160, %scan3A_161 : i32
      %scan3A_163 = arith.constant 1 : i32
      %scan3A_164 = scf.for %scan3A_166 = %scan3A_160 to %scan3A_162 step %scan3A_163 iter_args(%scan3A_167 = %scan3A_159) -> (i32)  : i32 {
        %mul3A_168 = arith.constant 2 : i32
        %mul3A_169 = arith.muli %mul3A_168, %scan3A_166 : i32
        %add3A_170 = arith.constant 1 : i32
        %add3A_171 = arith.addi %mul3A_169, %add3A_170 : i32
        %dma_start3A_172 = arith.constant 0 : i32
        %dma_start3A_173 = tpu.memref_slice %arg10[%add3A_171, %dma_start3A_172] : memref<32x128xi32, #tpu.memory_space<vmem>> -> memref<1x128xi32, #tpu.memory_space<vmem>>
        %dma_start3A_174 = tpu.memref_squeeze %dma_start3A_173 : memref<1x128xi32, #tpu.memory_space<vmem>> -> memref<128xi32, #tpu.memory_space<vmem>>
        %dma_start3A_175 = arith.constant 0 : i32
        %dma_start3A_176 = arith.constant 0 : i32
        %dma_start3A_177 = tpu.memref_slice %arg4[%dma_start3A_175, %dma_start3A_176] : memref<10000x128xf32, #tpu.memory_space<hbm>> -> memref<10000x128xf32, #tpu.memory_space<hbm>>
        tpu.enqueue_indirect_dma source(%dma_start3A_177 : memref<10000x128xf32, #tpu.memory_space<hbm>>) target(%arg13 : memref<128x128xf32, #tpu.memory_space<vmem>>) offsets(%dma_start3A_174 : memref<128xi32, #tpu.memory_space<vmem>>) semaphore(%arg16 : memref<!tpu.dma_semaphore, #tpu.memory_space<semaphore_mem>>)
        %dma_wait3A = arith.constant 0 : i32
        %dma_wait3A_178 = tpu.memref_slice %arg10[%mul3A_169, %dma_wait3A] : memref<32x128xi32, #tpu.memory_space<vmem>> -> memref<1x128xi32, #tpu.memory_space<vmem>>
        %dma_wait3A_179 = tpu.memref_squeeze %dma_wait3A_178 : memref<1x128xi32, #tpu.memory_space<vmem>> -> memref<128xi32, #tpu.memory_space<vmem>>
        %dma_wait3A_180 = arith.constant 0 : i32
        %dma_wait3A_181 = arith.constant 0 : i32
        %dma_wait3A_182 = tpu.memref_slice %arg4[%dma_wait3A_180, %dma_wait3A_181] : memref<10000x128xf32, #tpu.memory_space<hbm>> -> memref<10000x128xf32, #tpu.memory_space<hbm>>
        tpu.wait_indirect_dma semaphore(%arg15 : memref<!tpu.dma_semaphore, #tpu.memory_space<semaphore_mem>>) src(%dma_wait3A_182 : memref<10000x128xf32, #tpu.memory_space<hbm>>) dst(%arg12 : memref<128x128xf32, #tpu.memory_space<vmem>>)
        "tpu.region"() ({
          %run_scoped3A = tpu.sem_alloc : memref<!tpu.dma_semaphore, #tpu.memory_space<semaphore_mem>>
          %dma_start3A_196 = arith.constant 0 : i32
          %dma_start3A_197 = tpu.memref_slice %arg11[%mul3A_169, %dma_start3A_196] : memref<32x128xi32, #tpu.memory_space<vmem>> -> memref<1x128xi32, #tpu.memory_space<vmem>>
          %dma_start3A_198 = tpu.memref_squeeze %dma_start3A_197 : memref<1x128xi32, #tpu.memory_space<vmem>> -> memref<128xi32, #tpu.memory_space<vmem>>
          %dma_start3A_199 = arith.constant 0 : i32
          %dma_start3A_200 = arith.constant 0 : i32
          %dma_start3A_201 = tpu.memref_slice %arg14[%dma_start3A_199, %dma_start3A_200] : memref<10240x128xf32, #tpu.memory_space<vmem_shared>> -> memref<10240x128xf32, #tpu.memory_space<vmem_shared>>
          tpu.enqueue_indirect_dma source(%arg12 : memref<128x128xf32, #tpu.memory_space<vmem>>) target(%dma_start3A_201 : memref<10240x128xf32, #tpu.memory_space<vmem_shared>>) offsets(%dma_start3A_198 : memref<128xi32, #tpu.memory_space<vmem>>) semaphore(%run_scoped3A : memref<!tpu.dma_semaphore, #tpu.memory_space<semaphore_mem>>) {add = true}
          %dma_wait3A_202 = arith.constant 0 : i32
          %dma_wait3A_203 = tpu.memref_slice %arg11[%mul3A_169, %dma_wait3A_202] : memref<32x128xi32, #tpu.memory_space<vmem>> -> memref<1x128xi32, #tpu.memory_space<vmem>>
          %dma_wait3A_204 = tpu.memref_squeeze %dma_wait3A_203 : memref<1x128xi32, #tpu.memory_space<vmem>> -> memref<128xi32, #tpu.memory_space<vmem>>
          %dma_wait3A_205 = arith.constant 0 : i32
          %dma_wait3A_206 = arith.constant 0 : i32
          %dma_wait3A_207 = tpu.memref_slice %arg14[%dma_wait3A_205, %dma_wait3A_206] : memref<10240x128xf32, #tpu.memory_space<vmem_shared>> -> memref<10240x128xf32, #tpu.memory_space<vmem_shared>>
          tpu.wait_indirect_dma semaphore(%run_scoped3A : memref<!tpu.dma_semaphore, #tpu.memory_space<semaphore_mem>>) src(%arg12 : memref<128x128xf32, #tpu.memory_space<vmem>>) dst(%dma_wait3A_207 : memref<10240x128xf32, #tpu.memory_space<vmem_shared>>)
          tpu.yield
        }) : () -> ()
        %add3A_183 = arith.constant 1 : i32
        %add3A_184 = arith.addi %add3A_171, %add3A_183 : i32
        %lt3A = arith.constant 32 : i32
        %lt3A_185 = arith.cmpi slt, %add3A_184, %lt3A : i32
        %convert_element_type3A_186 = arith.extui %lt3A_185 : i1 to i32
        %cond3A_187 = arith.constant 0 : i32
        %cond3A_188 = arith.cmpi ne, %convert_element_type3A_186, %cond3A_187 : i32
        scf.if %cond3A_188 {
          %add3A_196 = arith.constant 1 : i32
          %add3A_197 = arith.addi %add3A_171, %add3A_196 : i32
          %dma_start3A_198 = arith.constant 0 : i32
          %dma_start3A_199 = tpu.memref_slice %arg10[%add3A_197, %dma_start3A_198] : memref<32x128xi32, #tpu.memory_space<vmem>> -> memref<1x128xi32, #tpu.memory_space<vmem>>
          %dma_start3A_200 = tpu.memref_squeeze %dma_start3A_199 : memref<1x128xi32, #tpu.memory_space<vmem>> -> memref<128xi32, #tpu.memory_space<vmem>>
          %dma_start3A_201 = arith.constant 0 : i32
          %dma_start3A_202 = arith.constant 0 : i32
          %dma_start3A_203 = tpu.memref_slice %arg4[%dma_start3A_201, %dma_start3A_202] : memref<10000x128xf32, #tpu.memory_space<hbm>> -> memref<10000x128xf32, #tpu.memory_space<hbm>>
          tpu.enqueue_indirect_dma source(%dma_start3A_203 : memref<10000x128xf32, #tpu.memory_space<hbm>>) target(%arg12 : memref<128x128xf32, #tpu.memory_space<vmem>>) offsets(%dma_start3A_200 : memref<128xi32, #tpu.memory_space<vmem>>) semaphore(%arg15 : memref<!tpu.dma_semaphore, #tpu.memory_space<semaphore_mem>>)
        } else {
        }
        %dma_wait3A_189 = arith.constant 0 : i32
        %dma_wait3A_190 = tpu.memref_slice %arg10[%add3A_171, %dma_wait3A_189] : memref<32x128xi32, #tpu.memory_space<vmem>> -> memref<1x128xi32, #tpu.memory_space<vmem>>
        %dma_wait3A_191 = tpu.memref_squeeze %dma_wait3A_190 : memref<1x128xi32, #tpu.memory_space<vmem>> -> memref<128xi32, #tpu.memory_space<vmem>>
        %dma_wait3A_192 = arith.constant 0 : i32
        %dma_wait3A_193 = arith.constant 0 : i32
        %dma_wait3A_194 = tpu.memref_slice %arg4[%dma_wait3A_192, %dma_wait3A_193] : memref<10000x128xf32, #tpu.memory_space<hbm>> -> memref<10000x128xf32, #tpu.memory_space<hbm>>
        tpu.wait_indirect_dma semaphore(%arg16 : memref<!tpu.dma_semaphore, #tpu.memory_space<semaphore_mem>>) src(%dma_wait3A_194 : memref<10000x128xf32, #tpu.memory_space<hbm>>) dst(%arg13 : memref<128x128xf32, #tpu.memory_space<vmem>>)
        "tpu.region"() ({
          %run_scoped3A = tpu.sem_alloc : memref<!tpu.dma_semaphore, #tpu.memory_space<semaphore_mem>>
          %dma_start3A_196 = arith.constant 0 : i32
          %dma_start3A_197 = tpu.memref_slice %arg11[%add3A_171, %dma_start3A_196] : memref<32x128xi32, #tpu.memory_space<vmem>> -> memref<1x128xi32, #tpu.memory_space<vmem>>
          %dma_start3A_198 = tpu.memref_squeeze %dma_start3A_197 : memref<1x128xi32, #tpu.memory_space<vmem>> -> memref<128xi32, #tpu.memory_space<vmem>>
          %dma_start3A_199 = arith.constant 0 : i32
          %dma_start3A_200 = arith.constant 0 : i32
          %dma_start3A_201 = tpu.memref_slice %arg14[%dma_start3A_199, %dma_start3A_200] : memref<10240x128xf32, #tpu.memory_space<vmem_shared>> -> memref<10240x128xf32, #tpu.memory_space<vmem_shared>>
          tpu.enqueue_indirect_dma source(%arg13 : memref<128x128xf32, #tpu.memory_space<vmem>>) target(%dma_start3A_201 : memref<10240x128xf32, #tpu.memory_space<vmem_shared>>) offsets(%dma_start3A_198 : memref<128xi32, #tpu.memory_space<vmem>>) semaphore(%run_scoped3A : memref<!tpu.dma_semaphore, #tpu.memory_space<semaphore_mem>>) {add = true}
          %dma_wait3A_202 = arith.constant 0 : i32
          %dma_wait3A_203 = tpu.memref_slice %arg11[%add3A_171, %dma_wait3A_202] : memref<32x128xi32, #tpu.memory_space<vmem>> -> memref<1x128xi32, #tpu.memory_space<vmem>>
          %dma_wait3A_204 = tpu.memref_squeeze %dma_wait3A_203 : memref<1x128xi32, #tpu.memory_space<vmem>> -> memref<128xi32, #tpu.memory_space<vmem>>
          %dma_wait3A_205 = arith.constant 0 : i32
          %dma_wait3A_206 = arith.constant 0 : i32
          %dma_wait3A_207 = tpu.memref_slice %arg14[%dma_wait3A_205, %dma_wait3A_206] : memref<10240x128xf32, #tpu.memory_space<vmem_shared>> -> memref<10240x128xf32, #tpu.memory_space<vmem_shared>>
          tpu.wait_indirect_dma semaphore(%run_scoped3A : memref<!tpu.dma_semaphore, #tpu.memory_space<semaphore_mem>>) src(%arg13 : memref<128x128xf32, #tpu.memory_space<vmem>>) dst(%dma_wait3A_207 : memref<10240x128xf32, #tpu.memory_space<vmem_shared>>)
          tpu.yield
        }) : () -> ()
        %scan3A_195 = arith.constant 0 : i32
        scf.yield %scan3A_195 : i32
      }
      %scan3A_165 = arith.constant 16 : i32
    } else {
    }
    %barrier3A_53 = arith.constant 0 : index
    tpu.barrier barrier_id(%barrier3A_53)
    %mul3A_54 = arith.constant 640 : i32
    %mul3A_55 = arith.muli %arg1, %mul3A_54 : i32
    %mul3A_56 = arith.constant 10240 : i32
    %mul3A_57 = arith.muli %arg0, %mul3A_56 : i32
    %mul3A_58 = arith.constant 640 : i32
    %mul3A_59 = arith.muli %arg1, %mul3A_58 : i32
    %add3A_60 = arith.addi %mul3A_57, %mul3A_59 : i32
    "tpu.region"() ({
      %run_scoped3A = tpu.sem_alloc : memref<!tpu.dma_semaphore, #tpu.memory_space<semaphore_mem>>
      %dma_start3A = arith.constant 0 : i32
      %dma_start3A_151 = tpu.memref_slice %arg7[%add3A_60, %dma_start3A] : memref<20480x128xf32, #tpu.memory_space<hbm>> -> memref<640x128xf32, #tpu.memory_space<hbm>>
      %dma_start3A_152 = arith.constant 0 : i32
      %dma_start3A_153 = tpu.memref_slice %arg14[%mul3A_55, %dma_start3A_152] : memref<10240x128xf32, #tpu.memory_space<vmem_shared>> -> memref<640x128xf32, #tpu.memory_space<vmem_shared>>
      tpu.enqueue_dma source(%dma_start3A_153 : memref<640x128xf32, #tpu.memory_space<vmem_shared>>) target(%dma_start3A_151 : memref<640x128xf32, #tpu.memory_space<hbm>>) target_semaphore(%run_scoped3A : memref<!tpu.dma_semaphore, #tpu.memory_space<semaphore_mem>>)
      %dma_wait3A = arith.constant 0 : i32
      %dma_wait3A_154 = tpu.memref_slice %arg7[%add3A_60, %dma_wait3A] : memref<20480x128xf32, #tpu.memory_space<hbm>> -> memref<640x128xf32, #tpu.memory_space<hbm>>
      %dma_wait3A_155 = arith.constant 0 : i32
      %dma_wait3A_156 = tpu.memref_slice %arg14[%mul3A_55, %dma_wait3A_155] : memref<10240x128xf32, #tpu.memory_space<vmem_shared>> -> memref<640x128xf32, #tpu.memory_space<vmem_shared>>
      tpu.wait_dma2 semaphore(%run_scoped3A : memref<!tpu.dma_semaphore, #tpu.memory_space<semaphore_mem>>) src(%dma_wait3A_156 : memref<640x128xf32, #tpu.memory_space<vmem_shared>>) dst(%dma_wait3A_154 : memref<640x128xf32, #tpu.memory_space<hbm>>)
      tpu.yield
    }) : () -> ()
    %broadcast_in_dim3A_61 = arith.constant 0.000000e+00 : f32
    %broadcast_in_dim3A_62 = vector.broadcast %broadcast_in_dim3A_61 : f32 to vector<16xf32>
    %scan3A_63 = arith.constant 0 : i32
    %scan3A_64 = arith.constant 0 : i32
    %scan3A_65 = arith.constant 128 : i32
    %scan3A_66 = arith.addi %scan3A_64, %scan3A_65 : i32
    %scan3A_67 = arith.constant 1 : i32
    %scan3A_68 = scf.for %scan3A_151 = %scan3A_64 to %scan3A_66 step %scan3A_67 iter_args(%scan3A_152 = %scan3A_63) -> (i32)  : i32 {
      %scan3A_153 = arith.constant 0 : i32
      %scan3A_154 = arith.constant 0 : i32
      %scan3A_155 = arith.constant 8 : i32
      %scan3A_156 = arith.addi %scan3A_154, %scan3A_155 : i32
      %scan3A_157 = arith.constant 1 : i32
      %scan3A_158 = scf.for %scan3A_160 = %scan3A_154 to %scan3A_156 step %scan3A_157 iter_args(%scan3A_161 = %scan3A_153) -> (i32)  : i32 {
        %mul3A_162 = arith.constant 16 : i32
        %mul3A_163 = arith.muli %scan3A_160, %mul3A_162 : i32
        %swap3A = arith.index_cast %scan3A_151 : i32 to index
        %swap3A_164 = arith.index_cast %mul3A_163 : i32 to index
        %swap3A_165 = tpu.vector_load %arg12[%swap3A, %swap3A_164] {strides = array<i32>} : memref<128x128xf32, #tpu.memory_space<vmem>>, vector<1x16xf32>,
        %swap3A_166 = vector.shape_cast %swap3A_165 : vector<1x16xf32> to vector<16xf32>
        %swap3A_167 = vector.shape_cast %broadcast_in_dim3A_62 : vector<16xf32> to vector<1x16xf32>
        tpu.vector_store %arg12[%swap3A, %swap3A_164], %swap3A_167 {strides = array<i32>} : memref<128x128xf32, #tpu.memory_space<vmem>>, vector<1x16xf32>,
        %scan3A_168 = arith.constant 0 : i32
        scf.yield %scan3A_168 : i32
      }
      %scan3A_159 = arith.constant 8 : i32
      scf.yield %scan3A_158 : i32
    }
    %scan3A_69 = arith.constant 128 : i32
    %scan3A_70 = arith.constant 0 : i32
    %scan3A_71 = arith.constant 0 : i32
    %scan3A_72 = arith.constant 5 : i32
    %scan3A_73 = arith.addi %scan3A_71, %scan3A_72 : i32
    %scan3A_74 = arith.constant 1 : i32
    %scan3A_75 = scf.for %scan3A_151 = %scan3A_71 to %scan3A_73 step %scan3A_74 iter_args(%scan3A_152 = %scan3A_70) -> (i32)  : i32 {
      %mul3A_153 = arith.constant 640 : i32
      %mul3A_154 = arith.muli %arg1, %mul3A_153 : i32
      %mul3A_155 = arith.constant 128 : i32
      %mul3A_156 = arith.muli %scan3A_151, %mul3A_155 : i32
      %add3A_157 = arith.addi %mul3A_154, %mul3A_156 : i32
      "tpu.region"() ({
        %run_scoped3A = tpu.sem_alloc : memref<!tpu.dma_semaphore, #tpu.memory_space<semaphore_mem>>
        %dma_start3A = arith.constant 0 : i32
        %dma_start3A_159 = tpu.memref_slice %arg14[%add3A_157, %dma_start3A] : memref<10240x128xf32, #tpu.memory_space<vmem_shared>> -> memref<128x128xf32, #tpu.memory_space<vmem_shared>>
        %dma_start3A_160 = arith.constant 0 : i32
        %dma_start3A_161 = tpu.memref_slice %arg14[%add3A_157, %dma_start3A_160] : memref<10240x128xf32, #tpu.memory_space<vmem_shared>> -> memref<128x128xf32, #tpu.memory_space<vmem_shared>>
        tpu.enqueue_dma source(%arg12 : memref<128x128xf32, #tpu.memory_space<vmem>>) target(%dma_start3A_161 : memref<128x128xf32, #tpu.memory_space<vmem_shared>>) target_semaphore(%run_scoped3A : memref<!tpu.dma_semaphore, #tpu.memory_space<semaphore_mem>>)
        %dma_wait3A = arith.constant 0 : i32
        %dma_wait3A_162 = tpu.memref_slice %arg14[%add3A_157, %dma_wait3A] : memref<10240x128xf32, #tpu.memory_space<vmem_shared>> -> memref<128x128xf32, #tpu.memory_space<vmem_shared>>
        %dma_wait3A_163 = arith.constant 0 : i32
        %dma_wait3A_164 = tpu.memref_slice %arg14[%add3A_157, %dma_wait3A_163] : memref<10240x128xf32, #tpu.memory_space<vmem_shared>> -> memref<128x128xf32, #tpu.memory_space<vmem_shared>>
        tpu.wait_dma2 semaphore(%run_scoped3A : memref<!tpu.dma_semaphore, #tpu.memory_space<semaphore_mem>>) src(%arg12 : memref<128x128xf32, #tpu.memory_space<vmem>>) dst(%dma_wait3A_164 : memref<128x128xf32, #tpu.memory_space<vmem_shared>>)
        tpu.yield
      }) : () -> ()
      %scan3A_158 = arith.constant 0 : i32
      scf.yield %scan3A_158 : i32
    }
    %scan3A_76 = arith.constant 5 : i32
    %barrier3A_77 = arith.constant 0 : index
    tpu.barrier barrier_id(%barrier3A_77)
    %gt3A_78 = arith.constant 0 : i32
    %gt3A_79 = arith.cmpi sgt, %select_n3A_21, %gt3A_78 : i32
    %convert_element_type3A_80 = arith.extui %gt3A_79 : i1 to i32
    %cond3A_81 = arith.constant 0 : i32
    %cond3A_82 = arith.cmpi ne, %convert_element_type3A_80, %cond3A_81 : i32
    scf.if %cond3A_82 {
      %add3A_151 = arith.constant 0 : i32
      %add3A_152 = arith.addi %add3A, %add3A_151 : i32
      "tpu.region"() ({
        %run_scoped3A = tpu.sem_alloc : memref<!tpu.dma_semaphore, #tpu.memory_space<semaphore_mem>>
        %dma_start3A_166 = arith.constant 0 : i32
        %dma_start3A_167 = tpu.memref_slice %arg2[%add3A_152, %dma_start3A_166] : memref<2560x128xi32, #tpu.memory_space<hbm>> -> memref<32x128xi32, #tpu.memory_space<hbm>>
        %dma_start3A_168 = arith.constant 0 : i32
        %dma_start3A_169 = tpu.memref_slice %arg2[%add3A_152, %dma_start3A_168] : memref<2560x128xi32, #tpu.memory_space<hbm>> -> memref<32x128xi32, #tpu.memory_space<hbm>>
        tpu.enqueue_dma source(%dma_start3A_169 : memref<32x128xi32, #tpu.memory_space<hbm>>) target(%arg10 : memref<32x128xi32, #tpu.memory_space<vmem>>) target_semaphore(%run_scoped3A : memref<!tpu.dma_semaphore, #tpu.memory_space<semaphore_mem>>)
        %dma_wait3A = arith.constant 0 : i32
        %dma_wait3A_170 = tpu.memref_slice %arg2[%add3A_152, %dma_wait3A] : memref<2560x128xi32, #tpu.memory_space<hbm>> -> memref<32x128xi32, #tpu.memory_space<hbm>>
        %dma_wait3A_171 = arith.constant 0 : i32
        %dma_wait3A_172 = tpu.memref_slice %arg2[%add3A_152, %dma_wait3A_171] : memref<2560x128xi32, #tpu.memory_space<hbm>> -> memref<32x128xi32, #tpu.memory_space<hbm>>
        tpu.wait_dma2 semaphore(%run_scoped3A : memref<!tpu.dma_semaphore, #tpu.memory_space<semaphore_mem>>) src(%dma_wait3A_172 : memref<32x128xi32, #tpu.memory_space<hbm>>) dst(%arg10 : memref<32x128xi32, #tpu.memory_space<vmem>>)
        tpu.yield
      }) : () -> ()
      "tpu.region"() ({
        %run_scoped3A = tpu.sem_alloc : memref<!tpu.dma_semaphore, #tpu.memory_space<semaphore_mem>>
        %dma_start3A_166 = arith.constant 0 : i32
        %dma_start3A_167 = tpu.memref_slice %arg3[%add3A_152, %dma_start3A_166] : memref<2560x128xi32, #tpu.memory_space<hbm>> -> memref<32x128xi32, #tpu.memory_space<hbm>>
        %dma_start3A_168 = arith.constant 0 : i32
        %dma_start3A_169 = tpu.memref_slice %arg3[%add3A_152, %dma_start3A_168] : memref<2560x128xi32, #tpu.memory_space<hbm>> -> memref<32x128xi32, #tpu.memory_space<hbm>>
        tpu.enqueue_dma source(%dma_start3A_169 : memref<32x128xi32, #tpu.memory_space<hbm>>) target(%arg11 : memref<32x128xi32, #tpu.memory_space<vmem>>) target_semaphore(%run_scoped3A : memref<!tpu.dma_semaphore, #tpu.memory_space<semaphore_mem>>)
        %dma_wait3A = arith.constant 0 : i32
        %dma_wait3A_170 = tpu.memref_slice %arg3[%add3A_152, %dma_wait3A] : memref<2560x128xi32, #tpu.memory_space<hbm>> -> memref<32x128xi32, #tpu.memory_space<hbm>>
        %dma_wait3A_171 = arith.constant 0 : i32
        %dma_wait3A_172 = tpu.memref_slice %arg3[%add3A_152, %dma_wait3A_171] : memref<2560x128xi32, #tpu.memory_space<hbm>> -> memref<32x128xi32, #tpu.memory_space<hbm>>
        tpu.wait_dma2 semaphore(%run_scoped3A : memref<!tpu.dma_semaphore, #tpu.memory_space<semaphore_mem>>) src(%dma_wait3A_172 : memref<32x128xi32, #tpu.memory_space<hbm>>) dst(%arg11 : memref<32x128xi32, #tpu.memory_space<vmem>>)
        tpu.yield
      }) : () -> ()
      %dma_start3A = arith.constant 0 : i32
      %dma_start3A_153 = arith.constant 0 : i32
      %dma_start3A_154 = tpu.memref_slice %arg10[%dma_start3A, %dma_start3A_153] : memref<32x128xi32, #tpu.memory_space<vmem>> -> memref<1x128xi32, #tpu.memory_space<vmem>>
      %dma_start3A_155 = tpu.memref_squeeze %dma_start3A_154 : memref<1x128xi32, #tpu.memory_space<vmem>> -> memref<128xi32, #tpu.memory_space<vmem>>
      %dma_start3A_156 = arith.constant 0 : i32
      %dma_start3A_157 = arith.constant 0 : i32
      %dma_start3A_158 = tpu.memref_slice %arg5[%dma_start3A_156, %dma_start3A_157] : memref<10000x128xf32, #tpu.memory_space<hbm>> -> memref<10000x128xf32, #tpu.memory_space<hbm>>
      tpu.enqueue_indirect_dma source(%dma_start3A_158 : memref<10000x128xf32, #tpu.memory_space<hbm>>) target(%arg12 : memref<128x128xf32, #tpu.memory_space<vmem>>) offsets(%dma_start3A_155 : memref<128xi32, #tpu.memory_space<vmem>>) semaphore(%arg15 : memref<!tpu.dma_semaphore, #tpu.memory_space<semaphore_mem>>)
      %scan3A_159 = arith.constant 0 : i32
      %scan3A_160 = arith.constant 0 : i32
      %scan3A_161 = arith.constant 16 : i32
      %scan3A_162 = arith.addi %scan3A_160, %scan3A_161 : i32
      %scan3A_163 = arith.constant 1 : i32
      %scan3A_164 = scf.for %scan3A_166 = %scan3A_160 to %scan3A_162 step %scan3A_163 iter_args(%scan3A_167 = %scan3A_159) -> (i32)  : i32 {
        %mul3A_168 = arith.constant 2 : i32
        %mul3A_169 = arith.muli %mul3A_168, %scan3A_166 : i32
        %add3A_170 = arith.constant 1 : i32
        %add3A_171 = arith.addi %mul3A_169, %add3A_170 : i32
        %dma_start3A_172 = arith.constant 0 : i32
        %dma_start3A_173 = tpu.memref_slice %arg10[%add3A_171, %dma_start3A_172] : memref<32x128xi32, #tpu.memory_space<vmem>> -> memref<1x128xi32, #tpu.memory_space<vmem>>
        %dma_start3A_174 = tpu.memref_squeeze %dma_start3A_173 : memref<1x128xi32, #tpu.memory_space<vmem>> -> memref<128xi32, #tpu.memory_space<vmem>>
        %dma_start3A_175 = arith.constant 0 : i32
        %dma_start3A_176 = arith.constant 0 : i32
        %dma_start3A_177 = tpu.memref_slice %arg5[%dma_start3A_175, %dma_start3A_176] : memref<10000x128xf32, #tpu.memory_space<hbm>> -> memref<10000x128xf32, #tpu.memory_space<hbm>>
        tpu.enqueue_indirect_dma source(%dma_start3A_177 : memref<10000x128xf32, #tpu.memory_space<hbm>>) target(%arg13 : memref<128x128xf32, #tpu.memory_space<vmem>>) offsets(%dma_start3A_174 : memref<128xi32, #tpu.memory_space<vmem>>) semaphore(%arg16 : memref<!tpu.dma_semaphore, #tpu.memory_space<semaphore_mem>>)
        %dma_wait3A = arith.constant 0 : i32
        %dma_wait3A_178 = tpu.memref_slice %arg10[%mul3A_169, %dma_wait3A] : memref<32x128xi32, #tpu.memory_space<vmem>> -> memref<1x128xi32, #tpu.memory_space<vmem>>
        %dma_wait3A_179 = tpu.memref_squeeze %dma_wait3A_178 : memref<1x128xi32, #tpu.memory_space<vmem>> -> memref<128xi32, #tpu.memory_space<vmem>>
        %dma_wait3A_180 = arith.constant 0 : i32
        %dma_wait3A_181 = arith.constant 0 : i32
        %dma_wait3A_182 = tpu.memref_slice %arg5[%dma_wait3A_180, %dma_wait3A_181] : memref<10000x128xf32, #tpu.memory_space<hbm>> -> memref<10000x128xf32, #tpu.memory_space<hbm>>
        tpu.wait_indirect_dma semaphore(%arg15 : memref<!tpu.dma_semaphore, #tpu.memory_space<semaphore_mem>>) src(%dma_wait3A_182 : memref<10000x128xf32, #tpu.memory_space<hbm>>) dst(%arg12 : memref<128x128xf32, #tpu.memory_space<vmem>>)
        "tpu.region"() ({
          %run_scoped3A = tpu.sem_alloc : memref<!tpu.dma_semaphore, #tpu.memory_space<semaphore_mem>>
          %dma_start3A_196 = arith.constant 0 : i32
          %dma_start3A_197 = tpu.memref_slice %arg11[%mul3A_169, %dma_start3A_196] : memref<32x128xi32, #tpu.memory_space<vmem>> -> memref<1x128xi32, #tpu.memory_space<vmem>>
          %dma_start3A_198 = tpu.memref_squeeze %dma_start3A_197 : memref<1x128xi32, #tpu.memory_space<vmem>> -> memref<128xi32, #tpu.memory_space<vmem>>
          %dma_start3A_199 = arith.constant 0 : i32
          %dma_start3A_200 = arith.constant 0 : i32
          %dma_start3A_201 = tpu.memref_slice %arg14[%dma_start3A_199, %dma_start3A_200] : memref<10240x128xf32, #tpu.memory_space<vmem_shared>> -> memref<10240x128xf32, #tpu.memory_space<vmem_shared>>
          tpu.enqueue_indirect_dma source(%arg12 : memref<128x128xf32, #tpu.memory_space<vmem>>) target(%dma_start3A_201 : memref<10240x128xf32, #tpu.memory_space<vmem_shared>>) offsets(%dma_start3A_198 : memref<128xi32, #tpu.memory_space<vmem>>) semaphore(%run_scoped3A : memref<!tpu.dma_semaphore, #tpu.memory_space<semaphore_mem>>) {add = true}
          %dma_wait3A_202 = arith.constant 0 : i32
          %dma_wait3A_203 = tpu.memref_slice %arg11[%mul3A_169, %dma_wait3A_202] : memref<32x128xi32, #tpu.memory_space<vmem>> -> memref<1x128xi32, #tpu.memory_space<vmem>>
          %dma_wait3A_204 = tpu.memref_squeeze %dma_wait3A_203 : memref<1x128xi32, #tpu.memory_space<vmem>> -> memref<128xi32, #tpu.memory_space<vmem>>
          %dma_wait3A_205 = arith.constant 0 : i32
          %dma_wait3A_206 = arith.constant 0 : i32
          %dma_wait3A_207 = tpu.memref_slice %arg14[%dma_wait3A_205, %dma_wait3A_206] : memref<10240x128xf32, #tpu.memory_space<vmem_shared>> -> memref<10240x128xf32, #tpu.memory_space<vmem_shared>>
          tpu.wait_indirect_dma semaphore(%run_scoped3A : memref<!tpu.dma_semaphore, #tpu.memory_space<semaphore_mem>>) src(%arg12 : memref<128x128xf32, #tpu.memory_space<vmem>>) dst(%dma_wait3A_207 : memref<10240x128xf32, #tpu.memory_space<vmem_shared>>)
          tpu.yield
        }) : () -> ()
        %add3A_183 = arith.constant 1 : i32
        %add3A_184 = arith.addi %add3A_171, %add3A_183 : i32
        %lt3A = arith.constant 32 : i32
        %lt3A_185 = arith.cmpi slt, %add3A_184, %lt3A : i32
        %convert_element_type3A_186 = arith.extui %lt3A_185 : i1 to i32
        %cond3A_187 = arith.constant 0 : i32
        %cond3A_188 = arith.cmpi ne, %convert_element_type3A_186, %cond3A_187 : i32
        scf.if %cond3A_188 {
          %add3A_196 = arith.constant 1 : i32
          %add3A_197 = arith.addi %add3A_171, %add3A_196 : i32
          %dma_start3A_198 = arith.constant 0 : i32
          %dma_start3A_199 = tpu.memref_slice %arg10[%add3A_197, %dma_start3A_198] : memref<32x128xi32, #tpu.memory_space<vmem>> -> memref<1x128xi32, #tpu.memory_space<vmem>>
          %dma_start3A_200 = tpu.memref_squeeze %dma_start3A_199 : memref<1x128xi32, #tpu.memory_space<vmem>> -> memref<128xi32, #tpu.memory_space<vmem>>
          %dma_start3A_201 = arith.constant 0 : i32
          %dma_start3A_202 = arith.constant 0 : i32
          %dma_start3A_203 = tpu.memref_slice %arg5[%dma_start3A_201, %dma_start3A_202] : memref<10000x128xf32, #tpu.memory_space<hbm>> -> memref<10000x128xf32, #tpu.memory_space<hbm>>
          tpu.enqueue_indirect_dma source(%dma_start3A_203 : memref<10000x128xf32, #tpu.memory_space<hbm>>) target(%arg12 : memref<128x128xf32, #tpu.memory_space<vmem>>) offsets(%dma_start3A_200 : memref<128xi32, #tpu.memory_space<vmem>>) semaphore(%arg15 : memref<!tpu.dma_semaphore, #tpu.memory_space<semaphore_mem>>)
        } else {
        }
        %dma_wait3A_189 = arith.constant 0 : i32
        %dma_wait3A_190 = tpu.memref_slice %arg10[%add3A_171, %dma_wait3A_189] : memref<32x128xi32, #tpu.memory_space<vmem>> -> memref<1x128xi32, #tpu.memory_space<vmem>>
        %dma_wait3A_191 = tpu.memref_squeeze %dma_wait3A_190 : memref<1x128xi32, #tpu.memory_space<vmem>> -> memref<128xi32, #tpu.memory_space<vmem>>
        %dma_wait3A_192 = arith.constant 0 : i32
        %dma_wait3A_193 = arith.constant 0 : i32
        %dma_wait3A_194 = tpu.memref_slice %arg5[%dma_wait3A_192, %dma_wait3A_193] : memref<10000x128xf32, #tpu.memory_space<hbm>> -> memref<10000x128xf32, #tpu.memory_space<hbm>>
        tpu.wait_indirect_dma semaphore(%arg16 : memref<!tpu.dma_semaphore, #tpu.memory_space<semaphore_mem>>) src(%dma_wait3A_194 : memref<10000x128xf32, #tpu.memory_space<hbm>>) dst(%arg13 : memref<128x128xf32, #tpu.memory_space<vmem>>)
        "tpu.region"() ({
          %run_scoped3A = tpu.sem_alloc : memref<!tpu.dma_semaphore, #tpu.memory_space<semaphore_mem>>
          %dma_start3A_196 = arith.constant 0 : i32
          %dma_start3A_197 = tpu.memref_slice %arg11[%add3A_171, %dma_start3A_196] : memref<32x128xi32, #tpu.memory_space<vmem>> -> memref<1x128xi32, #tpu.memory_space<vmem>>
          %dma_start3A_198 = tpu.memref_squeeze %dma_start3A_197 : memref<1x128xi32, #tpu.memory_space<vmem>> -> memref<128xi32, #tpu.memory_space<vmem>>
          %dma_start3A_199 = arith.constant 0 : i32
          %dma_start3A_200 = arith.constant 0 : i32
          %dma_start3A_201 = tpu.memref_slice %arg14[%dma_start3A_199, %dma_start3A_200] : memref<10240x128xf32, #tpu.memory_space<vmem_shared>> -> memref<10240x128xf32, #tpu.memory_space<vmem_shared>>
          tpu.enqueue_indirect_dma source(%arg13 : memref<128x128xf32, #tpu.memory_space<vmem>>) target(%dma_start3A_201 : memref<10240x128xf32, #tpu.memory_space<vmem_shared>>) offsets(%dma_start3A_198 : memref<128xi32, #tpu.memory_space<vmem>>) semaphore(%run_scoped3A : memref<!tpu.dma_semaphore, #tpu.memory_space<semaphore_mem>>) {add = true}
          %dma_wait3A_202 = arith.constant 0 : i32
          %dma_wait3A_203 = tpu.memref_slice %arg11[%add3A_171, %dma_wait3A_202] : memref<32x128xi32, #tpu.memory_space<vmem>> -> memref<1x128xi32, #tpu.memory_space<vmem>>
          %dma_wait3A_204 = tpu.memref_squeeze %dma_wait3A_203 : memref<1x128xi32, #tpu.memory_space<vmem>> -> memref<128xi32, #tpu.memory_space<vmem>>
          %dma_wait3A_205 = arith.constant 0 : i32
          %dma_wait3A_206 = arith.constant 0 : i32
          %dma_wait3A_207 = tpu.memref_slice %arg14[%dma_wait3A_205, %dma_wait3A_206] : memref<10240x128xf32, #tpu.memory_space<vmem_shared>> -> memref<10240x128xf32, #tpu.memory_space<vmem_shared>>
          tpu.wait_indirect_dma semaphore(%run_scoped3A : memref<!tpu.dma_semaphore, #tpu.memory_space<semaphore_mem>>) src(%arg13 : memref<128x128xf32, #tpu.memory_space<vmem>>) dst(%dma_wait3A_207 : memref<10240x128xf32, #tpu.memory_space<vmem_shared>>)
          tpu.yield
        }) : () -> ()
        %scan3A_195 = arith.constant 0 : i32
        scf.yield %scan3A_195 : i32
      }
      %scan3A_165 = arith.constant 16 : i32
    } else {
    }
    %gt3A_83 = arith.constant 1 : i32
    %gt3A_84 = arith.cmpi sgt, %select_n3A_21, %gt3A_83 : i32
    %convert_element_type3A_85 = arith.extui %gt3A_84 : i1 to i32
    %cond3A_86 = arith.constant 0 : i32
    %cond3A_87 = arith.cmpi ne, %convert_element_type3A_85, %cond3A_86 : i32
    scf.if %cond3A_87 {
      %add3A_151 = arith.constant 32 : i32
      %add3A_152 = arith.addi %add3A, %add3A_151 : i32
      "tpu.region"() ({
        %run_scoped3A = tpu.sem_alloc : memref<!tpu.dma_semaphore, #tpu.memory_space<semaphore_mem>>
        %dma_start3A_166 = arith.constant 0 : i32
        %dma_start3A_167 = tpu.memref_slice %arg2[%add3A_152, %dma_start3A_166] : memref<2560x128xi32, #tpu.memory_space<hbm>> -> memref<32x128xi32, #tpu.memory_space<hbm>>
        %dma_start3A_168 = arith.constant 0 : i32
        %dma_start3A_169 = tpu.memref_slice %arg2[%add3A_152, %dma_start3A_168] : memref<2560x128xi32, #tpu.memory_space<hbm>> -> memref<32x128xi32, #tpu.memory_space<hbm>>
        tpu.enqueue_dma source(%dma_start3A_169 : memref<32x128xi32, #tpu.memory_space<hbm>>) target(%arg10 : memref<32x128xi32, #tpu.memory_space<vmem>>) target_semaphore(%run_scoped3A : memref<!tpu.dma_semaphore, #tpu.memory_space<semaphore_mem>>)
        %dma_wait3A = arith.constant 0 : i32
        %dma_wait3A_170 = tpu.memref_slice %arg2[%add3A_152, %dma_wait3A] : memref<2560x128xi32, #tpu.memory_space<hbm>> -> memref<32x128xi32, #tpu.memory_space<hbm>>
        %dma_wait3A_171 = arith.constant 0 : i32
        %dma_wait3A_172 = tpu.memref_slice %arg2[%add3A_152, %dma_wait3A_171] : memref<2560x128xi32, #tpu.memory_space<hbm>> -> memref<32x128xi32, #tpu.memory_space<hbm>>
        tpu.wait_dma2 semaphore(%run_scoped3A : memref<!tpu.dma_semaphore, #tpu.memory_space<semaphore_mem>>) src(%dma_wait3A_172 : memref<32x128xi32, #tpu.memory_space<hbm>>) dst(%arg10 : memref<32x128xi32, #tpu.memory_space<vmem>>)
        tpu.yield
      }) : () -> ()
      "tpu.region"() ({
        %run_scoped3A = tpu.sem_alloc : memref<!tpu.dma_semaphore, #tpu.memory_space<semaphore_mem>>
        %dma_start3A_166 = arith.constant 0 : i32
        %dma_start3A_167 = tpu.memref_slice %arg3[%add3A_152, %dma_start3A_166] : memref<2560x128xi32, #tpu.memory_space<hbm>> -> memref<32x128xi32, #tpu.memory_space<hbm>>
        %dma_start3A_168 = arith.constant 0 : i32
        %dma_start3A_169 = tpu.memref_slice %arg3[%add3A_152, %dma_start3A_168] : memref<2560x128xi32, #tpu.memory_space<hbm>> -> memref<32x128xi32, #tpu.memory_space<hbm>>
        tpu.enqueue_dma source(%dma_start3A_169 : memref<32x128xi32, #tpu.memory_space<hbm>>) target(%arg11 : memref<32x128xi32, #tpu.memory_space<vmem>>) target_semaphore(%run_scoped3A : memref<!tpu.dma_semaphore, #tpu.memory_space<semaphore_mem>>)
        %dma_wait3A = arith.constant 0 : i32
        %dma_wait3A_170 = tpu.memref_slice %arg3[%add3A_152, %dma_wait3A] : memref<2560x128xi32, #tpu.memory_space<hbm>> -> memref<32x128xi32, #tpu.memory_space<hbm>>
        %dma_wait3A_171 = arith.constant 0 : i32
        %dma_wait3A_172 = tpu.memref_slice %arg3[%add3A_152, %dma_wait3A_171] : memref<2560x128xi32, #tpu.memory_space<hbm>> -> memref<32x128xi32, #tpu.memory_space<hbm>>
        tpu.wait_dma2 semaphore(%run_scoped3A : memref<!tpu.dma_semaphore, #tpu.memory_space<semaphore_mem>>) src(%dma_wait3A_172 : memref<32x128xi32, #tpu.memory_space<hbm>>) dst(%arg11 : memref<32x128xi32, #tpu.memory_space<vmem>>)
        tpu.yield
      }) : () -> ()
      %dma_start3A = arith.constant 0 : i32
      %dma_start3A_153 = arith.constant 0 : i32
      %dma_start3A_154 = tpu.memref_slice %arg10[%dma_start3A, %dma_start3A_153] : memref<32x128xi32, #tpu.memory_space<vmem>> -> memref<1x128xi32, #tpu.memory_space<vmem>>
      %dma_start3A_155 = tpu.memref_squeeze %dma_start3A_154 : memref<1x128xi32, #tpu.memory_space<vmem>> -> memref<128xi32, #tpu.memory_space<vmem>>
      %dma_start3A_156 = arith.constant 0 : i32
      %dma_start3A_157 = arith.constant 0 : i32
      %dma_start3A_158 = tpu.memref_slice %arg5[%dma_start3A_156, %dma_start3A_157] : memref<10000x128xf32, #tpu.memory_space<hbm>> -> memref<10000x128xf32, #tpu.memory_space<hbm>>
      tpu.enqueue_indirect_dma source(%dma_start3A_158 : memref<10000x128xf32, #tpu.memory_space<hbm>>) target(%arg12 : memref<128x128xf32, #tpu.memory_space<vmem>>) offsets(%dma_start3A_155 : memref<128xi32, #tpu.memory_space<vmem>>) semaphore(%arg15 : memref<!tpu.dma_semaphore, #tpu.memory_space<semaphore_mem>>)
      %scan3A_159 = arith.constant 0 : i32
      %scan3A_160 = arith.constant 0 : i32
      %scan3A_161 = arith.constant 16 : i32
      %scan3A_162 = arith.addi %scan3A_160, %scan3A_161 : i32
      %scan3A_163 = arith.constant 1 : i32
      %scan3A_164 = scf.for %scan3A_166 = %scan3A_160 to %scan3A_162 step %scan3A_163 iter_args(%scan3A_167 = %scan3A_159) -> (i32)  : i32 {
        %mul3A_168 = arith.constant 2 : i32
        %mul3A_169 = arith.muli %mul3A_168, %scan3A_166 : i32
        %add3A_170 = arith.constant 1 : i32
        %add3A_171 = arith.addi %mul3A_169, %add3A_170 : i32
        %dma_start3A_172 = arith.constant 0 : i32
        %dma_start3A_173 = tpu.memref_slice %arg10[%add3A_171, %dma_start3A_172] : memref<32x128xi32, #tpu.memory_space<vmem>> -> memref<1x128xi32, #tpu.memory_space<vmem>>
        %dma_start3A_174 = tpu.memref_squeeze %dma_start3A_173 : memref<1x128xi32, #tpu.memory_space<vmem>> -> memref<128xi32, #tpu.memory_space<vmem>>
        %dma_start3A_175 = arith.constant 0 : i32
        %dma_start3A_176 = arith.constant 0 : i32
        %dma_start3A_177 = tpu.memref_slice %arg5[%dma_start3A_175, %dma_start3A_176] : memref<10000x128xf32, #tpu.memory_space<hbm>> -> memref<10000x128xf32, #tpu.memory_space<hbm>>
        tpu.enqueue_indirect_dma source(%dma_start3A_177 : memref<10000x128xf32, #tpu.memory_space<hbm>>) target(%arg13 : memref<128x128xf32, #tpu.memory_space<vmem>>) offsets(%dma_start3A_174 : memref<128xi32, #tpu.memory_space<vmem>>) semaphore(%arg16 : memref<!tpu.dma_semaphore, #tpu.memory_space<semaphore_mem>>)
        %dma_wait3A = arith.constant 0 : i32
        %dma_wait3A_178 = tpu.memref_slice %arg10[%mul3A_169, %dma_wait3A] : memref<32x128xi32, #tpu.memory_space<vmem>> -> memref<1x128xi32, #tpu.memory_space<vmem>>
        %dma_wait3A_179 = tpu.memref_squeeze %dma_wait3A_178 : memref<1x128xi32, #tpu.memory_space<vmem>> -> memref<128xi32, #tpu.memory_space<vmem>>
        %dma_wait3A_180 = arith.constant 0 : i32
        %dma_wait3A_181 = arith.constant 0 : i32
        %dma_wait3A_182 = tpu.memref_slice %arg5[%dma_wait3A_180, %dma_wait3A_181] : memref<10000x128xf32, #tpu.memory_space<hbm>> -> memref<10000x128xf32, #tpu.memory_space<hbm>>
        tpu.wait_indirect_dma semaphore(%arg15 : memref<!tpu.dma_semaphore, #tpu.memory_space<semaphore_mem>>) src(%dma_wait3A_182 : memref<10000x128xf32, #tpu.memory_space<hbm>>) dst(%arg12 : memref<128x128xf32, #tpu.memory_space<vmem>>)
        "tpu.region"() ({
          %run_scoped3A = tpu.sem_alloc : memref<!tpu.dma_semaphore, #tpu.memory_space<semaphore_mem>>
          %dma_start3A_196 = arith.constant 0 : i32
          %dma_start3A_197 = tpu.memref_slice %arg11[%mul3A_169, %dma_start3A_196] : memref<32x128xi32, #tpu.memory_space<vmem>> -> memref<1x128xi32, #tpu.memory_space<vmem>>
          %dma_start3A_198 = tpu.memref_squeeze %dma_start3A_197 : memref<1x128xi32, #tpu.memory_space<vmem>> -> memref<128xi32, #tpu.memory_space<vmem>>
          %dma_start3A_199 = arith.constant 0 : i32
          %dma_start3A_200 = arith.constant 0 : i32
          %dma_start3A_201 = tpu.memref_slice %arg14[%dma_start3A_199, %dma_start3A_200] : memref<10240x128xf32, #tpu.memory_space<vmem_shared>> -> memref<10240x128xf32, #tpu.memory_space<vmem_shared>>
          tpu.enqueue_indirect_dma source(%arg12 : memref<128x128xf32, #tpu.memory_space<vmem>>) target(%dma_start3A_201 : memref<10240x128xf32, #tpu.memory_space<vmem_shared>>) offsets(%dma_start3A_198 : memref<128xi32, #tpu.memory_space<vmem>>) semaphore(%run_scoped3A : memref<!tpu.dma_semaphore, #tpu.memory_space<semaphore_mem>>) {add = true}
          %dma_wait3A_202 = arith.constant 0 : i32
          %dma_wait3A_203 = tpu.memref_slice %arg11[%mul3A_169, %dma_wait3A_202] : memref<32x128xi32, #tpu.memory_space<vmem>> -> memref<1x128xi32, #tpu.memory_space<vmem>>
          %dma_wait3A_204 = tpu.memref_squeeze %dma_wait3A_203 : memref<1x128xi32, #tpu.memory_space<vmem>> -> memref<128xi32, #tpu.memory_space<vmem>>
          %dma_wait3A_205 = arith.constant 0 : i32
          %dma_wait3A_206 = arith.constant 0 : i32
          %dma_wait3A_207 = tpu.memref_slice %arg14[%dma_wait3A_205, %dma_wait3A_206] : memref<10240x128xf32, #tpu.memory_space<vmem_shared>> -> memref<10240x128xf32, #tpu.memory_space<vmem_shared>>
          tpu.wait_indirect_dma semaphore(%run_scoped3A : memref<!tpu.dma_semaphore, #tpu.memory_space<semaphore_mem>>) src(%arg12 : memref<128x128xf32, #tpu.memory_space<vmem>>) dst(%dma_wait3A_207 : memref<10240x128xf32, #tpu.memory_space<vmem_shared>>)
          tpu.yield
        }) : () -> ()
        %add3A_183 = arith.constant 1 : i32
        %add3A_184 = arith.addi %add3A_171, %add3A_183 : i32
        %lt3A = arith.constant 32 : i32
        %lt3A_185 = arith.cmpi slt, %add3A_184, %lt3A : i32
        %convert_element_type3A_186 = arith.extui %lt3A_185 : i1 to i32
        %cond3A_187 = arith.constant 0 : i32
        %cond3A_188 = arith.cmpi ne, %convert_element_type3A_186, %cond3A_187 : i32
        scf.if %cond3A_188 {
          %add3A_196 = arith.constant 1 : i32
          %add3A_197 = arith.addi %add3A_171, %add3A_196 : i32
          %dma_start3A_198 = arith.constant 0 : i32
          %dma_start3A_199 = tpu.memref_slice %arg10[%add3A_197, %dma_start3A_198] : memref<32x128xi32, #tpu.memory_space<vmem>> -> memref<1x128xi32, #tpu.memory_space<vmem>>
          %dma_start3A_200 = tpu.memref_squeeze %dma_start3A_199 : memref<1x128xi32, #tpu.memory_space<vmem>> -> memref<128xi32, #tpu.memory_space<vmem>>
          %dma_start3A_201 = arith.constant 0 : i32
          %dma_start3A_202 = arith.constant 0 : i32
          %dma_start3A_203 = tpu.memref_slice %arg5[%dma_start3A_201, %dma_start3A_202] : memref<10000x128xf32, #tpu.memory_space<hbm>> -> memref<10000x128xf32, #tpu.memory_space<hbm>>
          tpu.enqueue_indirect_dma source(%dma_start3A_203 : memref<10000x128xf32, #tpu.memory_space<hbm>>) target(%arg12 : memref<128x128xf32, #tpu.memory_space<vmem>>) offsets(%dma_start3A_200 : memref<128xi32, #tpu.memory_space<vmem>>) semaphore(%arg15 : memref<!tpu.dma_semaphore, #tpu.memory_space<semaphore_mem>>)
        } else {
        }
        %dma_wait3A_189 = arith.constant 0 : i32
        %dma_wait3A_190 = tpu.memref_slice %arg10[%add3A_171, %dma_wait3A_189] : memref<32x128xi32, #tpu.memory_space<vmem>> -> memref<1x128xi32, #tpu.memory_space<vmem>>
        %dma_wait3A_191 = tpu.memref_squeeze %dma_wait3A_190 : memref<1x128xi32, #tpu.memory_space<vmem>> -> memref<128xi32, #tpu.memory_space<vmem>>
        %dma_wait3A_192 = arith.constant 0 : i32
        %dma_wait3A_193 = arith.constant 0 : i32
        %dma_wait3A_194 = tpu.memref_slice %arg5[%dma_wait3A_192, %dma_wait3A_193] : memref<10000x128xf32, #tpu.memory_space<hbm>> -> memref<10000x128xf32, #tpu.memory_space<hbm>>
        tpu.wait_indirect_dma semaphore(%arg16 : memref<!tpu.dma_semaphore, #tpu.memory_space<semaphore_mem>>) src(%dma_wait3A_194 : memref<10000x128xf32, #tpu.memory_space<hbm>>) dst(%arg13 : memref<128x128xf32, #tpu.memory_space<vmem>>)
        "tpu.region"() ({
          %run_scoped3A = tpu.sem_alloc : memref<!tpu.dma_semaphore, #tpu.memory_space<semaphore_mem>>
          %dma_start3A_196 = arith.constant 0 : i32
          %dma_start3A_197 = tpu.memref_slice %arg11[%add3A_171, %dma_start3A_196] : memref<32x128xi32, #tpu.memory_space<vmem>> -> memref<1x128xi32, #tpu.memory_space<vmem>>
          %dma_start3A_198 = tpu.memref_squeeze %dma_start3A_197 : memref<1x128xi32, #tpu.memory_space<vmem>> -> memref<128xi32, #tpu.memory_space<vmem>>
          %dma_start3A_199 = arith.constant 0 : i32
          %dma_start3A_200 = arith.constant 0 : i32
          %dma_start3A_201 = tpu.memref_slice %arg14[%dma_start3A_199, %dma_start3A_200] : memref<10240x128xf32, #tpu.memory_space<vmem_shared>> -> memref<10240x128xf32, #tpu.memory_space<vmem_shared>>
          tpu.enqueue_indirect_dma source(%arg13 : memref<128x128xf32, #tpu.memory_space<vmem>>) target(%dma_start3A_201 : memref<10240x128xf32, #tpu.memory_space<vmem_shared>>) offsets(%dma_start3A_198 : memref<128xi32, #tpu.memory_space<vmem>>) semaphore(%run_scoped3A : memref<!tpu.dma_semaphore, #tpu.memory_space<semaphore_mem>>) {add = true}
          %dma_wait3A_202 = arith.constant 0 : i32
          %dma_wait3A_203 = tpu.memref_slice %arg11[%add3A_171, %dma_wait3A_202] : memref<32x128xi32, #tpu.memory_space<vmem>> -> memref<1x128xi32, #tpu.memory_space<vmem>>
          %dma_wait3A_204 = tpu.memref_squeeze %dma_wait3A_203 : memref<1x128xi32, #tpu.memory_space<vmem>> -> memref<128xi32, #tpu.memory_space<vmem>>
          %dma_wait3A_205 = arith.constant 0 : i32
          %dma_wait3A_206 = arith.constant 0 : i32
          %dma_wait3A_207 = tpu.memref_slice %arg14[%dma_wait3A_205, %dma_wait3A_206] : memref<10240x128xf32, #tpu.memory_space<vmem_shared>> -> memref<10240x128xf32, #tpu.memory_space<vmem_shared>>
          tpu.wait_indirect_dma semaphore(%run_scoped3A : memref<!tpu.dma_semaphore, #tpu.memory_space<semaphore_mem>>) src(%arg13 : memref<128x128xf32, #tpu.memory_space<vmem>>) dst(%dma_wait3A_207 : memref<10240x128xf32, #tpu.memory_space<vmem_shared>>)
          tpu.yield
        }) : () -> ()
        %scan3A_195 = arith.constant 0 : i32
        scf.yield %scan3A_195 : i32
      }
      %scan3A_165 = arith.constant 16 : i32
    } else {
    }
    %gt3A_88 = arith.constant 2 : i32
    %gt3A_89 = arith.cmpi sgt, %select_n3A_21, %gt3A_88 : i32
    %convert_element_type3A_90 = arith.extui %gt3A_89 : i1 to i32
    %cond3A_91 = arith.constant 0 : i32
    %cond3A_92 = arith.cmpi ne, %convert_element_type3A_90, %cond3A_91 : i32
    scf.if %cond3A_92 {
      %add3A_151 = arith.constant 64 : i32
      %add3A_152 = arith.addi %add3A, %add3A_151 : i32
      "tpu.region"() ({
        %run_scoped3A = tpu.sem_alloc : memref<!tpu.dma_semaphore, #tpu.memory_space<semaphore_mem>>
        %dma_start3A_166 = arith.constant 0 : i32
        %dma_start3A_167 = tpu.memref_slice %arg2[%add3A_152, %dma_start3A_166] : memref<2560x128xi32, #tpu.memory_space<hbm>> -> memref<32x128xi32, #tpu.memory_space<hbm>>
        %dma_start3A_168 = arith.constant 0 : i32
        %dma_start3A_169 = tpu.memref_slice %arg2[%add3A_152, %dma_start3A_168] : memref<2560x128xi32, #tpu.memory_space<hbm>> -> memref<32x128xi32, #tpu.memory_space<hbm>>
        tpu.enqueue_dma source(%dma_start3A_169 : memref<32x128xi32, #tpu.memory_space<hbm>>) target(%arg10 : memref<32x128xi32, #tpu.memory_space<vmem>>) target_semaphore(%run_scoped3A : memref<!tpu.dma_semaphore, #tpu.memory_space<semaphore_mem>>)
        %dma_wait3A = arith.constant 0 : i32
        %dma_wait3A_170 = tpu.memref_slice %arg2[%add3A_152, %dma_wait3A] : memref<2560x128xi32, #tpu.memory_space<hbm>> -> memref<32x128xi32, #tpu.memory_space<hbm>>
        %dma_wait3A_171 = arith.constant 0 : i32
        %dma_wait3A_172 = tpu.memref_slice %arg2[%add3A_152, %dma_wait3A_171] : memref<2560x128xi32, #tpu.memory_space<hbm>> -> memref<32x128xi32, #tpu.memory_space<hbm>>
        tpu.wait_dma2 semaphore(%run_scoped3A : memref<!tpu.dma_semaphore, #tpu.memory_space<semaphore_mem>>) src(%dma_wait3A_172 : memref<32x128xi32, #tpu.memory_space<hbm>>) dst(%arg10 : memref<32x128xi32, #tpu.memory_space<vmem>>)
        tpu.yield
      }) : () -> ()
      "tpu.region"() ({
        %run_scoped3A = tpu.sem_alloc : memref<!tpu.dma_semaphore, #tpu.memory_space<semaphore_mem>>
        %dma_start3A_166 = arith.constant 0 : i32
        %dma_start3A_167 = tpu.memref_slice %arg3[%add3A_152, %dma_start3A_166] : memref<2560x128xi32, #tpu.memory_space<hbm>> -> memref<32x128xi32, #tpu.memory_space<hbm>>
        %dma_start3A_168 = arith.constant 0 : i32
        %dma_start3A_169 = tpu.memref_slice %arg3[%add3A_152, %dma_start3A_168] : memref<2560x128xi32, #tpu.memory_space<hbm>> -> memref<32x128xi32, #tpu.memory_space<hbm>>
        tpu.enqueue_dma source(%dma_start3A_169 : memref<32x128xi32, #tpu.memory_space<hbm>>) target(%arg11 : memref<32x128xi32, #tpu.memory_space<vmem>>) target_semaphore(%run_scoped3A : memref<!tpu.dma_semaphore, #tpu.memory_space<semaphore_mem>>)
        %dma_wait3A = arith.constant 0 : i32
        %dma_wait3A_170 = tpu.memref_slice %arg3[%add3A_152, %dma_wait3A] : memref<2560x128xi32, #tpu.memory_space<hbm>> -> memref<32x128xi32, #tpu.memory_space<hbm>>
        %dma_wait3A_171 = arith.constant 0 : i32
        %dma_wait3A_172 = tpu.memref_slice %arg3[%add3A_152, %dma_wait3A_171] : memref<2560x128xi32, #tpu.memory_space<hbm>> -> memref<32x128xi32, #tpu.memory_space<hbm>>
        tpu.wait_dma2 semaphore(%run_scoped3A : memref<!tpu.dma_semaphore, #tpu.memory_space<semaphore_mem>>) src(%dma_wait3A_172 : memref<32x128xi32, #tpu.memory_space<hbm>>) dst(%arg11 : memref<32x128xi32, #tpu.memory_space<vmem>>)
        tpu.yield
      }) : () -> ()
      %dma_start3A = arith.constant 0 : i32
      %dma_start3A_153 = arith.constant 0 : i32
      %dma_start3A_154 = tpu.memref_slice %arg10[%dma_start3A, %dma_start3A_153] : memref<32x128xi32, #tpu.memory_space<vmem>> -> memref<1x128xi32, #tpu.memory_space<vmem>>
      %dma_start3A_155 = tpu.memref_squeeze %dma_start3A_154 : memref<1x128xi32, #tpu.memory_space<vmem>> -> memref<128xi32, #tpu.memory_space<vmem>>
      %dma_start3A_156 = arith.constant 0 : i32
      %dma_start3A_157 = arith.constant 0 : i32
      %dma_start3A_158 = tpu.memref_slice %arg5[%dma_start3A_156, %dma_start3A_157] : memref<10000x128xf32, #tpu.memory_space<hbm>> -> memref<10000x128xf32, #tpu.memory_space<hbm>>
      tpu.enqueue_indirect_dma source(%dma_start3A_158 : memref<10000x128xf32, #tpu.memory_space<hbm>>) target(%arg12 : memref<128x128xf32, #tpu.memory_space<vmem>>) offsets(%dma_start3A_155 : memref<128xi32, #tpu.memory_space<vmem>>) semaphore(%arg15 : memref<!tpu.dma_semaphore, #tpu.memory_space<semaphore_mem>>)
      %scan3A_159 = arith.constant 0 : i32
      %scan3A_160 = arith.constant 0 : i32
      %scan3A_161 = arith.constant 16 : i32
      %scan3A_162 = arith.addi %scan3A_160, %scan3A_161 : i32
      %scan3A_163 = arith.constant 1 : i32
      %scan3A_164 = scf.for %scan3A_166 = %scan3A_160 to %scan3A_162 step %scan3A_163 iter_args(%scan3A_167 = %scan3A_159) -> (i32)  : i32 {
        %mul3A_168 = arith.constant 2 : i32
        %mul3A_169 = arith.muli %mul3A_168, %scan3A_166 : i32
        %add3A_170 = arith.constant 1 : i32
        %add3A_171 = arith.addi %mul3A_169, %add3A_170 : i32
        %dma_start3A_172 = arith.constant 0 : i32
        %dma_start3A_173 = tpu.memref_slice %arg10[%add3A_171, %dma_start3A_172] : memref<32x128xi32, #tpu.memory_space<vmem>> -> memref<1x128xi32, #tpu.memory_space<vmem>>
        %dma_start3A_174 = tpu.memref_squeeze %dma_start3A_173 : memref<1x128xi32, #tpu.memory_space<vmem>> -> memref<128xi32, #tpu.memory_space<vmem>>
        %dma_start3A_175 = arith.constant 0 : i32
        %dma_start3A_176 = arith.constant 0 : i32
        %dma_start3A_177 = tpu.memref_slice %arg5[%dma_start3A_175, %dma_start3A_176] : memref<10000x128xf32, #tpu.memory_space<hbm>> -> memref<10000x128xf32, #tpu.memory_space<hbm>>
        tpu.enqueue_indirect_dma source(%dma_start3A_177 : memref<10000x128xf32, #tpu.memory_space<hbm>>) target(%arg13 : memref<128x128xf32, #tpu.memory_space<vmem>>) offsets(%dma_start3A_174 : memref<128xi32, #tpu.memory_space<vmem>>) semaphore(%arg16 : memref<!tpu.dma_semaphore, #tpu.memory_space<semaphore_mem>>)
        %dma_wait3A = arith.constant 0 : i32
        %dma_wait3A_178 = tpu.memref_slice %arg10[%mul3A_169, %dma_wait3A] : memref<32x128xi32, #tpu.memory_space<vmem>> -> memref<1x128xi32, #tpu.memory_space<vmem>>
        %dma_wait3A_179 = tpu.memref_squeeze %dma_wait3A_178 : memref<1x128xi32, #tpu.memory_space<vmem>> -> memref<128xi32, #tpu.memory_space<vmem>>
        %dma_wait3A_180 = arith.constant 0 : i32
        %dma_wait3A_181 = arith.constant 0 : i32
        %dma_wait3A_182 = tpu.memref_slice %arg5[%dma_wait3A_180, %dma_wait3A_181] : memref<10000x128xf32, #tpu.memory_space<hbm>> -> memref<10000x128xf32, #tpu.memory_space<hbm>>
        tpu.wait_indirect_dma semaphore(%arg15 : memref<!tpu.dma_semaphore, #tpu.memory_space<semaphore_mem>>) src(%dma_wait3A_182 : memref<10000x128xf32, #tpu.memory_space<hbm>>) dst(%arg12 : memref<128x128xf32, #tpu.memory_space<vmem>>)
        "tpu.region"() ({
          %run_scoped3A = tpu.sem_alloc : memref<!tpu.dma_semaphore, #tpu.memory_space<semaphore_mem>>
          %dma_start3A_196 = arith.constant 0 : i32
          %dma_start3A_197 = tpu.memref_slice %arg11[%mul3A_169, %dma_start3A_196] : memref<32x128xi32, #tpu.memory_space<vmem>> -> memref<1x128xi32, #tpu.memory_space<vmem>>
          %dma_start3A_198 = tpu.memref_squeeze %dma_start3A_197 : memref<1x128xi32, #tpu.memory_space<vmem>> -> memref<128xi32, #tpu.memory_space<vmem>>
          %dma_start3A_199 = arith.constant 0 : i32
          %dma_start3A_200 = arith.constant 0 : i32
          %dma_start3A_201 = tpu.memref_slice %arg14[%dma_start3A_199, %dma_start3A_200] : memref<10240x128xf32, #tpu.memory_space<vmem_shared>> -> memref<10240x128xf32, #tpu.memory_space<vmem_shared>>
          tpu.enqueue_indirect_dma source(%arg12 : memref<128x128xf32, #tpu.memory_space<vmem>>) target(%dma_start3A_201 : memref<10240x128xf32, #tpu.memory_space<vmem_shared>>) offsets(%dma_start3A_198 : memref<128xi32, #tpu.memory_space<vmem>>) semaphore(%run_scoped3A : memref<!tpu.dma_semaphore, #tpu.memory_space<semaphore_mem>>) {add = true}
          %dma_wait3A_202 = arith.constant 0 : i32
          %dma_wait3A_203 = tpu.memref_slice %arg11[%mul3A_169, %dma_wait3A_202] : memref<32x128xi32, #tpu.memory_space<vmem>> -> memref<1x128xi32, #tpu.memory_space<vmem>>
          %dma_wait3A_204 = tpu.memref_squeeze %dma_wait3A_203 : memref<1x128xi32, #tpu.memory_space<vmem>> -> memref<128xi32, #tpu.memory_space<vmem>>
          %dma_wait3A_205 = arith.constant 0 : i32
          %dma_wait3A_206 = arith.constant 0 : i32
          %dma_wait3A_207 = tpu.memref_slice %arg14[%dma_wait3A_205, %dma_wait3A_206] : memref<10240x128xf32, #tpu.memory_space<vmem_shared>> -> memref<10240x128xf32, #tpu.memory_space<vmem_shared>>
          tpu.wait_indirect_dma semaphore(%run_scoped3A : memref<!tpu.dma_semaphore, #tpu.memory_space<semaphore_mem>>) src(%arg12 : memref<128x128xf32, #tpu.memory_space<vmem>>) dst(%dma_wait3A_207 : memref<10240x128xf32, #tpu.memory_space<vmem_shared>>)
          tpu.yield
        }) : () -> ()
        %add3A_183 = arith.constant 1 : i32
        %add3A_184 = arith.addi %add3A_171, %add3A_183 : i32
        %lt3A = arith.constant 32 : i32
        %lt3A_185 = arith.cmpi slt, %add3A_184, %lt3A : i32
        %convert_element_type3A_186 = arith.extui %lt3A_185 : i1 to i32
        %cond3A_187 = arith.constant 0 : i32
        %cond3A_188 = arith.cmpi ne, %convert_element_type3A_186, %cond3A_187 : i32
        scf.if %cond3A_188 {
          %add3A_196 = arith.constant 1 : i32
          %add3A_197 = arith.addi %add3A_171, %add3A_196 : i32
          %dma_start3A_198 = arith.constant 0 : i32
          %dma_start3A_199 = tpu.memref_slice %arg10[%add3A_197, %dma_start3A_198] : memref<32x128xi32, #tpu.memory_space<vmem>> -> memref<1x128xi32, #tpu.memory_space<vmem>>
          %dma_start3A_200 = tpu.memref_squeeze %dma_start3A_199 : memref<1x128xi32, #tpu.memory_space<vmem>> -> memref<128xi32, #tpu.memory_space<vmem>>
          %dma_start3A_201 = arith.constant 0 : i32
          %dma_start3A_202 = arith.constant 0 : i32
          %dma_start3A_203 = tpu.memref_slice %arg5[%dma_start3A_201, %dma_start3A_202] : memref<10000x128xf32, #tpu.memory_space<hbm>> -> memref<10000x128xf32, #tpu.memory_space<hbm>>
          tpu.enqueue_indirect_dma source(%dma_start3A_203 : memref<10000x128xf32, #tpu.memory_space<hbm>>) target(%arg12 : memref<128x128xf32, #tpu.memory_space<vmem>>) offsets(%dma_start3A_200 : memref<128xi32, #tpu.memory_space<vmem>>) semaphore(%arg15 : memref<!tpu.dma_semaphore, #tpu.memory_space<semaphore_mem>>)
        } else {
        }
        %dma_wait3A_189 = arith.constant 0 : i32
        %dma_wait3A_190 = tpu.memref_slice %arg10[%add3A_171, %dma_wait3A_189] : memref<32x128xi32, #tpu.memory_space<vmem>> -> memref<1x128xi32, #tpu.memory_space<vmem>>
        %dma_wait3A_191 = tpu.memref_squeeze %dma_wait3A_190 : memref<1x128xi32, #tpu.memory_space<vmem>> -> memref<128xi32, #tpu.memory_space<vmem>>
        %dma_wait3A_192 = arith.constant 0 : i32
        %dma_wait3A_193 = arith.constant 0 : i32
        %dma_wait3A_194 = tpu.memref_slice %arg5[%dma_wait3A_192, %dma_wait3A_193] : memref<10000x128xf32, #tpu.memory_space<hbm>> -> memref<10000x128xf32, #tpu.memory_space<hbm>>
        tpu.wait_indirect_dma semaphore(%arg16 : memref<!tpu.dma_semaphore, #tpu.memory_space<semaphore_mem>>) src(%dma_wait3A_194 : memref<10000x128xf32, #tpu.memory_space<hbm>>) dst(%arg13 : memref<128x128xf32, #tpu.memory_space<vmem>>)
        "tpu.region"() ({
          %run_scoped3A = tpu.sem_alloc : memref<!tpu.dma_semaphore, #tpu.memory_space<semaphore_mem>>
          %dma_start3A_196 = arith.constant 0 : i32
          %dma_start3A_197 = tpu.memref_slice %arg11[%add3A_171, %dma_start3A_196] : memref<32x128xi32, #tpu.memory_space<vmem>> -> memref<1x128xi32, #tpu.memory_space<vmem>>
          %dma_start3A_198 = tpu.memref_squeeze %dma_start3A_197 : memref<1x128xi32, #tpu.memory_space<vmem>> -> memref<128xi32, #tpu.memory_space<vmem>>
          %dma_start3A_199 = arith.constant 0 : i32
          %dma_start3A_200 = arith.constant 0 : i32
          %dma_start3A_201 = tpu.memref_slice %arg14[%dma_start3A_199, %dma_start3A_200] : memref<10240x128xf32, #tpu.memory_space<vmem_shared>> -> memref<10240x128xf32, #tpu.memory_space<vmem_shared>>
          tpu.enqueue_indirect_dma source(%arg13 : memref<128x128xf32, #tpu.memory_space<vmem>>) target(%dma_start3A_201 : memref<10240x128xf32, #tpu.memory_space<vmem_shared>>) offsets(%dma_start3A_198 : memref<128xi32, #tpu.memory_space<vmem>>) semaphore(%run_scoped3A : memref<!tpu.dma_semaphore, #tpu.memory_space<semaphore_mem>>) {add = true}
          %dma_wait3A_202 = arith.constant 0 : i32
          %dma_wait3A_203 = tpu.memref_slice %arg11[%add3A_171, %dma_wait3A_202] : memref<32x128xi32, #tpu.memory_space<vmem>> -> memref<1x128xi32, #tpu.memory_space<vmem>>
          %dma_wait3A_204 = tpu.memref_squeeze %dma_wait3A_203 : memref<1x128xi32, #tpu.memory_space<vmem>> -> memref<128xi32, #tpu.memory_space<vmem>>
          %dma_wait3A_205 = arith.constant 0 : i32
          %dma_wait3A_206 = arith.constant 0 : i32
          %dma_wait3A_207 = tpu.memref_slice %arg14[%dma_wait3A_205, %dma_wait3A_206] : memref<10240x128xf32, #tpu.memory_space<vmem_shared>> -> memref<10240x128xf32, #tpu.memory_space<vmem_shared>>
          tpu.wait_indirect_dma semaphore(%run_scoped3A : memref<!tpu.dma_semaphore, #tpu.memory_space<semaphore_mem>>) src(%arg13 : memref<128x128xf32, #tpu.memory_space<vmem>>) dst(%dma_wait3A_207 : memref<10240x128xf32, #tpu.memory_space<vmem_shared>>)
          tpu.yield
        }) : () -> ()
        %scan3A_195 = arith.constant 0 : i32
        scf.yield %scan3A_195 : i32
      }
      %scan3A_165 = arith.constant 16 : i32
    } else {
    }
    %gt3A_93 = arith.constant 3 : i32
    %gt3A_94 = arith.cmpi sgt, %select_n3A_21, %gt3A_93 : i32
    %convert_element_type3A_95 = arith.extui %gt3A_94 : i1 to i32
    %cond3A_96 = arith.constant 0 : i32
    %cond3A_97 = arith.cmpi ne, %convert_element_type3A_95, %cond3A_96 : i32
    scf.if %cond3A_97 {
      %add3A_151 = arith.constant 96 : i32
      %add3A_152 = arith.addi %add3A, %add3A_151 : i32
      "tpu.region"() ({
        %run_scoped3A = tpu.sem_alloc : memref<!tpu.dma_semaphore, #tpu.memory_space<semaphore_mem>>
        %dma_start3A_166 = arith.constant 0 : i32
        %dma_start3A_167 = tpu.memref_slice %arg2[%add3A_152, %dma_start3A_166] : memref<2560x128xi32, #tpu.memory_space<hbm>> -> memref<32x128xi32, #tpu.memory_space<hbm>>
        %dma_start3A_168 = arith.constant 0 : i32
        %dma_start3A_169 = tpu.memref_slice %arg2[%add3A_152, %dma_start3A_168] : memref<2560x128xi32, #tpu.memory_space<hbm>> -> memref<32x128xi32, #tpu.memory_space<hbm>>
        tpu.enqueue_dma source(%dma_start3A_169 : memref<32x128xi32, #tpu.memory_space<hbm>>) target(%arg10 : memref<32x128xi32, #tpu.memory_space<vmem>>) target_semaphore(%run_scoped3A : memref<!tpu.dma_semaphore, #tpu.memory_space<semaphore_mem>>)
        %dma_wait3A = arith.constant 0 : i32
        %dma_wait3A_170 = tpu.memref_slice %arg2[%add3A_152, %dma_wait3A] : memref<2560x128xi32, #tpu.memory_space<hbm>> -> memref<32x128xi32, #tpu.memory_space<hbm>>
        %dma_wait3A_171 = arith.constant 0 : i32
        %dma_wait3A_172 = tpu.memref_slice %arg2[%add3A_152, %dma_wait3A_171] : memref<2560x128xi32, #tpu.memory_space<hbm>> -> memref<32x128xi32, #tpu.memory_space<hbm>>
        tpu.wait_dma2 semaphore(%run_scoped3A : memref<!tpu.dma_semaphore, #tpu.memory_space<semaphore_mem>>) src(%dma_wait3A_172 : memref<32x128xi32, #tpu.memory_space<hbm>>) dst(%arg10 : memref<32x128xi32, #tpu.memory_space<vmem>>)
        tpu.yield
      }) : () -> ()
      "tpu.region"() ({
        %run_scoped3A = tpu.sem_alloc : memref<!tpu.dma_semaphore, #tpu.memory_space<semaphore_mem>>
        %dma_start3A_166 = arith.constant 0 : i32
        %dma_start3A_167 = tpu.memref_slice %arg3[%add3A_152, %dma_start3A_166] : memref<2560x128xi32, #tpu.memory_space<hbm>> -> memref<32x128xi32, #tpu.memory_space<hbm>>
        %dma_start3A_168 = arith.constant 0 : i32
        %dma_start3A_169 = tpu.memref_slice %arg3[%add3A_152, %dma_start3A_168] : memref<2560x128xi32, #tpu.memory_space<hbm>> -> memref<32x128xi32, #tpu.memory_space<hbm>>
        tpu.enqueue_dma source(%dma_start3A_169 : memref<32x128xi32, #tpu.memory_space<hbm>>) target(%arg11 : memref<32x128xi32, #tpu.memory_space<vmem>>) target_semaphore(%run_scoped3A : memref<!tpu.dma_semaphore, #tpu.memory_space<semaphore_mem>>)
        %dma_wait3A = arith.constant 0 : i32
        %dma_wait3A_170 = tpu.memref_slice %arg3[%add3A_152, %dma_wait3A] : memref<2560x128xi32, #tpu.memory_space<hbm>> -> memref<32x128xi32, #tpu.memory_space<hbm>>
        %dma_wait3A_171 = arith.constant 0 : i32
        %dma_wait3A_172 = tpu.memref_slice %arg3[%add3A_152, %dma_wait3A_171] : memref<2560x128xi32, #tpu.memory_space<hbm>> -> memref<32x128xi32, #tpu.memory_space<hbm>>
        tpu.wait_dma2 semaphore(%run_scoped3A : memref<!tpu.dma_semaphore, #tpu.memory_space<semaphore_mem>>) src(%dma_wait3A_172 : memref<32x128xi32, #tpu.memory_space<hbm>>) dst(%arg11 : memref<32x128xi32, #tpu.memory_space<vmem>>)
        tpu.yield
      }) : () -> ()
      %dma_start3A = arith.constant 0 : i32
      %dma_start3A_153 = arith.constant 0 : i32
      %dma_start3A_154 = tpu.memref_slice %arg10[%dma_start3A, %dma_start3A_153] : memref<32x128xi32, #tpu.memory_space<vmem>> -> memref<1x128xi32, #tpu.memory_space<vmem>>
      %dma_start3A_155 = tpu.memref_squeeze %dma_start3A_154 : memref<1x128xi32, #tpu.memory_space<vmem>> -> memref<128xi32, #tpu.memory_space<vmem>>
      %dma_start3A_156 = arith.constant 0 : i32
      %dma_start3A_157 = arith.constant 0 : i32
      %dma_start3A_158 = tpu.memref_slice %arg5[%dma_start3A_156, %dma_start3A_157] : memref<10000x128xf32, #tpu.memory_space<hbm>> -> memref<10000x128xf32, #tpu.memory_space<hbm>>
      tpu.enqueue_indirect_dma source(%dma_start3A_158 : memref<10000x128xf32, #tpu.memory_space<hbm>>) target(%arg12 : memref<128x128xf32, #tpu.memory_space<vmem>>) offsets(%dma_start3A_155 : memref<128xi32, #tpu.memory_space<vmem>>) semaphore(%arg15 : memref<!tpu.dma_semaphore, #tpu.memory_space<semaphore_mem>>)
      %scan3A_159 = arith.constant 0 : i32
      %scan3A_160 = arith.constant 0 : i32
      %scan3A_161 = arith.constant 16 : i32
      %scan3A_162 = arith.addi %scan3A_160, %scan3A_161 : i32
      %scan3A_163 = arith.constant 1 : i32
      %scan3A_164 = scf.for %scan3A_166 = %scan3A_160 to %scan3A_162 step %scan3A_163 iter_args(%scan3A_167 = %scan3A_159) -> (i32)  : i32 {
        %mul3A_168 = arith.constant 2 : i32
        %mul3A_169 = arith.muli %mul3A_168, %scan3A_166 : i32
        %add3A_170 = arith.constant 1 : i32
        %add3A_171 = arith.addi %mul3A_169, %add3A_170 : i32
        %dma_start3A_172 = arith.constant 0 : i32
        %dma_start3A_173 = tpu.memref_slice %arg10[%add3A_171, %dma_start3A_172] : memref<32x128xi32, #tpu.memory_space<vmem>> -> memref<1x128xi32, #tpu.memory_space<vmem>>
        %dma_start3A_174 = tpu.memref_squeeze %dma_start3A_173 : memref<1x128xi32, #tpu.memory_space<vmem>> -> memref<128xi32, #tpu.memory_space<vmem>>
        %dma_start3A_175 = arith.constant 0 : i32
        %dma_start3A_176 = arith.constant 0 : i32
        %dma_start3A_177 = tpu.memref_slice %arg5[%dma_start3A_175, %dma_start3A_176] : memref<10000x128xf32, #tpu.memory_space<hbm>> -> memref<10000x128xf32, #tpu.memory_space<hbm>>
        tpu.enqueue_indirect_dma source(%dma_start3A_177 : memref<10000x128xf32, #tpu.memory_space<hbm>>) target(%arg13 : memref<128x128xf32, #tpu.memory_space<vmem>>) offsets(%dma_start3A_174 : memref<128xi32, #tpu.memory_space<vmem>>) semaphore(%arg16 : memref<!tpu.dma_semaphore, #tpu.memory_space<semaphore_mem>>)
        %dma_wait3A = arith.constant 0 : i32
        %dma_wait3A_178 = tpu.memref_slice %arg10[%mul3A_169, %dma_wait3A] : memref<32x128xi32, #tpu.memory_space<vmem>> -> memref<1x128xi32, #tpu.memory_space<vmem>>
        %dma_wait3A_179 = tpu.memref_squeeze %dma_wait3A_178 : memref<1x128xi32, #tpu.memory_space<vmem>> -> memref<128xi32, #tpu.memory_space<vmem>>
        %dma_wait3A_180 = arith.constant 0 : i32
        %dma_wait3A_181 = arith.constant 0 : i32
        %dma_wait3A_182 = tpu.memref_slice %arg5[%dma_wait3A_180, %dma_wait3A_181] : memref<10000x128xf32, #tpu.memory_space<hbm>> -> memref<10000x128xf32, #tpu.memory_space<hbm>>
        tpu.wait_indirect_dma semaphore(%arg15 : memref<!tpu.dma_semaphore, #tpu.memory_space<semaphore_mem>>) src(%dma_wait3A_182 : memref<10000x128xf32, #tpu.memory_space<hbm>>) dst(%arg12 : memref<128x128xf32, #tpu.memory_space<vmem>>)
        "tpu.region"() ({
          %run_scoped3A = tpu.sem_alloc : memref<!tpu.dma_semaphore, #tpu.memory_space<semaphore_mem>>
          %dma_start3A_196 = arith.constant 0 : i32
          %dma_start3A_197 = tpu.memref_slice %arg11[%mul3A_169, %dma_start3A_196] : memref<32x128xi32, #tpu.memory_space<vmem>> -> memref<1x128xi32, #tpu.memory_space<vmem>>
          %dma_start3A_198 = tpu.memref_squeeze %dma_start3A_197 : memref<1x128xi32, #tpu.memory_space<vmem>> -> memref<128xi32, #tpu.memory_space<vmem>>
          %dma_start3A_199 = arith.constant 0 : i32
          %dma_start3A_200 = arith.constant 0 : i32
          %dma_start3A_201 = tpu.memref_slice %arg14[%dma_start3A_199, %dma_start3A_200] : memref<10240x128xf32, #tpu.memory_space<vmem_shared>> -> memref<10240x128xf32, #tpu.memory_space<vmem_shared>>
          tpu.enqueue_indirect_dma source(%arg12 : memref<128x128xf32, #tpu.memory_space<vmem>>) target(%dma_start3A_201 : memref<10240x128xf32, #tpu.memory_space<vmem_shared>>) offsets(%dma_start3A_198 : memref<128xi32, #tpu.memory_space<vmem>>) semaphore(%run_scoped3A : memref<!tpu.dma_semaphore, #tpu.memory_space<semaphore_mem>>) {add = true}
          %dma_wait3A_202 = arith.constant 0 : i32
          %dma_wait3A_203 = tpu.memref_slice %arg11[%mul3A_169, %dma_wait3A_202] : memref<32x128xi32, #tpu.memory_space<vmem>> -> memref<1x128xi32, #tpu.memory_space<vmem>>
          %dma_wait3A_204 = tpu.memref_squeeze %dma_wait3A_203 : memref<1x128xi32, #tpu.memory_space<vmem>> -> memref<128xi32, #tpu.memory_space<vmem>>
          %dma_wait3A_205 = arith.constant 0 : i32
          %dma_wait3A_206 = arith.constant 0 : i32
          %dma_wait3A_207 = tpu.memref_slice %arg14[%dma_wait3A_205, %dma_wait3A_206] : memref<10240x128xf32, #tpu.memory_space<vmem_shared>> -> memref<10240x128xf32, #tpu.memory_space<vmem_shared>>
          tpu.wait_indirect_dma semaphore(%run_scoped3A : memref<!tpu.dma_semaphore, #tpu.memory_space<semaphore_mem>>) src(%arg12 : memref<128x128xf32, #tpu.memory_space<vmem>>) dst(%dma_wait3A_207 : memref<10240x128xf32, #tpu.memory_space<vmem_shared>>)
          tpu.yield
        }) : () -> ()
        %add3A_183 = arith.constant 1 : i32
        %add3A_184 = arith.addi %add3A_171, %add3A_183 : i32
        %lt3A = arith.constant 32 : i32
        %lt3A_185 = arith.cmpi slt, %add3A_184, %lt3A : i32
        %convert_element_type3A_186 = arith.extui %lt3A_185 : i1 to i32
        %cond3A_187 = arith.constant 0 : i32
        %cond3A_188 = arith.cmpi ne, %convert_element_type3A_186, %cond3A_187 : i32
        scf.if %cond3A_188 {
          %add3A_196 = arith.constant 1 : i32
          %add3A_197 = arith.addi %add3A_171, %add3A_196 : i32
          %dma_start3A_198 = arith.constant 0 : i32
          %dma_start3A_199 = tpu.memref_slice %arg10[%add3A_197, %dma_start3A_198] : memref<32x128xi32, #tpu.memory_space<vmem>> -> memref<1x128xi32, #tpu.memory_space<vmem>>
          %dma_start3A_200 = tpu.memref_squeeze %dma_start3A_199 : memref<1x128xi32, #tpu.memory_space<vmem>> -> memref<128xi32, #tpu.memory_space<vmem>>
          %dma_start3A_201 = arith.constant 0 : i32
          %dma_start3A_202 = arith.constant 0 : i32
          %dma_start3A_203 = tpu.memref_slice %arg5[%dma_start3A_201, %dma_start3A_202] : memref<10000x128xf32, #tpu.memory_space<hbm>> -> memref<10000x128xf32, #tpu.memory_space<hbm>>
          tpu.enqueue_indirect_dma source(%dma_start3A_203 : memref<10000x128xf32, #tpu.memory_space<hbm>>) target(%arg12 : memref<128x128xf32, #tpu.memory_space<vmem>>) offsets(%dma_start3A_200 : memref<128xi32, #tpu.memory_space<vmem>>) semaphore(%arg15 : memref<!tpu.dma_semaphore, #tpu.memory_space<semaphore_mem>>)
        } else {
        }
        %dma_wait3A_189 = arith.constant 0 : i32
        %dma_wait3A_190 = tpu.memref_slice %arg10[%add3A_171, %dma_wait3A_189] : memref<32x128xi32, #tpu.memory_space<vmem>> -> memref<1x128xi32, #tpu.memory_space<vmem>>
        %dma_wait3A_191 = tpu.memref_squeeze %dma_wait3A_190 : memref<1x128xi32, #tpu.memory_space<vmem>> -> memref<128xi32, #tpu.memory_space<vmem>>
        %dma_wait3A_192 = arith.constant 0 : i32
        %dma_wait3A_193 = arith.constant 0 : i32
        %dma_wait3A_194 = tpu.memref_slice %arg5[%dma_wait3A_192, %dma_wait3A_193] : memref<10000x128xf32, #tpu.memory_space<hbm>> -> memref<10000x128xf32, #tpu.memory_space<hbm>>
        tpu.wait_indirect_dma semaphore(%arg16 : memref<!tpu.dma_semaphore, #tpu.memory_space<semaphore_mem>>) src(%dma_wait3A_194 : memref<10000x128xf32, #tpu.memory_space<hbm>>) dst(%arg13 : memref<128x128xf32, #tpu.memory_space<vmem>>)
        "tpu.region"() ({
          %run_scoped3A = tpu.sem_alloc : memref<!tpu.dma_semaphore, #tpu.memory_space<semaphore_mem>>
          %dma_start3A_196 = arith.constant 0 : i32
          %dma_start3A_197 = tpu.memref_slice %arg11[%add3A_171, %dma_start3A_196] : memref<32x128xi32, #tpu.memory_space<vmem>> -> memref<1x128xi32, #tpu.memory_space<vmem>>
          %dma_start3A_198 = tpu.memref_squeeze %dma_start3A_197 : memref<1x128xi32, #tpu.memory_space<vmem>> -> memref<128xi32, #tpu.memory_space<vmem>>
          %dma_start3A_199 = arith.constant 0 : i32
          %dma_start3A_200 = arith.constant 0 : i32
          %dma_start3A_201 = tpu.memref_slice %arg14[%dma_start3A_199, %dma_start3A_200] : memref<10240x128xf32, #tpu.memory_space<vmem_shared>> -> memref<10240x128xf32, #tpu.memory_space<vmem_shared>>
          tpu.enqueue_indirect_dma source(%arg13 : memref<128x128xf32, #tpu.memory_space<vmem>>) target(%dma_start3A_201 : memref<10240x128xf32, #tpu.memory_space<vmem_shared>>) offsets(%dma_start3A_198 : memref<128xi32, #tpu.memory_space<vmem>>) semaphore(%run_scoped3A : memref<!tpu.dma_semaphore, #tpu.memory_space<semaphore_mem>>) {add = true}
          %dma_wait3A_202 = arith.constant 0 : i32
          %dma_wait3A_203 = tpu.memref_slice %arg11[%add3A_171, %dma_wait3A_202] : memref<32x128xi32, #tpu.memory_space<vmem>> -> memref<1x128xi32, #tpu.memory_space<vmem>>
          %dma_wait3A_204 = tpu.memref_squeeze %dma_wait3A_203 : memref<1x128xi32, #tpu.memory_space<vmem>> -> memref<128xi32, #tpu.memory_space<vmem>>
          %dma_wait3A_205 = arith.constant 0 : i32
          %dma_wait3A_206 = arith.constant 0 : i32
          %dma_wait3A_207 = tpu.memref_slice %arg14[%dma_wait3A_205, %dma_wait3A_206] : memref<10240x128xf32, #tpu.memory_space<vmem_shared>> -> memref<10240x128xf32, #tpu.memory_space<vmem_shared>>
          tpu.wait_indirect_dma semaphore(%run_scoped3A : memref<!tpu.dma_semaphore, #tpu.memory_space<semaphore_mem>>) src(%arg13 : memref<128x128xf32, #tpu.memory_space<vmem>>) dst(%dma_wait3A_207 : memref<10240x128xf32, #tpu.memory_space<vmem_shared>>)
          tpu.yield
        }) : () -> ()
        %scan3A_195 = arith.constant 0 : i32
        scf.yield %scan3A_195 : i32
      }
      %scan3A_165 = arith.constant 16 : i32
    } else {
    }
    %barrier3A_98 = arith.constant 0 : index
    tpu.barrier barrier_id(%barrier3A_98)
    %mul3A_99 = arith.constant 640 : i32
    %mul3A_100 = arith.muli %arg1, %mul3A_99 : i32
    %mul3A_101 = arith.constant 10240 : i32
    %mul3A_102 = arith.muli %arg0, %mul3A_101 : i32
    %mul3A_103 = arith.constant 640 : i32
    %mul3A_104 = arith.muli %arg1, %mul3A_103 : i32
    %add3A_105 = arith.addi %mul3A_102, %mul3A_104 : i32
    "tpu.region"() ({
      %run_scoped3A = tpu.sem_alloc : memref<!tpu.dma_semaphore, #tpu.memory_space<semaphore_mem>>
      %dma_start3A = arith.constant 0 : i32
      %dma_start3A_151 = tpu.memref_slice %arg8[%add3A_105, %dma_start3A] : memref<20480x128xf32, #tpu.memory_space<hbm>> -> memref<640x128xf32, #tpu.memory_space<hbm>>
      %dma_start3A_152 = arith.constant 0 : i32
      %dma_start3A_153 = tpu.memref_slice %arg14[%mul3A_100, %dma_start3A_152] : memref<10240x128xf32, #tpu.memory_space<vmem_shared>> -> memref<640x128xf32, #tpu.memory_space<vmem_shared>>
      tpu.enqueue_dma source(%dma_start3A_153 : memref<640x128xf32, #tpu.memory_space<vmem_shared>>) target(%dma_start3A_151 : memref<640x128xf32, #tpu.memory_space<hbm>>) target_semaphore(%run_scoped3A : memref<!tpu.dma_semaphore, #tpu.memory_space<semaphore_mem>>)
      %dma_wait3A = arith.constant 0 : i32
      %dma_wait3A_154 = tpu.memref_slice %arg8[%add3A_105, %dma_wait3A] : memref<20480x128xf32, #tpu.memory_space<hbm>> -> memref<640x128xf32, #tpu.memory_space<hbm>>
      %dma_wait3A_155 = arith.constant 0 : i32
      %dma_wait3A_156 = tpu.memref_slice %arg14[%mul3A_100, %dma_wait3A_155] : memref<10240x128xf32, #tpu.memory_space<vmem_shared>> -> memref<640x128xf32, #tpu.memory_space<vmem_shared>>
      tpu.wait_dma2 semaphore(%run_scoped3A : memref<!tpu.dma_semaphore, #tpu.memory_space<semaphore_mem>>) src(%dma_wait3A_156 : memref<640x128xf32, #tpu.memory_space<vmem_shared>>) dst(%dma_wait3A_154 : memref<640x128xf32, #tpu.memory_space<hbm>>)
      tpu.yield
    }) : () -> ()
    %broadcast_in_dim3A_106 = arith.constant 0.000000e+00 : f32
    %broadcast_in_dim3A_107 = vector.broadcast %broadcast_in_dim3A_106 : f32 to vector<16xf32>
    %scan3A_108 = arith.constant 0 : i32
    %scan3A_109 = arith.constant 0 : i32
    %scan3A_110 = arith.constant 128 : i32
    %scan3A_111 = arith.addi %scan3A_109, %scan3A_110 : i32
    %scan3A_112 = arith.constant 1 : i32
    %scan3A_113 = scf.for %scan3A_151 = %scan3A_109 to %scan3A_111 step %scan3A_112 iter_args(%scan3A_152 = %scan3A_108) -> (i32)  : i32 {
      %scan3A_153 = arith.constant 0 : i32
      %scan3A_154 = arith.constant 0 : i32
      %scan3A_155 = arith.constant 8 : i32
      %scan3A_156 = arith.addi %scan3A_154, %scan3A_155 : i32
      %scan3A_157 = arith.constant 1 : i32
      %scan3A_158 = scf.for %scan3A_160 = %scan3A_154 to %scan3A_156 step %scan3A_157 iter_args(%scan3A_161 = %scan3A_153) -> (i32)  : i32 {
        %mul3A_162 = arith.constant 16 : i32
        %mul3A_163 = arith.muli %scan3A_160, %mul3A_162 : i32
        %swap3A = arith.index_cast %scan3A_151 : i32 to index
        %swap3A_164 = arith.index_cast %mul3A_163 : i32 to index
        %swap3A_165 = tpu.vector_load %arg12[%swap3A, %swap3A_164] {strides = array<i32>} : memref<128x128xf32, #tpu.memory_space<vmem>>, vector<1x16xf32>,
        %swap3A_166 = vector.shape_cast %swap3A_165 : vector<1x16xf32> to vector<16xf32>
        %swap3A_167 = vector.shape_cast %broadcast_in_dim3A_107 : vector<16xf32> to vector<1x16xf32>
        tpu.vector_store %arg12[%swap3A, %swap3A_164], %swap3A_167 {strides = array<i32>} : memref<128x128xf32, #tpu.memory_space<vmem>>, vector<1x16xf32>,
        %scan3A_168 = arith.constant 0 : i32
        scf.yield %scan3A_168 : i32
      }
      %scan3A_159 = arith.constant 8 : i32
      scf.yield %scan3A_158 : i32
    }
    %scan3A_114 = arith.constant 128 : i32
    %scan3A_115 = arith.constant 0 : i32
    %scan3A_116 = arith.constant 0 : i32
    %scan3A_117 = arith.constant 5 : i32
    %scan3A_118 = arith.addi %scan3A_116, %scan3A_117 : i32
    %scan3A_119 = arith.constant 1 : i32
    %scan3A_120 = scf.for %scan3A_151 = %scan3A_116 to %scan3A_118 step %scan3A_119 iter_args(%scan3A_152 = %scan3A_115) -> (i32)  : i32 {
      %mul3A_153 = arith.constant 640 : i32
      %mul3A_154 = arith.muli %arg1, %mul3A_153 : i32
      %mul3A_155 = arith.constant 128 : i32
      %mul3A_156 = arith.muli %scan3A_151, %mul3A_155 : i32
      %add3A_157 = arith.addi %mul3A_154, %mul3A_156 : i32
      "tpu.region"() ({
        %run_scoped3A = tpu.sem_alloc : memref<!tpu.dma_semaphore, #tpu.memory_space<semaphore_mem>>
        %dma_start3A = arith.constant 0 : i32
        %dma_start3A_159 = tpu.memref_slice %arg14[%add3A_157, %dma_start3A] : memref<10240x128xf32, #tpu.memory_space<vmem_shared>> -> memref<128x128xf32, #tpu.memory_space<vmem_shared>>
        %dma_start3A_160 = arith.constant 0 : i32
        %dma_start3A_161 = tpu.memref_slice %arg14[%add3A_157, %dma_start3A_160] : memref<10240x128xf32, #tpu.memory_space<vmem_shared>> -> memref<128x128xf32, #tpu.memory_space<vmem_shared>>
        tpu.enqueue_dma source(%arg12 : memref<128x128xf32, #tpu.memory_space<vmem>>) target(%dma_start3A_161 : memref<128x128xf32, #tpu.memory_space<vmem_shared>>) target_semaphore(%run_scoped3A : memref<!tpu.dma_semaphore, #tpu.memory_space<semaphore_mem>>)
        %dma_wait3A = arith.constant 0 : i32
        %dma_wait3A_162 = tpu.memref_slice %arg14[%add3A_157, %dma_wait3A] : memref<10240x128xf32, #tpu.memory_space<vmem_shared>> -> memref<128x128xf32, #tpu.memory_space<vmem_shared>>
        %dma_wait3A_163 = arith.constant 0 : i32
        %dma_wait3A_164 = tpu.memref_slice %arg14[%add3A_157, %dma_wait3A_163] : memref<10240x128xf32, #tpu.memory_space<vmem_shared>> -> memref<128x128xf32, #tpu.memory_space<vmem_shared>>
        tpu.wait_dma2 semaphore(%run_scoped3A : memref<!tpu.dma_semaphore, #tpu.memory_space<semaphore_mem>>) src(%arg12 : memref<128x128xf32, #tpu.memory_space<vmem>>) dst(%dma_wait3A_164 : memref<128x128xf32, #tpu.memory_space<vmem_shared>>)
        tpu.yield
      }) : () -> ()
      %scan3A_158 = arith.constant 0 : i32
      scf.yield %scan3A_158 : i32
    }
    %scan3A_121 = arith.constant 5 : i32
    %barrier3A_122 = arith.constant 0 : index
    tpu.barrier barrier_id(%barrier3A_122)
    %gt3A_123 = arith.constant 0 : i32
    %gt3A_124 = arith.cmpi sgt, %select_n3A_21, %gt3A_123 : i32
    %convert_element_type3A_125 = arith.extui %gt3A_124 : i1 to i32
    %cond3A_126 = arith.constant 0 : i32
    %cond3A_127 = arith.cmpi ne, %convert_element_type3A_125, %cond3A_126 : i32
    scf.if %cond3A_127 {
      %add3A_151 = arith.constant 0 : i32
      %add3A_152 = arith.addi %add3A, %add3A_151 : i32
      "tpu.region"() ({
        %run_scoped3A = tpu.sem_alloc : memref<!tpu.dma_semaphore, #tpu.memory_space<semaphore_mem>>
        %dma_start3A_166 = arith.constant 0 : i32
        %dma_start3A_167 = tpu.memref_slice %arg2[%add3A_152, %dma_start3A_166] : memref<2560x128xi32, #tpu.memory_space<hbm>> -> memref<32x128xi32, #tpu.memory_space<hbm>>
        %dma_start3A_168 = arith.constant 0 : i32
        %dma_start3A_169 = tpu.memref_slice %arg2[%add3A_152, %dma_start3A_168] : memref<2560x128xi32, #tpu.memory_space<hbm>> -> memref<32x128xi32, #tpu.memory_space<hbm>>
        tpu.enqueue_dma source(%dma_start3A_169 : memref<32x128xi32, #tpu.memory_space<hbm>>) target(%arg10 : memref<32x128xi32, #tpu.memory_space<vmem>>) target_semaphore(%run_scoped3A : memref<!tpu.dma_semaphore, #tpu.memory_space<semaphore_mem>>)
        %dma_wait3A = arith.constant 0 : i32
        %dma_wait3A_170 = tpu.memref_slice %arg2[%add3A_152, %dma_wait3A] : memref<2560x128xi32, #tpu.memory_space<hbm>> -> memref<32x128xi32, #tpu.memory_space<hbm>>
        %dma_wait3A_171 = arith.constant 0 : i32
        %dma_wait3A_172 = tpu.memref_slice %arg2[%add3A_152, %dma_wait3A_171] : memref<2560x128xi32, #tpu.memory_space<hbm>> -> memref<32x128xi32, #tpu.memory_space<hbm>>
        tpu.wait_dma2 semaphore(%run_scoped3A : memref<!tpu.dma_semaphore, #tpu.memory_space<semaphore_mem>>) src(%dma_wait3A_172 : memref<32x128xi32, #tpu.memory_space<hbm>>) dst(%arg10 : memref<32x128xi32, #tpu.memory_space<vmem>>)
        tpu.yield
      }) : () -> ()
      "tpu.region"() ({
        %run_scoped3A = tpu.sem_alloc : memref<!tpu.dma_semaphore, #tpu.memory_space<semaphore_mem>>
        %dma_start3A_166 = arith.constant 0 : i32
        %dma_start3A_167 = tpu.memref_slice %arg3[%add3A_152, %dma_start3A_166] : memref<2560x128xi32, #tpu.memory_space<hbm>> -> memref<32x128xi32, #tpu.memory_space<hbm>>
        %dma_start3A_168 = arith.constant 0 : i32
        %dma_start3A_169 = tpu.memref_slice %arg3[%add3A_152, %dma_start3A_168] : memref<2560x128xi32, #tpu.memory_space<hbm>> -> memref<32x128xi32, #tpu.memory_space<hbm>>
        tpu.enqueue_dma source(%dma_start3A_169 : memref<32x128xi32, #tpu.memory_space<hbm>>) target(%arg11 : memref<32x128xi32, #tpu.memory_space<vmem>>) target_semaphore(%run_scoped3A : memref<!tpu.dma_semaphore, #tpu.memory_space<semaphore_mem>>)
        %dma_wait3A = arith.constant 0 : i32
        %dma_wait3A_170 = tpu.memref_slice %arg3[%add3A_152, %dma_wait3A] : memref<2560x128xi32, #tpu.memory_space<hbm>> -> memref<32x128xi32, #tpu.memory_space<hbm>>
        %dma_wait3A_171 = arith.constant 0 : i32
        %dma_wait3A_172 = tpu.memref_slice %arg3[%add3A_152, %dma_wait3A_171] : memref<2560x128xi32, #tpu.memory_space<hbm>> -> memref<32x128xi32, #tpu.memory_space<hbm>>
        tpu.wait_dma2 semaphore(%run_scoped3A : memref<!tpu.dma_semaphore, #tpu.memory_space<semaphore_mem>>) src(%dma_wait3A_172 : memref<32x128xi32, #tpu.memory_space<hbm>>) dst(%arg11 : memref<32x128xi32, #tpu.memory_space<vmem>>)
        tpu.yield
      }) : () -> ()
      %dma_start3A = arith.constant 0 : i32
      %dma_start3A_153 = arith.constant 0 : i32
      %dma_start3A_154 = tpu.memref_slice %arg10[%dma_start3A, %dma_start3A_153] : memref<32x128xi32, #tpu.memory_space<vmem>> -> memref<1x128xi32, #tpu.memory_space<vmem>>
      %dma_start3A_155 = tpu.memref_squeeze %dma_start3A_154 : memref<1x128xi32, #tpu.memory_space<vmem>> -> memref<128xi32, #tpu.memory_space<vmem>>
      %dma_start3A_156 = arith.constant 0 : i32
      %dma_start3A_157 = arith.constant 0 : i32
      %dma_start3A_158 = tpu.memref_slice %arg6[%dma_start3A_156, %dma_start3A_157] : memref<10000x128xf32, #tpu.memory_space<hbm>> -> memref<10000x128xf32, #tpu.memory_space<hbm>>
      tpu.enqueue_indirect_dma source(%dma_start3A_158 : memref<10000x128xf32, #tpu.memory_space<hbm>>) target(%arg12 : memref<128x128xf32, #tpu.memory_space<vmem>>) offsets(%dma_start3A_155 : memref<128xi32, #tpu.memory_space<vmem>>) semaphore(%arg15 : memref<!tpu.dma_semaphore, #tpu.memory_space<semaphore_mem>>)
      %scan3A_159 = arith.constant 0 : i32
      %scan3A_160 = arith.constant 0 : i32
      %scan3A_161 = arith.constant 16 : i32
      %scan3A_162 = arith.addi %scan3A_160, %scan3A_161 : i32
      %scan3A_163 = arith.constant 1 : i32
      %scan3A_164 = scf.for %scan3A_166 = %scan3A_160 to %scan3A_162 step %scan3A_163 iter_args(%scan3A_167 = %scan3A_159) -> (i32)  : i32 {
        %mul3A_168 = arith.constant 2 : i32
        %mul3A_169 = arith.muli %mul3A_168, %scan3A_166 : i32
        %add3A_170 = arith.constant 1 : i32
        %add3A_171 = arith.addi %mul3A_169, %add3A_170 : i32
        %dma_start3A_172 = arith.constant 0 : i32
        %dma_start3A_173 = tpu.memref_slice %arg10[%add3A_171, %dma_start3A_172] : memref<32x128xi32, #tpu.memory_space<vmem>> -> memref<1x128xi32, #tpu.memory_space<vmem>>
        %dma_start3A_174 = tpu.memref_squeeze %dma_start3A_173 : memref<1x128xi32, #tpu.memory_space<vmem>> -> memref<128xi32, #tpu.memory_space<vmem>>
        %dma_start3A_175 = arith.constant 0 : i32
        %dma_start3A_176 = arith.constant 0 : i32
        %dma_start3A_177 = tpu.memref_slice %arg6[%dma_start3A_175, %dma_start3A_176] : memref<10000x128xf32, #tpu.memory_space<hbm>> -> memref<10000x128xf32, #tpu.memory_space<hbm>>
        tpu.enqueue_indirect_dma source(%dma_start3A_177 : memref<10000x128xf32, #tpu.memory_space<hbm>>) target(%arg13 : memref<128x128xf32, #tpu.memory_space<vmem>>) offsets(%dma_start3A_174 : memref<128xi32, #tpu.memory_space<vmem>>) semaphore(%arg16 : memref<!tpu.dma_semaphore, #tpu.memory_space<semaphore_mem>>)
        %dma_wait3A = arith.constant 0 : i32
        %dma_wait3A_178 = tpu.memref_slice %arg10[%mul3A_169, %dma_wait3A] : memref<32x128xi32, #tpu.memory_space<vmem>> -> memref<1x128xi32, #tpu.memory_space<vmem>>
        %dma_wait3A_179 = tpu.memref_squeeze %dma_wait3A_178 : memref<1x128xi32, #tpu.memory_space<vmem>> -> memref<128xi32, #tpu.memory_space<vmem>>
        %dma_wait3A_180 = arith.constant 0 : i32
        %dma_wait3A_181 = arith.constant 0 : i32
        %dma_wait3A_182 = tpu.memref_slice %arg6[%dma_wait3A_180, %dma_wait3A_181] : memref<10000x128xf32, #tpu.memory_space<hbm>> -> memref<10000x128xf32, #tpu.memory_space<hbm>>
        tpu.wait_indirect_dma semaphore(%arg15 : memref<!tpu.dma_semaphore, #tpu.memory_space<semaphore_mem>>) src(%dma_wait3A_182 : memref<10000x128xf32, #tpu.memory_space<hbm>>) dst(%arg12 : memref<128x128xf32, #tpu.memory_space<vmem>>)
        "tpu.region"() ({
          %run_scoped3A = tpu.sem_alloc : memref<!tpu.dma_semaphore, #tpu.memory_space<semaphore_mem>>
          %dma_start3A_196 = arith.constant 0 : i32
          %dma_start3A_197 = tpu.memref_slice %arg11[%mul3A_169, %dma_start3A_196] : memref<32x128xi32, #tpu.memory_space<vmem>> -> memref<1x128xi32, #tpu.memory_space<vmem>>
          %dma_start3A_198 = tpu.memref_squeeze %dma_start3A_197 : memref<1x128xi32, #tpu.memory_space<vmem>> -> memref<128xi32, #tpu.memory_space<vmem>>
          %dma_start3A_199 = arith.constant 0 : i32
          %dma_start3A_200 = arith.constant 0 : i32
          %dma_start3A_201 = tpu.memref_slice %arg14[%dma_start3A_199, %dma_start3A_200] : memref<10240x128xf32, #tpu.memory_space<vmem_shared>> -> memref<10240x128xf32, #tpu.memory_space<vmem_shared>>
          tpu.enqueue_indirect_dma source(%arg12 : memref<128x128xf32, #tpu.memory_space<vmem>>) target(%dma_start3A_201 : memref<10240x128xf32, #tpu.memory_space<vmem_shared>>) offsets(%dma_start3A_198 : memref<128xi32, #tpu.memory_space<vmem>>) semaphore(%run_scoped3A : memref<!tpu.dma_semaphore, #tpu.memory_space<semaphore_mem>>) {add = true}
          %dma_wait3A_202 = arith.constant 0 : i32
          %dma_wait3A_203 = tpu.memref_slice %arg11[%mul3A_169, %dma_wait3A_202] : memref<32x128xi32, #tpu.memory_space<vmem>> -> memref<1x128xi32, #tpu.memory_space<vmem>>
          %dma_wait3A_204 = tpu.memref_squeeze %dma_wait3A_203 : memref<1x128xi32, #tpu.memory_space<vmem>> -> memref<128xi32, #tpu.memory_space<vmem>>
          %dma_wait3A_205 = arith.constant 0 : i32
          %dma_wait3A_206 = arith.constant 0 : i32
          %dma_wait3A_207 = tpu.memref_slice %arg14[%dma_wait3A_205, %dma_wait3A_206] : memref<10240x128xf32, #tpu.memory_space<vmem_shared>> -> memref<10240x128xf32, #tpu.memory_space<vmem_shared>>
          tpu.wait_indirect_dma semaphore(%run_scoped3A : memref<!tpu.dma_semaphore, #tpu.memory_space<semaphore_mem>>) src(%arg12 : memref<128x128xf32, #tpu.memory_space<vmem>>) dst(%dma_wait3A_207 : memref<10240x128xf32, #tpu.memory_space<vmem_shared>>)
          tpu.yield
        }) : () -> ()
        %add3A_183 = arith.constant 1 : i32
        %add3A_184 = arith.addi %add3A_171, %add3A_183 : i32
        %lt3A = arith.constant 32 : i32
        %lt3A_185 = arith.cmpi slt, %add3A_184, %lt3A : i32
        %convert_element_type3A_186 = arith.extui %lt3A_185 : i1 to i32
        %cond3A_187 = arith.constant 0 : i32
        %cond3A_188 = arith.cmpi ne, %convert_element_type3A_186, %cond3A_187 : i32
        scf.if %cond3A_188 {
          %add3A_196 = arith.constant 1 : i32
          %add3A_197 = arith.addi %add3A_171, %add3A_196 : i32
          %dma_start3A_198 = arith.constant 0 : i32
          %dma_start3A_199 = tpu.memref_slice %arg10[%add3A_197, %dma_start3A_198] : memref<32x128xi32, #tpu.memory_space<vmem>> -> memref<1x128xi32, #tpu.memory_space<vmem>>
          %dma_start3A_200 = tpu.memref_squeeze %dma_start3A_199 : memref<1x128xi32, #tpu.memory_space<vmem>> -> memref<128xi32, #tpu.memory_space<vmem>>
          %dma_start3A_201 = arith.constant 0 : i32
          %dma_start3A_202 = arith.constant 0 : i32
          %dma_start3A_203 = tpu.memref_slice %arg6[%dma_start3A_201, %dma_start3A_202] : memref<10000x128xf32, #tpu.memory_space<hbm>> -> memref<10000x128xf32, #tpu.memory_space<hbm>>
          tpu.enqueue_indirect_dma source(%dma_start3A_203 : memref<10000x128xf32, #tpu.memory_space<hbm>>) target(%arg12 : memref<128x128xf32, #tpu.memory_space<vmem>>) offsets(%dma_start3A_200 : memref<128xi32, #tpu.memory_space<vmem>>) semaphore(%arg15 : memref<!tpu.dma_semaphore, #tpu.memory_space<semaphore_mem>>)
        } else {
        }
        %dma_wait3A_189 = arith.constant 0 : i32
        %dma_wait3A_190 = tpu.memref_slice %arg10[%add3A_171, %dma_wait3A_189] : memref<32x128xi32, #tpu.memory_space<vmem>> -> memref<1x128xi32, #tpu.memory_space<vmem>>
        %dma_wait3A_191 = tpu.memref_squeeze %dma_wait3A_190 : memref<1x128xi32, #tpu.memory_space<vmem>> -> memref<128xi32, #tpu.memory_space<vmem>>
        %dma_wait3A_192 = arith.constant 0 : i32
        %dma_wait3A_193 = arith.constant 0 : i32
        %dma_wait3A_194 = tpu.memref_slice %arg6[%dma_wait3A_192, %dma_wait3A_193] : memref<10000x128xf32, #tpu.memory_space<hbm>> -> memref<10000x128xf32, #tpu.memory_space<hbm>>
        tpu.wait_indirect_dma semaphore(%arg16 : memref<!tpu.dma_semaphore, #tpu.memory_space<semaphore_mem>>) src(%dma_wait3A_194 : memref<10000x128xf32, #tpu.memory_space<hbm>>) dst(%arg13 : memref<128x128xf32, #tpu.memory_space<vmem>>)
        "tpu.region"() ({
          %run_scoped3A = tpu.sem_alloc : memref<!tpu.dma_semaphore, #tpu.memory_space<semaphore_mem>>
          %dma_start3A_196 = arith.constant 0 : i32
          %dma_start3A_197 = tpu.memref_slice %arg11[%add3A_171, %dma_start3A_196] : memref<32x128xi32, #tpu.memory_space<vmem>> -> memref<1x128xi32, #tpu.memory_space<vmem>>
          %dma_start3A_198 = tpu.memref_squeeze %dma_start3A_197 : memref<1x128xi32, #tpu.memory_space<vmem>> -> memref<128xi32, #tpu.memory_space<vmem>>
          %dma_start3A_199 = arith.constant 0 : i32
          %dma_start3A_200 = arith.constant 0 : i32
          %dma_start3A_201 = tpu.memref_slice %arg14[%dma_start3A_199, %dma_start3A_200] : memref<10240x128xf32, #tpu.memory_space<vmem_shared>> -> memref<10240x128xf32, #tpu.memory_space<vmem_shared>>
          tpu.enqueue_indirect_dma source(%arg13 : memref<128x128xf32, #tpu.memory_space<vmem>>) target(%dma_start3A_201 : memref<10240x128xf32, #tpu.memory_space<vmem_shared>>) offsets(%dma_start3A_198 : memref<128xi32, #tpu.memory_space<vmem>>) semaphore(%run_scoped3A : memref<!tpu.dma_semaphore, #tpu.memory_space<semaphore_mem>>) {add = true}
          %dma_wait3A_202 = arith.constant 0 : i32
          %dma_wait3A_203 = tpu.memref_slice %arg11[%add3A_171, %dma_wait3A_202] : memref<32x128xi32, #tpu.memory_space<vmem>> -> memref<1x128xi32, #tpu.memory_space<vmem>>
          %dma_wait3A_204 = tpu.memref_squeeze %dma_wait3A_203 : memref<1x128xi32, #tpu.memory_space<vmem>> -> memref<128xi32, #tpu.memory_space<vmem>>
          %dma_wait3A_205 = arith.constant 0 : i32
          %dma_wait3A_206 = arith.constant 0 : i32
          %dma_wait3A_207 = tpu.memref_slice %arg14[%dma_wait3A_205, %dma_wait3A_206] : memref<10240x128xf32, #tpu.memory_space<vmem_shared>> -> memref<10240x128xf32, #tpu.memory_space<vmem_shared>>
          tpu.wait_indirect_dma semaphore(%run_scoped3A : memref<!tpu.dma_semaphore, #tpu.memory_space<semaphore_mem>>) src(%arg13 : memref<128x128xf32, #tpu.memory_space<vmem>>) dst(%dma_wait3A_207 : memref<10240x128xf32, #tpu.memory_space<vmem_shared>>)
          tpu.yield
        }) : () -> ()
        %scan3A_195 = arith.constant 0 : i32
        scf.yield %scan3A_195 : i32
      }
      %scan3A_165 = arith.constant 16 : i32
    } else {
    }
    %gt3A_128 = arith.constant 1 : i32
    %gt3A_129 = arith.cmpi sgt, %select_n3A_21, %gt3A_128 : i32
    %convert_element_type3A_130 = arith.extui %gt3A_129 : i1 to i32
    %cond3A_131 = arith.constant 0 : i32
    %cond3A_132 = arith.cmpi ne, %convert_element_type3A_130, %cond3A_131 : i32
    scf.if %cond3A_132 {
      %add3A_151 = arith.constant 32 : i32
      %add3A_152 = arith.addi %add3A, %add3A_151 : i32
      "tpu.region"() ({
        %run_scoped3A = tpu.sem_alloc : memref<!tpu.dma_semaphore, #tpu.memory_space<semaphore_mem>>
        %dma_start3A_166 = arith.constant 0 : i32
        %dma_start3A_167 = tpu.memref_slice %arg2[%add3A_152, %dma_start3A_166] : memref<2560x128xi32, #tpu.memory_space<hbm>> -> memref<32x128xi32, #tpu.memory_space<hbm>>
        %dma_start3A_168 = arith.constant 0 : i32
        %dma_start3A_169 = tpu.memref_slice %arg2[%add3A_152, %dma_start3A_168] : memref<2560x128xi32, #tpu.memory_space<hbm>> -> memref<32x128xi32, #tpu.memory_space<hbm>>
        tpu.enqueue_dma source(%dma_start3A_169 : memref<32x128xi32, #tpu.memory_space<hbm>>) target(%arg10 : memref<32x128xi32, #tpu.memory_space<vmem>>) target_semaphore(%run_scoped3A : memref<!tpu.dma_semaphore, #tpu.memory_space<semaphore_mem>>)
        %dma_wait3A = arith.constant 0 : i32
        %dma_wait3A_170 = tpu.memref_slice %arg2[%add3A_152, %dma_wait3A] : memref<2560x128xi32, #tpu.memory_space<hbm>> -> memref<32x128xi32, #tpu.memory_space<hbm>>
        %dma_wait3A_171 = arith.constant 0 : i32
        %dma_wait3A_172 = tpu.memref_slice %arg2[%add3A_152, %dma_wait3A_171] : memref<2560x128xi32, #tpu.memory_space<hbm>> -> memref<32x128xi32, #tpu.memory_space<hbm>>
        tpu.wait_dma2 semaphore(%run_scoped3A : memref<!tpu.dma_semaphore, #tpu.memory_space<semaphore_mem>>) src(%dma_wait3A_172 : memref<32x128xi32, #tpu.memory_space<hbm>>) dst(%arg10 : memref<32x128xi32, #tpu.memory_space<vmem>>)
        tpu.yield
      }) : () -> ()
      "tpu.region"() ({
        %run_scoped3A = tpu.sem_alloc : memref<!tpu.dma_semaphore, #tpu.memory_space<semaphore_mem>>
        %dma_start3A_166 = arith.constant 0 : i32
        %dma_start3A_167 = tpu.memref_slice %arg3[%add3A_152, %dma_start3A_166] : memref<2560x128xi32, #tpu.memory_space<hbm>> -> memref<32x128xi32, #tpu.memory_space<hbm>>
        %dma_start3A_168 = arith.constant 0 : i32
        %dma_start3A_169 = tpu.memref_slice %arg3[%add3A_152, %dma_start3A_168] : memref<2560x128xi32, #tpu.memory_space<hbm>> -> memref<32x128xi32, #tpu.memory_space<hbm>>
        tpu.enqueue_dma source(%dma_start3A_169 : memref<32x128xi32, #tpu.memory_space<hbm>>) target(%arg11 : memref<32x128xi32, #tpu.memory_space<vmem>>) target_semaphore(%run_scoped3A : memref<!tpu.dma_semaphore, #tpu.memory_space<semaphore_mem>>)
        %dma_wait3A = arith.constant 0 : i32
        %dma_wait3A_170 = tpu.memref_slice %arg3[%add3A_152, %dma_wait3A] : memref<2560x128xi32, #tpu.memory_space<hbm>> -> memref<32x128xi32, #tpu.memory_space<hbm>>
        %dma_wait3A_171 = arith.constant 0 : i32
        %dma_wait3A_172 = tpu.memref_slice %arg3[%add3A_152, %dma_wait3A_171] : memref<2560x128xi32, #tpu.memory_space<hbm>> -> memref<32x128xi32, #tpu.memory_space<hbm>>
        tpu.wait_dma2 semaphore(%run_scoped3A : memref<!tpu.dma_semaphore, #tpu.memory_space<semaphore_mem>>) src(%dma_wait3A_172 : memref<32x128xi32, #tpu.memory_space<hbm>>) dst(%arg11 : memref<32x128xi32, #tpu.memory_space<vmem>>)
        tpu.yield
      }) : () -> ()
      %dma_start3A = arith.constant 0 : i32
      %dma_start3A_153 = arith.constant 0 : i32
      %dma_start3A_154 = tpu.memref_slice %arg10[%dma_start3A, %dma_start3A_153] : memref<32x128xi32, #tpu.memory_space<vmem>> -> memref<1x128xi32, #tpu.memory_space<vmem>>
      %dma_start3A_155 = tpu.memref_squeeze %dma_start3A_154 : memref<1x128xi32, #tpu.memory_space<vmem>> -> memref<128xi32, #tpu.memory_space<vmem>>
      %dma_start3A_156 = arith.constant 0 : i32
      %dma_start3A_157 = arith.constant 0 : i32
      %dma_start3A_158 = tpu.memref_slice %arg6[%dma_start3A_156, %dma_start3A_157] : memref<10000x128xf32, #tpu.memory_space<hbm>> -> memref<10000x128xf32, #tpu.memory_space<hbm>>
      tpu.enqueue_indirect_dma source(%dma_start3A_158 : memref<10000x128xf32, #tpu.memory_space<hbm>>) target(%arg12 : memref<128x128xf32, #tpu.memory_space<vmem>>) offsets(%dma_start3A_155 : memref<128xi32, #tpu.memory_space<vmem>>) semaphore(%arg15 : memref<!tpu.dma_semaphore, #tpu.memory_space<semaphore_mem>>)
      %scan3A_159 = arith.constant 0 : i32
      %scan3A_160 = arith.constant 0 : i32
      %scan3A_161 = arith.constant 16 : i32
      %scan3A_162 = arith.addi %scan3A_160, %scan3A_161 : i32
      %scan3A_163 = arith.constant 1 : i32
      %scan3A_164 = scf.for %scan3A_166 = %scan3A_160 to %scan3A_162 step %scan3A_163 iter_args(%scan3A_167 = %scan3A_159) -> (i32)  : i32 {
        %mul3A_168 = arith.constant 2 : i32
        %mul3A_169 = arith.muli %mul3A_168, %scan3A_166 : i32
        %add3A_170 = arith.constant 1 : i32
        %add3A_171 = arith.addi %mul3A_169, %add3A_170 : i32
        %dma_start3A_172 = arith.constant 0 : i32
        %dma_start3A_173 = tpu.memref_slice %arg10[%add3A_171, %dma_start3A_172] : memref<32x128xi32, #tpu.memory_space<vmem>> -> memref<1x128xi32, #tpu.memory_space<vmem>>
        %dma_start3A_174 = tpu.memref_squeeze %dma_start3A_173 : memref<1x128xi32, #tpu.memory_space<vmem>> -> memref<128xi32, #tpu.memory_space<vmem>>
        %dma_start3A_175 = arith.constant 0 : i32
        %dma_start3A_176 = arith.constant 0 : i32
        %dma_start3A_177 = tpu.memref_slice %arg6[%dma_start3A_175, %dma_start3A_176] : memref<10000x128xf32, #tpu.memory_space<hbm>> -> memref<10000x128xf32, #tpu.memory_space<hbm>>
        tpu.enqueue_indirect_dma source(%dma_start3A_177 : memref<10000x128xf32, #tpu.memory_space<hbm>>) target(%arg13 : memref<128x128xf32, #tpu.memory_space<vmem>>) offsets(%dma_start3A_174 : memref<128xi32, #tpu.memory_space<vmem>>) semaphore(%arg16 : memref<!tpu.dma_semaphore, #tpu.memory_space<semaphore_mem>>)
        %dma_wait3A = arith.constant 0 : i32
        %dma_wait3A_178 = tpu.memref_slice %arg10[%mul3A_169, %dma_wait3A] : memref<32x128xi32, #tpu.memory_space<vmem>> -> memref<1x128xi32, #tpu.memory_space<vmem>>
        %dma_wait3A_179 = tpu.memref_squeeze %dma_wait3A_178 : memref<1x128xi32, #tpu.memory_space<vmem>> -> memref<128xi32, #tpu.memory_space<vmem>>
        %dma_wait3A_180 = arith.constant 0 : i32
        %dma_wait3A_181 = arith.constant 0 : i32
        %dma_wait3A_182 = tpu.memref_slice %arg6[%dma_wait3A_180, %dma_wait3A_181] : memref<10000x128xf32, #tpu.memory_space<hbm>> -> memref<10000x128xf32, #tpu.memory_space<hbm>>
        tpu.wait_indirect_dma semaphore(%arg15 : memref<!tpu.dma_semaphore, #tpu.memory_space<semaphore_mem>>) src(%dma_wait3A_182 : memref<10000x128xf32, #tpu.memory_space<hbm>>) dst(%arg12 : memref<128x128xf32, #tpu.memory_space<vmem>>)
        "tpu.region"() ({
          %run_scoped3A = tpu.sem_alloc : memref<!tpu.dma_semaphore, #tpu.memory_space<semaphore_mem>>
          %dma_start3A_196 = arith.constant 0 : i32
          %dma_start3A_197 = tpu.memref_slice %arg11[%mul3A_169, %dma_start3A_196] : memref<32x128xi32, #tpu.memory_space<vmem>> -> memref<1x128xi32, #tpu.memory_space<vmem>>
          %dma_start3A_198 = tpu.memref_squeeze %dma_start3A_197 : memref<1x128xi32, #tpu.memory_space<vmem>> -> memref<128xi32, #tpu.memory_space<vmem>>
          %dma_start3A_199 = arith.constant 0 : i32
          %dma_start3A_200 = arith.constant 0 : i32
          %dma_start3A_201 = tpu.memref_slice %arg14[%dma_start3A_199, %dma_start3A_200] : memref<10240x128xf32, #tpu.memory_space<vmem_shared>> -> memref<10240x128xf32, #tpu.memory_space<vmem_shared>>
          tpu.enqueue_indirect_dma source(%arg12 : memref<128x128xf32, #tpu.memory_space<vmem>>) target(%dma_start3A_201 : memref<10240x128xf32, #tpu.memory_space<vmem_shared>>) offsets(%dma_start3A_198 : memref<128xi32, #tpu.memory_space<vmem>>) semaphore(%run_scoped3A : memref<!tpu.dma_semaphore, #tpu.memory_space<semaphore_mem>>) {add = true}
          %dma_wait3A_202 = arith.constant 0 : i32
          %dma_wait3A_203 = tpu.memref_slice %arg11[%mul3A_169, %dma_wait3A_202] : memref<32x128xi32, #tpu.memory_space<vmem>> -> memref<1x128xi32, #tpu.memory_space<vmem>>
          %dma_wait3A_204 = tpu.memref_squeeze %dma_wait3A_203 : memref<1x128xi32, #tpu.memory_space<vmem>> -> memref<128xi32, #tpu.memory_space<vmem>>
          %dma_wait3A_205 = arith.constant 0 : i32
          %dma_wait3A_206 = arith.constant 0 : i32
          %dma_wait3A_207 = tpu.memref_slice %arg14[%dma_wait3A_205, %dma_wait3A_206] : memref<10240x128xf32, #tpu.memory_space<vmem_shared>> -> memref<10240x128xf32, #tpu.memory_space<vmem_shared>>
          tpu.wait_indirect_dma semaphore(%run_scoped3A : memref<!tpu.dma_semaphore, #tpu.memory_space<semaphore_mem>>) src(%arg12 : memref<128x128xf32, #tpu.memory_space<vmem>>) dst(%dma_wait3A_207 : memref<10240x128xf32, #tpu.memory_space<vmem_shared>>)
          tpu.yield
        }) : () -> ()
        %add3A_183 = arith.constant 1 : i32
        %add3A_184 = arith.addi %add3A_171, %add3A_183 : i32
        %lt3A = arith.constant 32 : i32
        %lt3A_185 = arith.cmpi slt, %add3A_184, %lt3A : i32
        %convert_element_type3A_186 = arith.extui %lt3A_185 : i1 to i32
        %cond3A_187 = arith.constant 0 : i32
        %cond3A_188 = arith.cmpi ne, %convert_element_type3A_186, %cond3A_187 : i32
        scf.if %cond3A_188 {
          %add3A_196 = arith.constant 1 : i32
          %add3A_197 = arith.addi %add3A_171, %add3A_196 : i32
          %dma_start3A_198 = arith.constant 0 : i32
          %dma_start3A_199 = tpu.memref_slice %arg10[%add3A_197, %dma_start3A_198] : memref<32x128xi32, #tpu.memory_space<vmem>> -> memref<1x128xi32, #tpu.memory_space<vmem>>
          %dma_start3A_200 = tpu.memref_squeeze %dma_start3A_199 : memref<1x128xi32, #tpu.memory_space<vmem>> -> memref<128xi32, #tpu.memory_space<vmem>>
          %dma_start3A_201 = arith.constant 0 : i32
          %dma_start3A_202 = arith.constant 0 : i32
          %dma_start3A_203 = tpu.memref_slice %arg6[%dma_start3A_201, %dma_start3A_202] : memref<10000x128xf32, #tpu.memory_space<hbm>> -> memref<10000x128xf32, #tpu.memory_space<hbm>>
          tpu.enqueue_indirect_dma source(%dma_start3A_203 : memref<10000x128xf32, #tpu.memory_space<hbm>>) target(%arg12 : memref<128x128xf32, #tpu.memory_space<vmem>>) offsets(%dma_start3A_200 : memref<128xi32, #tpu.memory_space<vmem>>) semaphore(%arg15 : memref<!tpu.dma_semaphore, #tpu.memory_space<semaphore_mem>>)
        } else {
        }
        %dma_wait3A_189 = arith.constant 0 : i32
        %dma_wait3A_190 = tpu.memref_slice %arg10[%add3A_171, %dma_wait3A_189] : memref<32x128xi32, #tpu.memory_space<vmem>> -> memref<1x128xi32, #tpu.memory_space<vmem>>
        %dma_wait3A_191 = tpu.memref_squeeze %dma_wait3A_190 : memref<1x128xi32, #tpu.memory_space<vmem>> -> memref<128xi32, #tpu.memory_space<vmem>>
        %dma_wait3A_192 = arith.constant 0 : i32
        %dma_wait3A_193 = arith.constant 0 : i32
        %dma_wait3A_194 = tpu.memref_slice %arg6[%dma_wait3A_192, %dma_wait3A_193] : memref<10000x128xf32, #tpu.memory_space<hbm>> -> memref<10000x128xf32, #tpu.memory_space<hbm>>
        tpu.wait_indirect_dma semaphore(%arg16 : memref<!tpu.dma_semaphore, #tpu.memory_space<semaphore_mem>>) src(%dma_wait3A_194 : memref<10000x128xf32, #tpu.memory_space<hbm>>) dst(%arg13 : memref<128x128xf32, #tpu.memory_space<vmem>>)
        "tpu.region"() ({
          %run_scoped3A = tpu.sem_alloc : memref<!tpu.dma_semaphore, #tpu.memory_space<semaphore_mem>>
          %dma_start3A_196 = arith.constant 0 : i32
          %dma_start3A_197 = tpu.memref_slice %arg11[%add3A_171, %dma_start3A_196] : memref<32x128xi32, #tpu.memory_space<vmem>> -> memref<1x128xi32, #tpu.memory_space<vmem>>
          %dma_start3A_198 = tpu.memref_squeeze %dma_start3A_197 : memref<1x128xi32, #tpu.memory_space<vmem>> -> memref<128xi32, #tpu.memory_space<vmem>>
          %dma_start3A_199 = arith.constant 0 : i32
          %dma_start3A_200 = arith.constant 0 : i32
          %dma_start3A_201 = tpu.memref_slice %arg14[%dma_start3A_199, %dma_start3A_200] : memref<10240x128xf32, #tpu.memory_space<vmem_shared>> -> memref<10240x128xf32, #tpu.memory_space<vmem_shared>>
          tpu.enqueue_indirect_dma source(%arg13 : memref<128x128xf32, #tpu.memory_space<vmem>>) target(%dma_start3A_201 : memref<10240x128xf32, #tpu.memory_space<vmem_shared>>) offsets(%dma_start3A_198 : memref<128xi32, #tpu.memory_space<vmem>>) semaphore(%run_scoped3A : memref<!tpu.dma_semaphore, #tpu.memory_space<semaphore_mem>>) {add = true}
          %dma_wait3A_202 = arith.constant 0 : i32
          %dma_wait3A_203 = tpu.memref_slice %arg11[%add3A_171, %dma_wait3A_202] : memref<32x128xi32, #tpu.memory_space<vmem>> -> memref<1x128xi32, #tpu.memory_space<vmem>>
          %dma_wait3A_204 = tpu.memref_squeeze %dma_wait3A_203 : memref<1x128xi32, #tpu.memory_space<vmem>> -> memref<128xi32, #tpu.memory_space<vmem>>
          %dma_wait3A_205 = arith.constant 0 : i32
          %dma_wait3A_206 = arith.constant 0 : i32
          %dma_wait3A_207 = tpu.memref_slice %arg14[%dma_wait3A_205, %dma_wait3A_206] : memref<10240x128xf32, #tpu.memory_space<vmem_shared>> -> memref<10240x128xf32, #tpu.memory_space<vmem_shared>>
          tpu.wait_indirect_dma semaphore(%run_scoped3A : memref<!tpu.dma_semaphore, #tpu.memory_space<semaphore_mem>>) src(%arg13 : memref<128x128xf32, #tpu.memory_space<vmem>>) dst(%dma_wait3A_207 : memref<10240x128xf32, #tpu.memory_space<vmem_shared>>)
          tpu.yield
        }) : () -> ()
        %scan3A_195 = arith.constant 0 : i32
        scf.yield %scan3A_195 : i32
      }
      %scan3A_165 = arith.constant 16 : i32
    } else {
    }
    %gt3A_133 = arith.constant 2 : i32
    %gt3A_134 = arith.cmpi sgt, %select_n3A_21, %gt3A_133 : i32
    %convert_element_type3A_135 = arith.extui %gt3A_134 : i1 to i32
    %cond3A_136 = arith.constant 0 : i32
    %cond3A_137 = arith.cmpi ne, %convert_element_type3A_135, %cond3A_136 : i32
    scf.if %cond3A_137 {
      %add3A_151 = arith.constant 64 : i32
      %add3A_152 = arith.addi %add3A, %add3A_151 : i32
      "tpu.region"() ({
        %run_scoped3A = tpu.sem_alloc : memref<!tpu.dma_semaphore, #tpu.memory_space<semaphore_mem>>
        %dma_start3A_166 = arith.constant 0 : i32
        %dma_start3A_167 = tpu.memref_slice %arg2[%add3A_152, %dma_start3A_166] : memref<2560x128xi32, #tpu.memory_space<hbm>> -> memref<32x128xi32, #tpu.memory_space<hbm>>
        %dma_start3A_168 = arith.constant 0 : i32
        %dma_start3A_169 = tpu.memref_slice %arg2[%add3A_152, %dma_start3A_168] : memref<2560x128xi32, #tpu.memory_space<hbm>> -> memref<32x128xi32, #tpu.memory_space<hbm>>
        tpu.enqueue_dma source(%dma_start3A_169 : memref<32x128xi32, #tpu.memory_space<hbm>>) target(%arg10 : memref<32x128xi32, #tpu.memory_space<vmem>>) target_semaphore(%run_scoped3A : memref<!tpu.dma_semaphore, #tpu.memory_space<semaphore_mem>>)
        %dma_wait3A = arith.constant 0 : i32
        %dma_wait3A_170 = tpu.memref_slice %arg2[%add3A_152, %dma_wait3A] : memref<2560x128xi32, #tpu.memory_space<hbm>> -> memref<32x128xi32, #tpu.memory_space<hbm>>
        %dma_wait3A_171 = arith.constant 0 : i32
        %dma_wait3A_172 = tpu.memref_slice %arg2[%add3A_152, %dma_wait3A_171] : memref<2560x128xi32, #tpu.memory_space<hbm>> -> memref<32x128xi32, #tpu.memory_space<hbm>>
        tpu.wait_dma2 semaphore(%run_scoped3A : memref<!tpu.dma_semaphore, #tpu.memory_space<semaphore_mem>>) src(%dma_wait3A_172 : memref<32x128xi32, #tpu.memory_space<hbm>>) dst(%arg10 : memref<32x128xi32, #tpu.memory_space<vmem>>)
        tpu.yield
      }) : () -> ()
      "tpu.region"() ({
        %run_scoped3A = tpu.sem_alloc : memref<!tpu.dma_semaphore, #tpu.memory_space<semaphore_mem>>
        %dma_start3A_166 = arith.constant 0 : i32
        %dma_start3A_167 = tpu.memref_slice %arg3[%add3A_152, %dma_start3A_166] : memref<2560x128xi32, #tpu.memory_space<hbm>> -> memref<32x128xi32, #tpu.memory_space<hbm>>
        %dma_start3A_168 = arith.constant 0 : i32
        %dma_start3A_169 = tpu.memref_slice %arg3[%add3A_152, %dma_start3A_168] : memref<2560x128xi32, #tpu.memory_space<hbm>> -> memref<32x128xi32, #tpu.memory_space<hbm>>
        tpu.enqueue_dma source(%dma_start3A_169 : memref<32x128xi32, #tpu.memory_space<hbm>>) target(%arg11 : memref<32x128xi32, #tpu.memory_space<vmem>>) target_semaphore(%run_scoped3A : memref<!tpu.dma_semaphore, #tpu.memory_space<semaphore_mem>>)
        %dma_wait3A = arith.constant 0 : i32
        %dma_wait3A_170 = tpu.memref_slice %arg3[%add3A_152, %dma_wait3A] : memref<2560x128xi32, #tpu.memory_space<hbm>> -> memref<32x128xi32, #tpu.memory_space<hbm>>
        %dma_wait3A_171 = arith.constant 0 : i32
        %dma_wait3A_172 = tpu.memref_slice %arg3[%add3A_152, %dma_wait3A_171] : memref<2560x128xi32, #tpu.memory_space<hbm>> -> memref<32x128xi32, #tpu.memory_space<hbm>>
        tpu.wait_dma2 semaphore(%run_scoped3A : memref<!tpu.dma_semaphore, #tpu.memory_space<semaphore_mem>>) src(%dma_wait3A_172 : memref<32x128xi32, #tpu.memory_space<hbm>>) dst(%arg11 : memref<32x128xi32, #tpu.memory_space<vmem>>)
        tpu.yield
      }) : () -> ()
      %dma_start3A = arith.constant 0 : i32
      %dma_start3A_153 = arith.constant 0 : i32
      %dma_start3A_154 = tpu.memref_slice %arg10[%dma_start3A, %dma_start3A_153] : memref<32x128xi32, #tpu.memory_space<vmem>> -> memref<1x128xi32, #tpu.memory_space<vmem>>
      %dma_start3A_155 = tpu.memref_squeeze %dma_start3A_154 : memref<1x128xi32, #tpu.memory_space<vmem>> -> memref<128xi32, #tpu.memory_space<vmem>>
      %dma_start3A_156 = arith.constant 0 : i32
      %dma_start3A_157 = arith.constant 0 : i32
      %dma_start3A_158 = tpu.memref_slice %arg6[%dma_start3A_156, %dma_start3A_157] : memref<10000x128xf32, #tpu.memory_space<hbm>> -> memref<10000x128xf32, #tpu.memory_space<hbm>>
      tpu.enqueue_indirect_dma source(%dma_start3A_158 : memref<10000x128xf32, #tpu.memory_space<hbm>>) target(%arg12 : memref<128x128xf32, #tpu.memory_space<vmem>>) offsets(%dma_start3A_155 : memref<128xi32, #tpu.memory_space<vmem>>) semaphore(%arg15 : memref<!tpu.dma_semaphore, #tpu.memory_space<semaphore_mem>>)
      %scan3A_159 = arith.constant 0 : i32
      %scan3A_160 = arith.constant 0 : i32
      %scan3A_161 = arith.constant 16 : i32
      %scan3A_162 = arith.addi %scan3A_160, %scan3A_161 : i32
      %scan3A_163 = arith.constant 1 : i32
      %scan3A_164 = scf.for %scan3A_166 = %scan3A_160 to %scan3A_162 step %scan3A_163 iter_args(%scan3A_167 = %scan3A_159) -> (i32)  : i32 {
        %mul3A_168 = arith.constant 2 : i32
        %mul3A_169 = arith.muli %mul3A_168, %scan3A_166 : i32
        %add3A_170 = arith.constant 1 : i32
        %add3A_171 = arith.addi %mul3A_169, %add3A_170 : i32
        %dma_start3A_172 = arith.constant 0 : i32
        %dma_start3A_173 = tpu.memref_slice %arg10[%add3A_171, %dma_start3A_172] : memref<32x128xi32, #tpu.memory_space<vmem>> -> memref<1x128xi32, #tpu.memory_space<vmem>>
        %dma_start3A_174 = tpu.memref_squeeze %dma_start3A_173 : memref<1x128xi32, #tpu.memory_space<vmem>> -> memref<128xi32, #tpu.memory_space<vmem>>
        %dma_start3A_175 = arith.constant 0 : i32
        %dma_start3A_176 = arith.constant 0 : i32
        %dma_start3A_177 = tpu.memref_slice %arg6[%dma_start3A_175, %dma_start3A_176] : memref<10000x128xf32, #tpu.memory_space<hbm>> -> memref<10000x128xf32, #tpu.memory_space<hbm>>
        tpu.enqueue_indirect_dma source(%dma_start3A_177 : memref<10000x128xf32, #tpu.memory_space<hbm>>) target(%arg13 : memref<128x128xf32, #tpu.memory_space<vmem>>) offsets(%dma_start3A_174 : memref<128xi32, #tpu.memory_space<vmem>>) semaphore(%arg16 : memref<!tpu.dma_semaphore, #tpu.memory_space<semaphore_mem>>)
        %dma_wait3A = arith.constant 0 : i32
        %dma_wait3A_178 = tpu.memref_slice %arg10[%mul3A_169, %dma_wait3A] : memref<32x128xi32, #tpu.memory_space<vmem>> -> memref<1x128xi32, #tpu.memory_space<vmem>>
        %dma_wait3A_179 = tpu.memref_squeeze %dma_wait3A_178 : memref<1x128xi32, #tpu.memory_space<vmem>> -> memref<128xi32, #tpu.memory_space<vmem>>
        %dma_wait3A_180 = arith.constant 0 : i32
        %dma_wait3A_181 = arith.constant 0 : i32
        %dma_wait3A_182 = tpu.memref_slice %arg6[%dma_wait3A_180, %dma_wait3A_181] : memref<10000x128xf32, #tpu.memory_space<hbm>> -> memref<10000x128xf32, #tpu.memory_space<hbm>>
        tpu.wait_indirect_dma semaphore(%arg15 : memref<!tpu.dma_semaphore, #tpu.memory_space<semaphore_mem>>) src(%dma_wait3A_182 : memref<10000x128xf32, #tpu.memory_space<hbm>>) dst(%arg12 : memref<128x128xf32, #tpu.memory_space<vmem>>)
        "tpu.region"() ({
          %run_scoped3A = tpu.sem_alloc : memref<!tpu.dma_semaphore, #tpu.memory_space<semaphore_mem>>
          %dma_start3A_196 = arith.constant 0 : i32
          %dma_start3A_197 = tpu.memref_slice %arg11[%mul3A_169, %dma_start3A_196] : memref<32x128xi32, #tpu.memory_space<vmem>> -> memref<1x128xi32, #tpu.memory_space<vmem>>
          %dma_start3A_198 = tpu.memref_squeeze %dma_start3A_197 : memref<1x128xi32, #tpu.memory_space<vmem>> -> memref<128xi32, #tpu.memory_space<vmem>>
          %dma_start3A_199 = arith.constant 0 : i32
          %dma_start3A_200 = arith.constant 0 : i32
          %dma_start3A_201 = tpu.memref_slice %arg14[%dma_start3A_199, %dma_start3A_200] : memref<10240x128xf32, #tpu.memory_space<vmem_shared>> -> memref<10240x128xf32, #tpu.memory_space<vmem_shared>>
          tpu.enqueue_indirect_dma source(%arg12 : memref<128x128xf32, #tpu.memory_space<vmem>>) target(%dma_start3A_201 : memref<10240x128xf32, #tpu.memory_space<vmem_shared>>) offsets(%dma_start3A_198 : memref<128xi32, #tpu.memory_space<vmem>>) semaphore(%run_scoped3A : memref<!tpu.dma_semaphore, #tpu.memory_space<semaphore_mem>>) {add = true}
          %dma_wait3A_202 = arith.constant 0 : i32
          %dma_wait3A_203 = tpu.memref_slice %arg11[%mul3A_169, %dma_wait3A_202] : memref<32x128xi32, #tpu.memory_space<vmem>> -> memref<1x128xi32, #tpu.memory_space<vmem>>
          %dma_wait3A_204 = tpu.memref_squeeze %dma_wait3A_203 : memref<1x128xi32, #tpu.memory_space<vmem>> -> memref<128xi32, #tpu.memory_space<vmem>>
          %dma_wait3A_205 = arith.constant 0 : i32
          %dma_wait3A_206 = arith.constant 0 : i32
          %dma_wait3A_207 = tpu.memref_slice %arg14[%dma_wait3A_205, %dma_wait3A_206] : memref<10240x128xf32, #tpu.memory_space<vmem_shared>> -> memref<10240x128xf32, #tpu.memory_space<vmem_shared>>
          tpu.wait_indirect_dma semaphore(%run_scoped3A : memref<!tpu.dma_semaphore, #tpu.memory_space<semaphore_mem>>) src(%arg12 : memref<128x128xf32, #tpu.memory_space<vmem>>) dst(%dma_wait3A_207 : memref<10240x128xf32, #tpu.memory_space<vmem_shared>>)
          tpu.yield
        }) : () -> ()
        %add3A_183 = arith.constant 1 : i32
        %add3A_184 = arith.addi %add3A_171, %add3A_183 : i32
        %lt3A = arith.constant 32 : i32
        %lt3A_185 = arith.cmpi slt, %add3A_184, %lt3A : i32
        %convert_element_type3A_186 = arith.extui %lt3A_185 : i1 to i32
        %cond3A_187 = arith.constant 0 : i32
        %cond3A_188 = arith.cmpi ne, %convert_element_type3A_186, %cond3A_187 : i32
        scf.if %cond3A_188 {
          %add3A_196 = arith.constant 1 : i32
          %add3A_197 = arith.addi %add3A_171, %add3A_196 : i32
          %dma_start3A_198 = arith.constant 0 : i32
          %dma_start3A_199 = tpu.memref_slice %arg10[%add3A_197, %dma_start3A_198] : memref<32x128xi32, #tpu.memory_space<vmem>> -> memref<1x128xi32, #tpu.memory_space<vmem>>
          %dma_start3A_200 = tpu.memref_squeeze %dma_start3A_199 : memref<1x128xi32, #tpu.memory_space<vmem>> -> memref<128xi32, #tpu.memory_space<vmem>>
          %dma_start3A_201 = arith.constant 0 : i32
          %dma_start3A_202 = arith.constant 0 : i32
          %dma_start3A_203 = tpu.memref_slice %arg6[%dma_start3A_201, %dma_start3A_202] : memref<10000x128xf32, #tpu.memory_space<hbm>> -> memref<10000x128xf32, #tpu.memory_space<hbm>>
          tpu.enqueue_indirect_dma source(%dma_start3A_203 : memref<10000x128xf32, #tpu.memory_space<hbm>>) target(%arg12 : memref<128x128xf32, #tpu.memory_space<vmem>>) offsets(%dma_start3A_200 : memref<128xi32, #tpu.memory_space<vmem>>) semaphore(%arg15 : memref<!tpu.dma_semaphore, #tpu.memory_space<semaphore_mem>>)
        } else {
        }
        %dma_wait3A_189 = arith.constant 0 : i32
        %dma_wait3A_190 = tpu.memref_slice %arg10[%add3A_171, %dma_wait3A_189] : memref<32x128xi32, #tpu.memory_space<vmem>> -> memref<1x128xi32, #tpu.memory_space<vmem>>
        %dma_wait3A_191 = tpu.memref_squeeze %dma_wait3A_190 : memref<1x128xi32, #tpu.memory_space<vmem>> -> memref<128xi32, #tpu.memory_space<vmem>>
        %dma_wait3A_192 = arith.constant 0 : i32
        %dma_wait3A_193 = arith.constant 0 : i32
        %dma_wait3A_194 = tpu.memref_slice %arg6[%dma_wait3A_192, %dma_wait3A_193] : memref<10000x128xf32, #tpu.memory_space<hbm>> -> memref<10000x128xf32, #tpu.memory_space<hbm>>
        tpu.wait_indirect_dma semaphore(%arg16 : memref<!tpu.dma_semaphore, #tpu.memory_space<semaphore_mem>>) src(%dma_wait3A_194 : memref<10000x128xf32, #tpu.memory_space<hbm>>) dst(%arg13 : memref<128x128xf32, #tpu.memory_space<vmem>>)
        "tpu.region"() ({
          %run_scoped3A = tpu.sem_alloc : memref<!tpu.dma_semaphore, #tpu.memory_space<semaphore_mem>>
          %dma_start3A_196 = arith.constant 0 : i32
          %dma_start3A_197 = tpu.memref_slice %arg11[%add3A_171, %dma_start3A_196] : memref<32x128xi32, #tpu.memory_space<vmem>> -> memref<1x128xi32, #tpu.memory_space<vmem>>
          %dma_start3A_198 = tpu.memref_squeeze %dma_start3A_197 : memref<1x128xi32, #tpu.memory_space<vmem>> -> memref<128xi32, #tpu.memory_space<vmem>>
          %dma_start3A_199 = arith.constant 0 : i32
          %dma_start3A_200 = arith.constant 0 : i32
          %dma_start3A_201 = tpu.memref_slice %arg14[%dma_start3A_199, %dma_start3A_200] : memref<10240x128xf32, #tpu.memory_space<vmem_shared>> -> memref<10240x128xf32, #tpu.memory_space<vmem_shared>>
          tpu.enqueue_indirect_dma source(%arg13 : memref<128x128xf32, #tpu.memory_space<vmem>>) target(%dma_start3A_201 : memref<10240x128xf32, #tpu.memory_space<vmem_shared>>) offsets(%dma_start3A_198 : memref<128xi32, #tpu.memory_space<vmem>>) semaphore(%run_scoped3A : memref<!tpu.dma_semaphore, #tpu.memory_space<semaphore_mem>>) {add = true}
          %dma_wait3A_202 = arith.constant 0 : i32
          %dma_wait3A_203 = tpu.memref_slice %arg11[%add3A_171, %dma_wait3A_202] : memref<32x128xi32, #tpu.memory_space<vmem>> -> memref<1x128xi32, #tpu.memory_space<vmem>>
          %dma_wait3A_204 = tpu.memref_squeeze %dma_wait3A_203 : memref<1x128xi32, #tpu.memory_space<vmem>> -> memref<128xi32, #tpu.memory_space<vmem>>
          %dma_wait3A_205 = arith.constant 0 : i32
          %dma_wait3A_206 = arith.constant 0 : i32
          %dma_wait3A_207 = tpu.memref_slice %arg14[%dma_wait3A_205, %dma_wait3A_206] : memref<10240x128xf32, #tpu.memory_space<vmem_shared>> -> memref<10240x128xf32, #tpu.memory_space<vmem_shared>>
          tpu.wait_indirect_dma semaphore(%run_scoped3A : memref<!tpu.dma_semaphore, #tpu.memory_space<semaphore_mem>>) src(%arg13 : memref<128x128xf32, #tpu.memory_space<vmem>>) dst(%dma_wait3A_207 : memref<10240x128xf32, #tpu.memory_space<vmem_shared>>)
          tpu.yield
        }) : () -> ()
        %scan3A_195 = arith.constant 0 : i32
        scf.yield %scan3A_195 : i32
      }
      %scan3A_165 = arith.constant 16 : i32
    } else {
    }
    %gt3A_138 = arith.constant 3 : i32
    %gt3A_139 = arith.cmpi sgt, %select_n3A_21, %gt3A_138 : i32
    %convert_element_type3A_140 = arith.extui %gt3A_139 : i1 to i32
    %cond3A_141 = arith.constant 0 : i32
    %cond3A_142 = arith.cmpi ne, %convert_element_type3A_140, %cond3A_141 : i32
    scf.if %cond3A_142 {
      %add3A_151 = arith.constant 96 : i32
      %add3A_152 = arith.addi %add3A, %add3A_151 : i32
      "tpu.region"() ({
        %run_scoped3A = tpu.sem_alloc : memref<!tpu.dma_semaphore, #tpu.memory_space<semaphore_mem>>
        %dma_start3A_166 = arith.constant 0 : i32
        %dma_start3A_167 = tpu.memref_slice %arg2[%add3A_152, %dma_start3A_166] : memref<2560x128xi32, #tpu.memory_space<hbm>> -> memref<32x128xi32, #tpu.memory_space<hbm>>
        %dma_start3A_168 = arith.constant 0 : i32
        %dma_start3A_169 = tpu.memref_slice %arg2[%add3A_152, %dma_start3A_168] : memref<2560x128xi32, #tpu.memory_space<hbm>> -> memref<32x128xi32, #tpu.memory_space<hbm>>
        tpu.enqueue_dma source(%dma_start3A_169 : memref<32x128xi32, #tpu.memory_space<hbm>>) target(%arg10 : memref<32x128xi32, #tpu.memory_space<vmem>>) target_semaphore(%run_scoped3A : memref<!tpu.dma_semaphore, #tpu.memory_space<semaphore_mem>>)
        %dma_wait3A = arith.constant 0 : i32
        %dma_wait3A_170 = tpu.memref_slice %arg2[%add3A_152, %dma_wait3A] : memref<2560x128xi32, #tpu.memory_space<hbm>> -> memref<32x128xi32, #tpu.memory_space<hbm>>
        %dma_wait3A_171 = arith.constant 0 : i32
        %dma_wait3A_172 = tpu.memref_slice %arg2[%add3A_152, %dma_wait3A_171] : memref<2560x128xi32, #tpu.memory_space<hbm>> -> memref<32x128xi32, #tpu.memory_space<hbm>>
        tpu.wait_dma2 semaphore(%run_scoped3A : memref<!tpu.dma_semaphore, #tpu.memory_space<semaphore_mem>>) src(%dma_wait3A_172 : memref<32x128xi32, #tpu.memory_space<hbm>>) dst(%arg10 : memref<32x128xi32, #tpu.memory_space<vmem>>)
        tpu.yield
      }) : () -> ()
      "tpu.region"() ({
        %run_scoped3A = tpu.sem_alloc : memref<!tpu.dma_semaphore, #tpu.memory_space<semaphore_mem>>
        %dma_start3A_166 = arith.constant 0 : i32
        %dma_start3A_167 = tpu.memref_slice %arg3[%add3A_152, %dma_start3A_166] : memref<2560x128xi32, #tpu.memory_space<hbm>> -> memref<32x128xi32, #tpu.memory_space<hbm>>
        %dma_start3A_168 = arith.constant 0 : i32
        %dma_start3A_169 = tpu.memref_slice %arg3[%add3A_152, %dma_start3A_168] : memref<2560x128xi32, #tpu.memory_space<hbm>> -> memref<32x128xi32, #tpu.memory_space<hbm>>
        tpu.enqueue_dma source(%dma_start3A_169 : memref<32x128xi32, #tpu.memory_space<hbm>>) target(%arg11 : memref<32x128xi32, #tpu.memory_space<vmem>>) target_semaphore(%run_scoped3A : memref<!tpu.dma_semaphore, #tpu.memory_space<semaphore_mem>>)
        %dma_wait3A = arith.constant 0 : i32
        %dma_wait3A_170 = tpu.memref_slice %arg3[%add3A_152, %dma_wait3A] : memref<2560x128xi32, #tpu.memory_space<hbm>> -> memref<32x128xi32, #tpu.memory_space<hbm>>
        %dma_wait3A_171 = arith.constant 0 : i32
        %dma_wait3A_172 = tpu.memref_slice %arg3[%add3A_152, %dma_wait3A_171] : memref<2560x128xi32, #tpu.memory_space<hbm>> -> memref<32x128xi32, #tpu.memory_space<hbm>>
        tpu.wait_dma2 semaphore(%run_scoped3A : memref<!tpu.dma_semaphore, #tpu.memory_space<semaphore_mem>>) src(%dma_wait3A_172 : memref<32x128xi32, #tpu.memory_space<hbm>>) dst(%arg11 : memref<32x128xi32, #tpu.memory_space<vmem>>)
        tpu.yield
      }) : () -> ()
      %dma_start3A = arith.constant 0 : i32
      %dma_start3A_153 = arith.constant 0 : i32
      %dma_start3A_154 = tpu.memref_slice %arg10[%dma_start3A, %dma_start3A_153] : memref<32x128xi32, #tpu.memory_space<vmem>> -> memref<1x128xi32, #tpu.memory_space<vmem>>
      %dma_start3A_155 = tpu.memref_squeeze %dma_start3A_154 : memref<1x128xi32, #tpu.memory_space<vmem>> -> memref<128xi32, #tpu.memory_space<vmem>>
      %dma_start3A_156 = arith.constant 0 : i32
      %dma_start3A_157 = arith.constant 0 : i32
      %dma_start3A_158 = tpu.memref_slice %arg6[%dma_start3A_156, %dma_start3A_157] : memref<10000x128xf32, #tpu.memory_space<hbm>> -> memref<10000x128xf32, #tpu.memory_space<hbm>>
      tpu.enqueue_indirect_dma source(%dma_start3A_158 : memref<10000x128xf32, #tpu.memory_space<hbm>>) target(%arg12 : memref<128x128xf32, #tpu.memory_space<vmem>>) offsets(%dma_start3A_155 : memref<128xi32, #tpu.memory_space<vmem>>) semaphore(%arg15 : memref<!tpu.dma_semaphore, #tpu.memory_space<semaphore_mem>>)
      %scan3A_159 = arith.constant 0 : i32
      %scan3A_160 = arith.constant 0 : i32
      %scan3A_161 = arith.constant 16 : i32
      %scan3A_162 = arith.addi %scan3A_160, %scan3A_161 : i32
      %scan3A_163 = arith.constant 1 : i32
      %scan3A_164 = scf.for %scan3A_166 = %scan3A_160 to %scan3A_162 step %scan3A_163 iter_args(%scan3A_167 = %scan3A_159) -> (i32)  : i32 {
        %mul3A_168 = arith.constant 2 : i32
        %mul3A_169 = arith.muli %mul3A_168, %scan3A_166 : i32
        %add3A_170 = arith.constant 1 : i32
        %add3A_171 = arith.addi %mul3A_169, %add3A_170 : i32
        %dma_start3A_172 = arith.constant 0 : i32
        %dma_start3A_173 = tpu.memref_slice %arg10[%add3A_171, %dma_start3A_172] : memref<32x128xi32, #tpu.memory_space<vmem>> -> memref<1x128xi32, #tpu.memory_space<vmem>>
        %dma_start3A_174 = tpu.memref_squeeze %dma_start3A_173 : memref<1x128xi32, #tpu.memory_space<vmem>> -> memref<128xi32, #tpu.memory_space<vmem>>
        %dma_start3A_175 = arith.constant 0 : i32
        %dma_start3A_176 = arith.constant 0 : i32
        %dma_start3A_177 = tpu.memref_slice %arg6[%dma_start3A_175, %dma_start3A_176] : memref<10000x128xf32, #tpu.memory_space<hbm>> -> memref<10000x128xf32, #tpu.memory_space<hbm>>
        tpu.enqueue_indirect_dma source(%dma_start3A_177 : memref<10000x128xf32, #tpu.memory_space<hbm>>) target(%arg13 : memref<128x128xf32, #tpu.memory_space<vmem>>) offsets(%dma_start3A_174 : memref<128xi32, #tpu.memory_space<vmem>>) semaphore(%arg16 : memref<!tpu.dma_semaphore, #tpu.memory_space<semaphore_mem>>)
        %dma_wait3A = arith.constant 0 : i32
        %dma_wait3A_178 = tpu.memref_slice %arg10[%mul3A_169, %dma_wait3A] : memref<32x128xi32, #tpu.memory_space<vmem>> -> memref<1x128xi32, #tpu.memory_space<vmem>>
        %dma_wait3A_179 = tpu.memref_squeeze %dma_wait3A_178 : memref<1x128xi32, #tpu.memory_space<vmem>> -> memref<128xi32, #tpu.memory_space<vmem>>
        %dma_wait3A_180 = arith.constant 0 : i32
        %dma_wait3A_181 = arith.constant 0 : i32
        %dma_wait3A_182 = tpu.memref_slice %arg6[%dma_wait3A_180, %dma_wait3A_181] : memref<10000x128xf32, #tpu.memory_space<hbm>> -> memref<10000x128xf32, #tpu.memory_space<hbm>>
        tpu.wait_indirect_dma semaphore(%arg15 : memref<!tpu.dma_semaphore, #tpu.memory_space<semaphore_mem>>) src(%dma_wait3A_182 : memref<10000x128xf32, #tpu.memory_space<hbm>>) dst(%arg12 : memref<128x128xf32, #tpu.memory_space<vmem>>)
        "tpu.region"() ({
          %run_scoped3A = tpu.sem_alloc : memref<!tpu.dma_semaphore, #tpu.memory_space<semaphore_mem>>
          %dma_start3A_196 = arith.constant 0 : i32
          %dma_start3A_197 = tpu.memref_slice %arg11[%mul3A_169, %dma_start3A_196] : memref<32x128xi32, #tpu.memory_space<vmem>> -> memref<1x128xi32, #tpu.memory_space<vmem>>
          %dma_start3A_198 = tpu.memref_squeeze %dma_start3A_197 : memref<1x128xi32, #tpu.memory_space<vmem>> -> memref<128xi32, #tpu.memory_space<vmem>>
          %dma_start3A_199 = arith.constant 0 : i32
          %dma_start3A_200 = arith.constant 0 : i32
          %dma_start3A_201 = tpu.memref_slice %arg14[%dma_start3A_199, %dma_start3A_200] : memref<10240x128xf32, #tpu.memory_space<vmem_shared>> -> memref<10240x128xf32, #tpu.memory_space<vmem_shared>>
          tpu.enqueue_indirect_dma source(%arg12 : memref<128x128xf32, #tpu.memory_space<vmem>>) target(%dma_start3A_201 : memref<10240x128xf32, #tpu.memory_space<vmem_shared>>) offsets(%dma_start3A_198 : memref<128xi32, #tpu.memory_space<vmem>>) semaphore(%run_scoped3A : memref<!tpu.dma_semaphore, #tpu.memory_space<semaphore_mem>>) {add = true}
          %dma_wait3A_202 = arith.constant 0 : i32
          %dma_wait3A_203 = tpu.memref_slice %arg11[%mul3A_169, %dma_wait3A_202] : memref<32x128xi32, #tpu.memory_space<vmem>> -> memref<1x128xi32, #tpu.memory_space<vmem>>
          %dma_wait3A_204 = tpu.memref_squeeze %dma_wait3A_203 : memref<1x128xi32, #tpu.memory_space<vmem>> -> memref<128xi32, #tpu.memory_space<vmem>>
          %dma_wait3A_205 = arith.constant 0 : i32
          %dma_wait3A_206 = arith.constant 0 : i32
          %dma_wait3A_207 = tpu.memref_slice %arg14[%dma_wait3A_205, %dma_wait3A_206] : memref<10240x128xf32, #tpu.memory_space<vmem_shared>> -> memref<10240x128xf32, #tpu.memory_space<vmem_shared>>
          tpu.wait_indirect_dma semaphore(%run_scoped3A : memref<!tpu.dma_semaphore, #tpu.memory_space<semaphore_mem>>) src(%arg12 : memref<128x128xf32, #tpu.memory_space<vmem>>) dst(%dma_wait3A_207 : memref<10240x128xf32, #tpu.memory_space<vmem_shared>>)
          tpu.yield
        }) : () -> ()
        %add3A_183 = arith.constant 1 : i32
        %add3A_184 = arith.addi %add3A_171, %add3A_183 : i32
        %lt3A = arith.constant 32 : i32
        %lt3A_185 = arith.cmpi slt, %add3A_184, %lt3A : i32
        %convert_element_type3A_186 = arith.extui %lt3A_185 : i1 to i32
        %cond3A_187 = arith.constant 0 : i32
        %cond3A_188 = arith.cmpi ne, %convert_element_type3A_186, %cond3A_187 : i32
        scf.if %cond3A_188 {
          %add3A_196 = arith.constant 1 : i32
          %add3A_197 = arith.addi %add3A_171, %add3A_196 : i32
          %dma_start3A_198 = arith.constant 0 : i32
          %dma_start3A_199 = tpu.memref_slice %arg10[%add3A_197, %dma_start3A_198] : memref<32x128xi32, #tpu.memory_space<vmem>> -> memref<1x128xi32, #tpu.memory_space<vmem>>
          %dma_start3A_200 = tpu.memref_squeeze %dma_start3A_199 : memref<1x128xi32, #tpu.memory_space<vmem>> -> memref<128xi32, #tpu.memory_space<vmem>>
          %dma_start3A_201 = arith.constant 0 : i32
          %dma_start3A_202 = arith.constant 0 : i32
          %dma_start3A_203 = tpu.memref_slice %arg6[%dma_start3A_201, %dma_start3A_202] : memref<10000x128xf32, #tpu.memory_space<hbm>> -> memref<10000x128xf32, #tpu.memory_space<hbm>>
          tpu.enqueue_indirect_dma source(%dma_start3A_203 : memref<10000x128xf32, #tpu.memory_space<hbm>>) target(%arg12 : memref<128x128xf32, #tpu.memory_space<vmem>>) offsets(%dma_start3A_200 : memref<128xi32, #tpu.memory_space<vmem>>) semaphore(%arg15 : memref<!tpu.dma_semaphore, #tpu.memory_space<semaphore_mem>>)
        } else {
        }
        %dma_wait3A_189 = arith.constant 0 : i32
        %dma_wait3A_190 = tpu.memref_slice %arg10[%add3A_171, %dma_wait3A_189] : memref<32x128xi32, #tpu.memory_space<vmem>> -> memref<1x128xi32, #tpu.memory_space<vmem>>
        %dma_wait3A_191 = tpu.memref_squeeze %dma_wait3A_190 : memref<1x128xi32, #tpu.memory_space<vmem>> -> memref<128xi32, #tpu.memory_space<vmem>>
        %dma_wait3A_192 = arith.constant 0 : i32
        %dma_wait3A_193 = arith.constant 0 : i32
        %dma_wait3A_194 = tpu.memref_slice %arg6[%dma_wait3A_192, %dma_wait3A_193] : memref<10000x128xf32, #tpu.memory_space<hbm>> -> memref<10000x128xf32, #tpu.memory_space<hbm>>
        tpu.wait_indirect_dma semaphore(%arg16 : memref<!tpu.dma_semaphore, #tpu.memory_space<semaphore_mem>>) src(%dma_wait3A_194 : memref<10000x128xf32, #tpu.memory_space<hbm>>) dst(%arg13 : memref<128x128xf32, #tpu.memory_space<vmem>>)
        "tpu.region"() ({
          %run_scoped3A = tpu.sem_alloc : memref<!tpu.dma_semaphore, #tpu.memory_space<semaphore_mem>>
          %dma_start3A_196 = arith.constant 0 : i32
          %dma_start3A_197 = tpu.memref_slice %arg11[%add3A_171, %dma_start3A_196] : memref<32x128xi32, #tpu.memory_space<vmem>> -> memref<1x128xi32, #tpu.memory_space<vmem>>
          %dma_start3A_198 = tpu.memref_squeeze %dma_start3A_197 : memref<1x128xi32, #tpu.memory_space<vmem>> -> memref<128xi32, #tpu.memory_space<vmem>>
          %dma_start3A_199 = arith.constant 0 : i32
          %dma_start3A_200 = arith.constant 0 : i32
          %dma_start3A_201 = tpu.memref_slice %arg14[%dma_start3A_199, %dma_start3A_200] : memref<10240x128xf32, #tpu.memory_space<vmem_shared>> -> memref<10240x128xf32, #tpu.memory_space<vmem_shared>>
          tpu.enqueue_indirect_dma source(%arg13 : memref<128x128xf32, #tpu.memory_space<vmem>>) target(%dma_start3A_201 : memref<10240x128xf32, #tpu.memory_space<vmem_shared>>) offsets(%dma_start3A_198 : memref<128xi32, #tpu.memory_space<vmem>>) semaphore(%run_scoped3A : memref<!tpu.dma_semaphore, #tpu.memory_space<semaphore_mem>>) {add = true}
          %dma_wait3A_202 = arith.constant 0 : i32
          %dma_wait3A_203 = tpu.memref_slice %arg11[%add3A_171, %dma_wait3A_202] : memref<32x128xi32, #tpu.memory_space<vmem>> -> memref<1x128xi32, #tpu.memory_space<vmem>>
          %dma_wait3A_204 = tpu.memref_squeeze %dma_wait3A_203 : memref<1x128xi32, #tpu.memory_space<vmem>> -> memref<128xi32, #tpu.memory_space<vmem>>
          %dma_wait3A_205 = arith.constant 0 : i32
          %dma_wait3A_206 = arith.constant 0 : i32
          %dma_wait3A_207 = tpu.memref_slice %arg14[%dma_wait3A_205, %dma_wait3A_206] : memref<10240x128xf32, #tpu.memory_space<vmem_shared>> -> memref<10240x128xf32, #tpu.memory_space<vmem_shared>>
          tpu.wait_indirect_dma semaphore(%run_scoped3A : memref<!tpu.dma_semaphore, #tpu.memory_space<semaphore_mem>>) src(%arg13 : memref<128x128xf32, #tpu.memory_space<vmem>>) dst(%dma_wait3A_207 : memref<10240x128xf32, #tpu.memory_space<vmem_shared>>)
          tpu.yield
        }) : () -> ()
        %scan3A_195 = arith.constant 0 : i32
        scf.yield %scan3A_195 : i32
      }
      %scan3A_165 = arith.constant 16 : i32
    } else {
    }
    %barrier3A_143 = arith.constant 0 : index
    tpu.barrier barrier_id(%barrier3A_143)
    %mul3A_144 = arith.constant 640 : i32
    %mul3A_145 = arith.muli %arg1, %mul3A_144 : i32
    %mul3A_146 = arith.constant 10240 : i32
    %mul3A_147 = arith.muli %arg0, %mul3A_146 : i32
    %mul3A_148 = arith.constant 640 : i32
    %mul3A_149 = arith.muli %arg1, %mul3A_148 : i32
    %add3A_150 = arith.addi %mul3A_147, %mul3A_149 : i32
    "tpu.region"() ({
      %run_scoped3A = tpu.sem_alloc : memref<!tpu.dma_semaphore, #tpu.memory_space<semaphore_mem>>
      %dma_start3A = arith.constant 0 : i32
      %dma_start3A_151 = tpu.memref_slice %arg9[%add3A_150, %dma_start3A] : memref<20480x128xf32, #tpu.memory_space<hbm>> -> memref<640x128xf32, #tpu.memory_space<hbm>>
      %dma_start3A_152 = arith.constant 0 : i32
      %dma_start3A_153 = tpu.memref_slice %arg14[%mul3A_145, %dma_start3A_152] : memref<10240x128xf32, #tpu.memory_space<vmem_shared>> -> memref<640x128xf32, #tpu.memory_space<vmem_shared>>
      tpu.enqueue_dma source(%dma_start3A_153 : memref<640x128xf32, #tpu.memory_space<vmem_shared>>) target(%dma_start3A_151 : memref<640x128xf32, #tpu.memory_space<hbm>>) target_semaphore(%run_scoped3A : memref<!tpu.dma_semaphore, #tpu.memory_space<semaphore_mem>>)
      %dma_wait3A = arith.constant 0 : i32
      %dma_wait3A_154 = tpu.memref_slice %arg9[%add3A_150, %dma_wait3A] : memref<20480x128xf32, #tpu.memory_space<hbm>> -> memref<640x128xf32, #tpu.memory_space<hbm>>
      %dma_wait3A_155 = arith.constant 0 : i32
      %dma_wait3A_156 = tpu.memref_slice %arg14[%mul3A_145, %dma_wait3A_155] : memref<10240x128xf32, #tpu.memory_space<vmem_shared>> -> memref<640x128xf32, #tpu.memory_space<vmem_shared>>
      tpu.wait_dma2 semaphore(%run_scoped3A : memref<!tpu.dma_semaphore, #tpu.memory_space<semaphore_mem>>) src(%dma_wait3A_156 : memref<640x128xf32, #tpu.memory_space<vmem_shared>>) dst(%dma_wait3A_154 : memref<640x128xf32, #tpu.memory_space<hbm>>)
      tpu.yield
    }) : () -> ()
    return
  }
}

module attributes {stable_mosaic.version = 14 : i64} {
  func.func @_gates_body(%arg0: i32, %arg1: memref<2x256x128xf32, #tpu.memory_space<vmem>>, %arg2: memref<2x256x128xf32, #tpu.memory_space<vmem>>, %arg3: memref<2x256x128xf32, #tpu.memory_space<vmem>>, %arg4: memref<128x512xf32, #tpu.memory_space<vmem>>, %arg5: memref<128x512xf32, #tpu.memory_space<vmem>>, %arg6: memref<1x512xf32, #tpu.memory_space<vmem>>, %arg7: memref<256x128xf32, #tpu.memory_space<vmem>>, %arg8: memref<256x128xf32, #tpu.memory_space<vmem>>) attributes {dimension_semantics = [#tpu.dimension_semantics<arbitrary>], iteration_bounds = array<i64: 40>, scalar_prefetch = 0 : i64, scratch_operands = 0 : i64, tpu.core_type = #tpu.core_type<tc>, window_params = [{transform_indices = @transform_0, window_bounds = array<i64: 2, 256, 128>}, {transform_indices = @transform_1, window_bounds = array<i64: 2, 256, 128>}, {transform_indices = @transform_2, window_bounds = array<i64: 2, 256, 128>}, {pipeline_mode = #tpu.pipeline_mode<synchronous>, transform_indices = @transform_3, window_bounds = array<i64: 128, 512>}, {pipeline_mode = #tpu.pipeline_mode<synchronous>, transform_indices = @transform_4, window_bounds = array<i64: 128, 512>}, {pipeline_mode = #tpu.pipeline_mode<synchronous>, transform_indices = @transform_5, window_bounds = array<i64: 1, 512>}, {transform_indices = @transform_6, window_bounds = array<i64: 256, 128>}, {transform_indices = @transform_7, window_bounds = array<i64: 256, 128>}]} {
    %get3A = arith.constant 0 : index
    %get3A_0 = arith.constant 0 : index
    %get3A_1 = arith.constant 0 : index
    %get3A_2 = vector.load %arg1[%get3A, %get3A_0, %get3A_1] : memref<2x256x128xf32, #tpu.memory_space<vmem>>, vector<1x256x128xf32>
    %get3A_3 = vector.shape_cast %get3A_2 : vector<1x256x128xf32> to vector<256x128xf32>
    %get3A_4 = arith.constant 1 : index
    %get3A_5 = arith.constant 0 : index
    %get3A_6 = arith.constant 0 : index
    %get3A_7 = vector.load %arg1[%get3A_4, %get3A_5, %get3A_6] : memref<2x256x128xf32, #tpu.memory_space<vmem>>, vector<1x256x128xf32>
    %get3A_8 = vector.shape_cast %get3A_7 : vector<1x256x128xf32> to vector<256x128xf32>
    %add3A = arith.addf %get3A_3, %get3A_8 : vector<256x128xf32>
    %get3A_9 = arith.constant 0 : index
    %get3A_10 = arith.constant 0 : index
    %get3A_11 = arith.constant 0 : index
    %get3A_12 = vector.load %arg2[%get3A_9, %get3A_10, %get3A_11] : memref<2x256x128xf32, #tpu.memory_space<vmem>>, vector<1x256x128xf32>
    %get3A_13 = vector.shape_cast %get3A_12 : vector<1x256x128xf32> to vector<256x128xf32>
    %get3A_14 = arith.constant 1 : index
    %get3A_15 = arith.constant 0 : index
    %get3A_16 = arith.constant 0 : index
    %get3A_17 = vector.load %arg2[%get3A_14, %get3A_15, %get3A_16] : memref<2x256x128xf32, #tpu.memory_space<vmem>>, vector<1x256x128xf32>
    %get3A_18 = vector.shape_cast %get3A_17 : vector<1x256x128xf32> to vector<256x128xf32>
    %add3A_19 = arith.addf %get3A_13, %get3A_18 : vector<256x128xf32>
    %get3A_20 = arith.constant 0 : index
    %get3A_21 = arith.constant 0 : index
    %get3A_22 = arith.constant 0 : index
    %get3A_23 = vector.load %arg3[%get3A_20, %get3A_21, %get3A_22] : memref<2x256x128xf32, #tpu.memory_space<vmem>>, vector<1x256x128xf32>
    %get3A_24 = vector.shape_cast %get3A_23 : vector<1x256x128xf32> to vector<256x128xf32>
    %get3A_25 = arith.constant 1 : index
    %get3A_26 = arith.constant 0 : index
    %get3A_27 = arith.constant 0 : index
    %get3A_28 = vector.load %arg3[%get3A_25, %get3A_26, %get3A_27] : memref<2x256x128xf32, #tpu.memory_space<vmem>>, vector<1x256x128xf32>
    %get3A_29 = vector.shape_cast %get3A_28 : vector<1x256x128xf32> to vector<256x128xf32>
    %add3A_30 = arith.addf %get3A_24, %get3A_29 : vector<256x128xf32>
    %get3A_31 = arith.constant 0 : index
    %get3A_32 = arith.constant 0 : index
    %get3A_33 = vector.load %arg4[%get3A_31, %get3A_32] : memref<128x512xf32, #tpu.memory_space<vmem>>, vector<128x512xf32>
    %dot_general3A = arith.constant dense<0.000000e+00> : vector<256x512xf32>
    %dot_general3A_34 = tpu.matmul %add3A, %get3A_33, %dot_general3A {dimension_numbers = #tpu.dot_dimension_numbers<[1], [0], [0], [1], [0, 0, 1, 1], [], []>, transpose_lhs_hint = false} : vector<256x128xf32>, vector<128x512xf32>, vector<256x512xf32> -> vector<256x512xf32>
    %get3A_35 = arith.constant 0 : index
    %get3A_36 = arith.constant 0 : index
    %get3A_37 = vector.load %arg5[%get3A_35, %get3A_36] : memref<128x512xf32, #tpu.memory_space<vmem>>, vector<128x512xf32>
    %dot_general3A_38 = arith.constant dense<0.000000e+00> : vector<256x512xf32>
    %dot_general3A_39 = tpu.matmul %add3A_19, %get3A_37, %dot_general3A_38 {dimension_numbers = #tpu.dot_dimension_numbers<[1], [0], [0], [1], [0, 0, 1, 1], [], []>, transpose_lhs_hint = false} : vector<256x128xf32>, vector<128x512xf32>, vector<256x512xf32> -> vector<256x512xf32>
    %add3A_40 = arith.addf %dot_general3A_34, %dot_general3A_39 : vector<256x512xf32>
    %get3A_41 = arith.constant 0 : index
    %get3A_42 = arith.constant 0 : index
    %get3A_43 = vector.load %arg6[%get3A_41, %get3A_42] : memref<1x512xf32, #tpu.memory_space<vmem>>, vector<1x512xf32>
    %add3A_44 = vector.broadcast %get3A_43 : vector<1x512xf32> to vector<256x512xf32>
    %add3A_45 = arith.addf %add3A_40, %add3A_44 : vector<256x512xf32>
    %slice3A = vector.extract_strided_slice %add3A_45 {offsets = [0, 0], sizes = [256, 128], strides = [1, 1]} : vector<256x512xf32> to vector<256x128xf32>
    %logistic3A = arith.negf %slice3A : vector<256x128xf32>
    %logistic3A_46 = math.exp %logistic3A : vector<256x128xf32>
    %logistic3A_47 = arith.constant 1.000000e+00 : f32
    %logistic3A_48 = vector.broadcast %logistic3A_47 : f32 to vector<256x128xf32>
    %logistic3A_49 = arith.addf %logistic3A_48, %logistic3A_46 : vector<256x128xf32>
    %logistic3A_50 = arith.divf %logistic3A_48, %logistic3A_49 : vector<256x128xf32>
    %slice3A_51 = vector.extract_strided_slice %add3A_45 {offsets = [0, 128], sizes = [256, 128], strides = [1, 1]} : vector<256x512xf32> to vector<256x128xf32>
    %logistic3A_52 = arith.negf %slice3A_51 : vector<256x128xf32>
    %logistic3A_53 = math.exp %logistic3A_52 : vector<256x128xf32>
    %logistic3A_54 = arith.constant 1.000000e+00 : f32
    %logistic3A_55 = vector.broadcast %logistic3A_54 : f32 to vector<256x128xf32>
    %logistic3A_56 = arith.addf %logistic3A_55, %logistic3A_53 : vector<256x128xf32>
    %logistic3A_57 = arith.divf %logistic3A_55, %logistic3A_56 : vector<256x128xf32>
    %slice3A_58 = vector.extract_strided_slice %add3A_45 {offsets = [0, 256], sizes = [256, 128], strides = [1, 1]} : vector<256x512xf32> to vector<256x128xf32>
    %tanh3A = math.tanh %slice3A_58 : vector<256x128xf32>
    %slice3A_59 = vector.extract_strided_slice %add3A_45 {offsets = [0, 384], sizes = [256, 128], strides = [1, 1]} : vector<256x512xf32> to vector<256x128xf32>
    %logistic3A_60 = arith.negf %slice3A_59 : vector<256x128xf32>
    %logistic3A_61 = math.exp %logistic3A_60 : vector<256x128xf32>
    %logistic3A_62 = arith.constant 1.000000e+00 : f32
    %logistic3A_63 = vector.broadcast %logistic3A_62 : f32 to vector<256x128xf32>
    %logistic3A_64 = arith.addf %logistic3A_63, %logistic3A_61 : vector<256x128xf32>
    %logistic3A_65 = arith.divf %logistic3A_63, %logistic3A_64 : vector<256x128xf32>
    %mul3A = arith.mulf %logistic3A_57, %tanh3A : vector<256x128xf32>
    %mul3A_66 = arith.mulf %logistic3A_50, %add3A_30 : vector<256x128xf32>
    %add3A_67 = arith.addf %mul3A, %mul3A_66 : vector<256x128xf32>
    %tanh3A_68 = math.tanh %add3A_67 : vector<256x128xf32>
    %mul3A_69 = arith.mulf %logistic3A_65, %tanh3A_68 : vector<256x128xf32>
    %swap3A = arith.constant 0 : index
    %swap3A_70 = arith.constant 0 : index
    %swap3A_71 = vector.load %arg7[%swap3A, %swap3A_70] : memref<256x128xf32, #tpu.memory_space<vmem>>, vector<256x128xf32>
    tpu.vector_store %arg7[%swap3A, %swap3A_70], %mul3A_69 {strides = array<i32>} : memref<256x128xf32, #tpu.memory_space<vmem>>, vector<256x128xf32>,
    %swap3A_72 = arith.constant 0 : index
    %swap3A_73 = arith.constant 0 : index
    %swap3A_74 = vector.load %arg8[%swap3A_72, %swap3A_73] : memref<256x128xf32, #tpu.memory_space<vmem>>, vector<256x128xf32>
    tpu.vector_store %arg8[%swap3A_72, %swap3A_73], %add3A_67 {strides = array<i32>} : memref<256x128xf32, #tpu.memory_space<vmem>>, vector<256x128xf32>,
    return
  }
  func.func @transform_0(%arg0: i32) -> (i32, i32, i32) {
    %c0_i32 = arith.constant 0 : i32
    %c0_i32_0 = arith.constant 0 : i32
    %c0_i32_1 = arith.constant 0 : i32
    return %c0_i32, %arg0, %c0_i32_0 : i32, i32, i32
  }
  func.func @transform_1(%arg0: i32) -> (i32, i32, i32) {
    %c0_i32 = arith.constant 0 : i32
    %c0_i32_0 = arith.constant 0 : i32
    %c0_i32_1 = arith.constant 0 : i32
    return %c0_i32, %arg0, %c0_i32_0 : i32, i32, i32
  }
  func.func @transform_2(%arg0: i32) -> (i32, i32, i32) {
    %c0_i32 = arith.constant 0 : i32
    %c0_i32_0 = arith.constant 0 : i32
    %c0_i32_1 = arith.constant 0 : i32
    return %c0_i32, %arg0, %c0_i32_0 : i32, i32, i32
  }
  func.func @transform_3(%arg0: i32) -> (i32, i32) {
    %c0_i32 = arith.constant 0 : i32
    %c0_i32_0 = arith.constant 0 : i32
    %c0_i32_1 = arith.constant 0 : i32
    return %c0_i32, %c0_i32_0 : i32, i32
  }
  func.func @transform_4(%arg0: i32) -> (i32, i32) {
    %c0_i32 = arith.constant 0 : i32
    %c0_i32_0 = arith.constant 0 : i32
    %c0_i32_1 = arith.constant 0 : i32
    return %c0_i32, %c0_i32_0 : i32, i32
  }
  func.func @transform_5(%arg0: i32) -> (i32, i32) {
    %c0_i32 = arith.constant 0 : i32
    %c0_i32_0 = arith.constant 0 : i32
    %c0_i32_1 = arith.constant 0 : i32
    return %c0_i32, %c0_i32_0 : i32, i32
  }
  func.func @transform_6(%arg0: i32) -> (i32, i32) {
    %c0_i32 = arith.constant 0 : i32
    %c0_i32_0 = arith.constant 0 : i32
    return %arg0, %c0_i32 : i32, i32
  }
  func.func @transform_7(%arg0: i32) -> (i32, i32) {
    %c0_i32 = arith.constant 0 : i32
    %c0_i32_0 = arith.constant 0 : i32
    return %arg0, %c0_i32 : i32, i32
  }
}

</mosaic_0001>

<sc_bundles>
// kernel: kernel.4.cloned.1.call-start
scs
__scs_entry_jumppad:
0x0: {  	(pc) =	sbr.rel $0x88, $3  }
0x1: {  	(tag) =	ssettag $0x0;
	lr =	simm.s32 $0x1  }
0x2: {  	[smem:$0x3F91] =	sst lr;
	_ =	strace $0xD0000000  }
0x3: {  	_ = 	snop  }
0x4: {  	_ = 	snop  }
0x5: {  	_ = 	snop  }
0x6: {  	_ = 	snop  }
0x7: {  	_ = 	snop  }
__scs_overlays_trampoline_lowered:
0x8: {  	[smem:$0x3FA0] =	sst s0  }
0x9: {  	[smem:$0x3FA1] =	sst s1  }
0xa: {  	[smem:$0x3FA2] =	sst s2  }
0xb: {  	[smem:$0x3FA3] =	sst s3  }
0xc: {  	[smem:$0x3FA4] =	sst s4  }
0xd: {  	[smem:$0x3FA5] =	sst s5  }
0xe: {  	[smem:$0x3FA6] =	sst s6  }
0xf: {  	[smem:$0x3FA7] =	sst s7  }
0x10: {  	[smem:$0x3FA8] =	sst s8  }
0x11: {  	[smem:$0x3FA9] =	sst s9;
	s0 =	simm.s32 @!p0 $0x0  }
0x12: {  	s1 =	sld [smem:$0x3F8F];
	s0 =	simm.s32 @p0 $0x1  }
0x13: {  	[smem:$0x3FAA] =	sst s0;
	s0 =	simm.s32 @!p1 $0x0  }
0x14: {  	s2 =	sld [smem:$0x3F8E];
	s0 =	simm.s32 @p1 $0x1  }
0x15: {  	[smem:$0x3FAB] =	sst s0;
	s0 =	simm.s32 @!p2 $0x0  }
0x16: {  	s3 =	sld [smem:$0x3FDB];
	s0 =	simm.s32 @p2 $0x1  }
0x17: {  	s4 =	simm.s32 $0x1BF5;
	[smem:$0x3FAD] =	sst s0  }
0x18: {  	s0 =	sld [smem:$0x3F90];
	_ =	swait.ge [sflag:s4], $0x0  }
0x19: {  	s7 =	sld [smem:$0x3F91]  }
0x1a: {  	s8 =	sadd.s32 $0xFFFFE003, lr  }
0x1b: {  	s9 =	sadd.s32 $0xFFFFFEF7, lr;
	s5 =	simm.s32 $0xFFFFFFFF;
	p2 =	slt.u32 s8, $0xFFFFF086  }
0x1c: {  	p1 =	slt.u32 s9, $0xF7A;
	s5 =	simm.s32 @!p2 $0x0  }
0x1d: {  	s5 =	simm.s32 @p1 $0x1;
	p0 =	seq.s32 s7, s2  }
0x1e: {  	s7 =	smul.u32 @!p0 $0xF7A, s2;
	p2 =	seq.s32 @!p0 s5, $0x0  }
0x1f: {  	s9 =	smul.u32 $0xF7A, s1;
	s8 =	simm.s32 @!p0 $0x1BF5;
	p2 =	por !p2, p0  }
0x20: {  	[sflag:s8] =	ssyncset.s32 @!p0 $0xFFFFF086;
	s6 =	sadd.s32 @!p0 s3, s7;
	s7 =	simm.s32 @!p0 $0x108  }
0x21: {  	s3 =	sadd.s32 s3, s9;
	s6 =	sadd.s32 @!p0 $0x88, s6;
	s7 =	simm.s32 @p2 $0x1082  }
0x22: {  	[simem:s7], [sflag:s8] =	dma.local @!p0 [hbm:s6], $0xF7A  }
0x23: {  	s9 =	sor.u32 $0xD0000000, s2;
	s6 =	simm.s32 $0x108;
	_ =	swait.ge @!p0 [sflag:s8], $0x0  }
0x24: {  	s3 =	sadd.s32 $0x88, s3;
	s6 =	simm.s32 @!p1 $0x1082;
	[sflag:s4] =	ssyncset.s32 $0xFFFFF086  }
0x25: {  	[simem:s6], [sflag:s4] =	dma.local [hbm:s3], $0xF7A  }
0x26: {  	[smem:$0x3F91] =	sst s1;
	(tag) =	ssettag s2;
	_ =	strace s9  }
0x27: {  	s1 =	sld [smem:$0x3FA1]  }
0x28: {  	s2 =	sld [smem:$0x3FA2]  }
0x29: {  	s4 =	sld [smem:$0x3FA4]  }
0x2a: {  	p0 =	seq.s32 s5, $0x0;
	s5 =	sld [smem:$0x3FA5]  }
0x2b: {  	s6 =	sld [smem:$0x3FA6]  }
0x2c: {  	s7 =	sld [smem:$0x3FA7]  }
0x2d: {  	s3 =	simm.s32 $0x108;
	s8 =	sld [smem:$0x3FA8]  }
0x2e: {  	s3 =	simm.s32 @!p0 $0x1082;
	s9 =	sld [smem:$0x3FA9]  }
0x2f: {  	lr =	sadd.s32 s0, s3;
	s0 =	sld [smem:$0x3FA0]  }
0x30: {  	s3 =	sld [smem:$0x3FA3]  }
0x31: {  	[smem:$0x3FAC] =	sst s10  }
0x32: {  	s10 =	sld [smem:$0x3FAA];
	_ =	sdelay $0x3  }
0x33: {  	p0 =	seq.s32 s10, $0x1;
	s10 =	sld [smem:$0x3FAC];
	_ =	sdelay $0x3  }
0x34: {  	[smem:$0x3FAC] =	sst s10  }
0x35: {  	s10 =	sld [smem:$0x3FAB];
	_ =	sdelay $0x3  }
0x36: {  	p1 =	seq.s32 s10, $0x1;
	s10 =	sld [smem:$0x3FAC];
	_ =	sdelay $0x3  }
0x37: {  	[smem:$0x3FAC] =	sst s10  }
0x38: {  	s10 =	sld [smem:$0x3FAD]  }
0x39: {  	_ = 	snop;
	(pc) =	sbr.ind lr, $3  }
0x3a: {  	_ = 	snop  }
0x3b: {  	_ = 	snop  }
0x3c: {  	p2 =	seq.s32 s10, $0x1;
	s10 =	sld [smem:$0x3FAC]  }
0x3d: {  	_ =	shalt  }
0x3e: {  	_ =	shalt  }
0x3f: {  	_ =	shalt  }
0x40: {  	_ =	shalt  }
0x41: {  	_ =	shalt  }
0x42: {  	_ =	shalt  }
0x43: {  	_ =	shalt  }
0x44: {  	_ =	shalt  }
0x45: {  	_ =	shalt  }
0x46: {  	_ =	shalt  }
0x47: {  	_ =	shalt  }
0x48: {  	_ =	shalt  }
0x49: {  	_ =	shalt  }
0x4a: {  	_ =	shalt  }
0x4b: {  	_ =	shalt  }
0x4c: {  	_ =	shalt  }
0x4d: {  	_ =	shalt  }
0x4e: {  	_ =	shalt  }
0x4f: {  	_ =	shalt  }
0x50: {  	_ =	shalt  }
0x51: {  	_ =	shalt  }
0x52: {  	_ =	shalt  }
0x53: {  	_ =	shalt  }
0x54: {  	_ =	shalt  }
0x55: {  	_ =	shalt  }
0x56: {  	_ =	shalt  }
0x57: {  	_ =	shalt  }
0x58: {  	_ =	shalt  }
0x59: {  	_ =	shalt  }
0x5a: {  	_ =	shalt  }
0x5b: {  	_ =	shalt  }
0x5c: {  	_ =	shalt  }
0x5d: {  	_ =	shalt  }
0x5e: {  	_ =	shalt  }
0x5f: {  	_ =	shalt  }
0x60: {  	_ =	shalt  }
0x61: {  	_ =	shalt  }
0x62: {  	_ =	shalt  }
0x63: {  	_ =	shalt  }
0x64: {  	_ =	shalt  }
0x65: {  	_ =	shalt  }
0x66: {  	_ =	shalt  }
0x67: {  	_ =	shalt  }
0x68: {  	_ =	shalt  }
0x69: {  	_ =	shalt  }
0x6a: {  	_ =	shalt  }
0x6b: {  	_ =	shalt  }
0x6c: {  	_ =	shalt  }
0x6d: {  	_ =	shalt  }
0x6e: {  	_ =	shalt  }
0x6f: {  	_ =	shalt  }
0x70: {  	_ =	shalt  }
0x71: {  	_ =	shalt  }
0x72: {  	_ =	shalt  }
0x73: {  	_ =	shalt  }
0x74: {  	_ =	shalt  }
0x75: {  	_ =	shalt  }
0x76: {  	_ =	shalt  }
0x77: {  	_ =	shalt  }
0x78: {  	_ =	shalt  }
0x79: {  	_ =	shalt  }
0x7a: {  	_ =	shalt  }
0x7b: {  	_ =	shalt  }
0x7c: {  	_ =	shalt  }
0x7d: {  	_ =	shalt  }
0x7e: {  	_ =	shalt  }
0x7f: {  	_ =	shalt  }
0x80: {  	_ =	shalt  }
0x81: {  	_ =	shalt  }
0x82: {  	_ =	shalt  }
0x83: {  	_ =	shalt  }
0x84: {  	_ =	shalt  }
0x85: {  	_ =	shalt  }
0x86: {  	_ =	shalt  }
0x87: {  	_ =	shalt  }
.Lfunc_end0:
.L_simem_size_0:
called_computation_lowered:
.L_overlay_start_0:
0x88: {  	s2 =	sld [smem:$0x3FD9]  }
0x89: {  	s3 =	sld [smem:$0x3FFE];
	_ =	sdelay $0x1  }
0x8a: {  	s1 =	srdreg.scid  }
0x8b: {  	s0 =	sand.u32 $0x1, s1  }
0x8c: {  	s14 =	sshll.u32 s0, $0xA;
	s2 =	sadd.s32 s3, s2  }
0x8d: {  	s2 =	sadd.s32 s2, s14  }
0x8e: {  	[smem:$0x3FB8] =	sst s2  }
0x8f: {  	_ = 	snop  }
0x90: {  	s2 =	sld [smem:$0x3FD0]  }
0x91: {  	s15 =	sld [smem:$0x3FC9]  }
0x92: {  	s4 =	sld [smem:$0x3FC8]  }
0x93: {  	s6 =	simm.s32 $0xA;
	s7 =	simm.s32 $0x10;
	s5 =	sld [smem:$0x3FC7]  }
0x94: {  	[smem:s7], [sflag:s6] =	dma.local [hbm:s2], $0x1  }
0x95: {  	_ =	swait.eq [sflag:s6], $0x1  }
0x96: {  	[sflag:s6] =	ssyncset.done $0x0  }
0x97: {  	s16 =	sld [smem:$0x10];
	[sflag:s6] =	ssyncadd.s32 $0xFFFFFFFF  }
0x98: {  	s17 =	sld [smem:$0x11];
	(tm) =	ssettm $0x1  }
0x99: {  	s18 =	sld [smem:$0x3FFB];
	_ =	sdelay $0x3  }
0x9a: {  	_ =	strace s18  }
0x9b: {  	s7 =	sld [smem:$0x3FFC];
	_ =	sdelay $0x3  }
0x9c: {  	_ =	strace s7  }
0x9d: {  	s7 =	sld [smem:$0x3FFD];
	_ =	sdelay $0x3  }
0x9e: {  	_ =	strace s7  }
0x9f: {  	_ =	strace $0x8FFFFFFF  }
0xa0: {  	s19 =	sld [smem:$0x3FDB];
	_ =	sdelay $0x1  }
0xa1: {  	s8 =	simm.s32 $_scs_section_size  }
0xa2: {  	s9 =	simm.s32 $_size__tile_overlayer_lowered;
	s10 =	simm.s32 $_tile_overlayer_lowered  }
0xa3: {  	s22 =	simm.s32 $0x1BFF;
	s21 =	sshll.u32 s10, $0x1;
	s7 =	sadd.s32 s8, s19  }
0xa4: {  	s11 =	simm.s32 $0x0;
	s20 =	sshll.u32 s9, $0x1;
	s9 =	sadd.s32 s21, s7  }
0xa5: {  	[timem:s11], [sflag:s22] =	dma.local [hbm:s9], s20  }
0xa6: {  	_ =	swait.ge [sflag:s22], s20  }
0xa7: {  	s8 =	ssub.s32 $0x0, s20;
	[sflag:s22] =	ssyncset.done $0x0  }
0xa8: {  	[sflag:s22] =	ssyncadd.s32 s8;
	_ =	sdelay $0x1  }
0xa9: {  	s23 =	simm.s32 $0x1B8B  }
0xaa: {  	_ =	swait.ge [sflag:s23], $0x1  }
0xab: {  	[sflag:s23] =	ssyncset.done $0x0  }
0xac: {  	s25 =	simm.s32 $0x1B8E;
	s24 =	sld [smem:$0x3FFE];
	[sflag:s23] =	ssyncadd.s32 $0xFFFFFFFF  }
0xad: {  	s26 =	simm.s32 $execute0_lowered;
	[smem:$0x3FD2] =	sst s25  }
0xae: {  	s9 =	sshll.u32 s26, $0x1;
	_ =	strace $0x80000046;
	[dreg:$0x1] =	wrdreg $0xFFFFFFFF  }
0xaf: {  	s28 =	simm.s32 $_size_execute0_lowered;
	s7 =	sadd.s32 s7, s9;
	[dreg:$0x0] =	wrdreg $0x0  }
0xb0: {  	s9 =	sshll.u32 s28, $0x1;
	[dreg:$0x2] =	wrdreg s7  }
0xb1: {  	[dreg:$0x3] =	wrdreg s9  }
0xb2: {  	[dreg:$0x4] =	wrdreg $0xC0  }
0xb3: {  	_ =	task [dreg:s11], $0x5FFFF  }
0xb4: {  	[dreg:$0x1] =	wrdreg $0xFFFFFFFF  }
0xb5: {  	[dreg:$0x0] =	wrdreg $0x60  }
0xb6: {  	[dreg:$0x2] =	wrdreg s16  }
0xb7: {  	[dreg:$0x3] =	wrdreg s17  }
0xb8: {  	[dreg:$0x4] =	wrdreg s4  }
0xb9: {  	[dreg:$0x5] =	wrdreg s15  }
0xba: {  	[dreg:$0x6] =	wrdreg s5  }
0xbb: {  	[dreg:$0x7] =	wrdreg s24  }
0xbc: {  	[dreg:$0x8] =	wrdreg $0xA0000  }
0xbd: {  	[dreg:$0x9] =	wrdreg $0x9  }
0xbe: {  	_ =	task.clear_ibuf [dreg:s11], $0xAFFFF;
	_ =	strace $0x90000046  }
0xbf: {  	s29 =	simm.s32 $0x9;
	_ =	strace $0x80000048  }
0xc0: {  	_ =	swait.ge [sflag:s29], $0x1  }
0xc1: {  	[sflag:s29] =	ssyncadd.s32 $0xFFFFFFFF  }
0xc2: {  	_ =	strace $0x90000048  }
0xc3: {  	_ =	sfence  }
0xc4: {  	s30 =	sld [smem:$0x0];
	_ =	sdelay $0x2  }
0xc5: {  	s31 =	sshll.u32 s1, $0xD;
	s1 =	sshrl.u32 s1, $0x2  }
0xc6: {  	s3 =	sand.u32 $0x4000, s31;
	s1 =	sadd.s32 s1, s30  }
0xc7: {  	s0 =	sor.u32 s3, s0;
	s1 =	sshll.u32 s1, $0x11  }
0xc8: {  	s0 =	sor.u32 s1, s0  }
0xc9: {  	s0 =	sadd.s32 $0x8F2B, s0  }
0xca: {  	[sflag:s0] =	ssyncadd.remote.s32 $0x1  }
0xcb: {  	_ =	sfence.sel $0xFFFF  }
0xcc: {  	[dreg:$0x0] =	wrdreg $0xFFFFFFFF;
	(pc) =	sbr.abs _section_cstart, $3  }
0xcd: {  	[dreg:$0x1] =	wrdreg $0xFFFFFFFF  }
0xce: {  	_ =	task.clear_ibuf [dreg:s11], $0x2FFFF;
	_ =	strace $0x9FFFFFFF  }
0xcf: {  	(tm) =	ssettm $0x7FFFFFFF  }
tec
execute0_lowered:
.L_overlay_start_1:
0x0: {  	(tag) =	ssettag $0x1  }
0x1: {  	s3 =	rddreg [dreg:$0x0]  }
0x2: {  	s4 =	rddreg [dreg:$0x1]  }
0x3: {  	s0 =	rddreg [dreg:$0x2]  }
0x4: {  	s1 =	rddreg [dreg:$0x3]  }
0x5: {  	s2 =	rddreg [dreg:$0x4]  }
0x6: {  	s7 =	rddreg [dreg:$0x5];
	s6 =	srdreg.scid  }
0x7: {  	s5 =	rddreg [dreg:$0x6];
	s13 =	stileid.u32;
	s28 =	simm.s32 $0x80  }
0x8: {  	s29 =	simm.s32 $0x6000;
	s30 =	simm.s32 $0x1;
	s9 =	smul.u32 $0x280, s13  }
0x9: {  	s10 =	sand.u32 $0x1, s6;
	s6 =	simm.s32 $0x0;
	s12 =	smul.u32 $0x50000, s13  }
0xa: {  	s31 =	simm.s32 $0x2;
	s8 =	smul.u32 $0x2800, s10;
	[smem:$0x7FF] =	sst s6  }
0xb: {  	p0 =	seq.s32 s10, $0x0;
	s11 =	ssub.s32 $0x2, s10;
	_ =	strace $0x80000047  }
0xc: {  	s26 =	sshrl.u32 s11, $0x1;
	s12 =	sshrl.u32 s12, $0x2;
	s8 =	sadd.s32 s9, s8  }
0xd: {  	s9 =	simm.s32 $0x7;
	s17 =	ssub.s32 s11, s26;
	s8 =	sshll.u32 s8, $0x4  }
0xe: {  	s9 =	simm.s32 @!p0 $0x5;
	s26 =	smax.u32 s17, $0x1;
	p0 =	sne.s32 s10, $0x0  }
0xf: {  	s16 =	sadd.s32 s8, s7;
	s9 =	sshll.u32 s13, s9;
	s13 =	sshll.u32 s10, $0xF  }
0x10: {  	s7 =	sadd.s32 s12, s5;
	[dreg:$0xf] =	wrdreg s26;
	s26 =	simm.s32 $0x1000  }
0x11: {  	s14 =	sshll.u32 s9, $0x4;
	s23 =	sadd.s32 $0x2000, s16;
	s24 =	sadd.s32 $0x52000, s16  }
0x12: {  	s25 =	sadd.s32 $0xA2000, s16;
	s16 =	simm.s32 $0x1F80;
	[dreg:$0xc] =	wrdreg s23  }
0x13: {  	s15 =	sor.u32 s13, s14;
	s18 =	sadd.s32 $0x200, s14;
	[dreg:$0xd] =	wrdreg s24  }
0x14: {  	s20 =	sadd.s32 $0x400, s14;
	[dreg:$0xe] =	wrdreg s25;
	s23 =	sadd.s32 $0x10000, s7  }
0x15: {  	s24 =	simm.s32 $0x2000;
	s25 =	simm.s32 $0x3;
	s19 =	sadd.s32 s3, s18  }
0x16: {  	s8 =	sadd.s32 s3, s15;
	s11 =	sadd.s32 s4, s18;
	[dreg:$0x8] =	wrdreg s19  }
.Ltmp0:
0x17: {  	s21 =	sadd.s32 s3, s20;
	[dreg:$0x9] =	wrdreg s11;
	(pc) =	sbr.rel .LBB2_1-.Ltmp0, $4  }
0x18: {  	s9 =	sadd.s32 s4, s15;
	s22 =	sadd.s32 s4, s20;
	[dreg:$0xa] =	wrdreg s21  }
0x19: {  	s15 =	sadd.s32 $0x600, s14;
	s20 =	sadd.s32 $0x4000, s7;
	[dreg:$0xb] =	wrdreg s22  }
0x1a: {  	s14 =	sadd.s32 s3, s15;
	s15 =	sadd.s32 s4, s15;
	s21 =	sadd.s32 $0x8000, s7  }
0x1b: {  	v0 =	vimm.f32 $0.0e+00;
	s22 =	sadd.s32 $0xC000, s7;
	s3 =	simm.s32 $0xF80;
	s4 =	simm.s32 $0x1F00  }
.LBB2_36:
0x1c: {  	s10 =	sadd.s32 $0x80, s19;
	[sflag:s25] =	ssyncadd.s32 $0xFFFFC000  }
0x1d: {  	[tilespmem:s29], [sflag:$0x2] =	stream.indirect.gather [hbm4b:s2+s28], $0x80, s10, s28, $0xb8;
	[tilespmem:$0x1E000] =	vst v63  }
0x1e: {  	_ =	swait.ge [sflag:s30], $0x4000  }
0x1f: {  	[sflag:s30] =	ssyncset.done $0x0  }
0x20: {  	s12 =	sadd.s32 $0x1000, s19;
	[sflag:s30] =	ssyncadd.s32 $0xFFFFC000  }
0x21: {  	[spmem:s5] =	stream.indirect.scatter.add.f32 [tilespmem:s24], [sflag:$0x3], $0x80, s12, s28, $0xb8;
	[tilespmem:$0x1E000] =	vst v63  }
0x22: {  	_ =	swait.ge [sflag:s25], $0x4000  }
0x23: {  	[sflag:s25] =	ssyncset.done $0x0  }
0x24: {  	s13 =	sadd.s32 $0x100, s19;
	[sflag:s25] =	ssyncadd.s32 $0xFFFFC000  }
0x25: {  	[tilespmem:s24], [sflag:$0x1] =	stream.indirect.gather [hbm4b:s2+s28], $0x80, s13, s28, $0xb8;
	[tilespmem:$0x1E000] =	vst v63  }
0x26: {  	_ =	swait.ge [sflag:s31], $0x4000  }
0x27: {  	[sflag:s31] =	ssyncset.done $0x0  }
0x28: {  	s19 =	sadd.s32 $0x1080, s19;
	[sflag:s31] =	ssyncadd.s32 $0xFFFFC000  }
0x29: {  	[spmem:s5] =	stream.indirect.scatter.add.f32 [tilespmem:s29], [sflag:$0x3], $0x80, s19, s28, $0xb8;
	[tilespmem:$0x1E000] =	vst v63  }
0x2a: {  	_ =	swait.ge [sflag:s25], $0x4000  }
0x2b: {  	[sflag:s25] =	ssyncset.done $0x0  }
0x2c: {  	[sflag:s25] =	ssyncadd.s32 $0xFFFFC000  }
0x2d: {  	[tilespmem:s29], [sflag:$0x2] =	stream.indirect.gather [hbm4b:s2+s28], $0x80, s3, s28, $0xb8;
	[tilespmem:$0x1E000] =	vst v63  }
0x2e: {  	_ =	swait.ge [sflag:s30], $0x4000  }
0x2f: {  	[sflag:s30] =	ssyncset.done $0x0  }
0x30: {  	[sflag:s30] =	ssyncadd.s32 $0xFFFFC000  }
0x31: {  	[spmem:s5] =	stream.indirect.scatter.add.f32 [tilespmem:s24], [sflag:$0x3], $0x80, s4, s28, $0xb8;
	[tilespmem:$0x1E000] =	vst v63  }
0x32: {  	_ =	swait.ge [sflag:s25], $0x4000  }
0x33: {  	[sflag:s25] =	ssyncset.done $0x0  }
0x34: {  	[sflag:s25] =	ssyncadd.s32 $0xFFFFC000  }
0x35: {  	_ =	swait.ge [sflag:s31], $0x4000  }
0x36: {  	[sflag:s31] =	ssyncset.done $0x0  }
0x37: {  	[sflag:s31] =	ssyncadd.s32 $0xFFFFC000  }
0x38: {  	[spmem:s5] =	stream.indirect.scatter.add.f32 [tilespmem:s29], [sflag:$0x3], $0x80, s16, s28, $0xb8;
	[tilespmem:$0x1E000] =	vst v63  }
0x39: {  	_ =	swait.ge [sflag:s25], $0x4000  }
0x3a: {  	[sflag:s25] =	ssyncset.done $0x0  }
0x3b: {  	[sflag:s25] =	ssyncadd.s32 $0xFFFFC000  }
.LBB2_37:
0x3c: {  	[bflag:$0x0] =	sbarrier.arrive $0xFFFF  }
0x3d: {  	s10 =	rddreg [dreg:$0xe]  }
0x3e: {  	[hbm:s10], [sflag:s17] =	dma.local [spmem:s18], $0x2800  }
0x3f: {  	_ =	swait.ge [sflag:s25], $0x2800  }
0x40: {  	s6 =	sadd.s32 $0x1, s6;
	s19 =	rddreg [dreg:$0xf]  }
0x41: {  	p1 =	sne.s32 s6, s19  }
.Ltmp1:
0x42: {  	_ = 	snop;
	(pc) =	sbr.rel @!p1 .LBB2_38-.Ltmp1, $3  }
0x43: {  	_ =	sdelay $0x1  }
0x44: {  	[sflag:s25] =	ssyncset.done $0x0  }
0x45: {  	[sflag:s25] =	ssyncadd.s32 $0xFFFFD800  }
.LBB2_1:
0x46: {  	s17 =	simm.s32 $0x0;
	s18 =	simm.s32 $0x200  }
.LBB2_2:
0x47: {  	p1 =	sne.s32 s18, $0xFE00;
	[tilespmem:s17+$0x2070] =	vst v0  }
0x48: {  	[tilespmem:s17+$0x2000] =	vst v0  }
0x49: {  	[tilespmem:s17+$0x2010] =	vst v0  }
.Ltmp2:
0x4a: {  	[tilespmem:s17+$0x2020] =	vst v0;
	(pc) =	sbr.rel @p1 .LBB2_2-.Ltmp2, $4  }
0x4b: {  	[tilespmem:s17+$0x2030] =	vst v0  }
0x4c: {  	[tilespmem:s17+$0x2040] =	vst v0  }
0x4d: {  	[tilespmem:s17+$0x2050] =	vst v0  }
0x4e: {  	[tilespmem:s17+$0x2060] =	vst v0;
	s17 =	sshra.s32 s18, $0x2;
	s18 =	sadd.s32 $0x200, s18  }
0x4f: {  	[tilespmem:s17+$0x2070] =	vst v0  }
0x50: {  	[tilespmem:s17+$0x2000] =	vst v0  }
0x51: {  	[tilespmem:s17+$0x2010] =	vst v0  }
0x52: {  	[tilespmem:s17+$0x2020] =	vst v0  }
0x53: {  	[tilespmem:s17+$0x2030] =	vst v0  }
0x54: {  	[tilespmem:s17+$0x2040] =	vst v0  }
0x55: {  	[tilespmem:s17+$0x2050] =	vst v0  }
0x56: {  	[tilespmem:s17+$0x2060] =	vst v0  }
0x57: {  	[spmem:s7] =	stream.linear.scatter [tilespmem:s24], [sflag:$0x3], $0x4000, $0x38;
	[tilespmem:$0x1E000] =	vst v63  }
0x58: {  	_ =	swait.ge [sflag:s25], $0x4000  }
0x59: {  	[sflag:s25] =	ssyncset.done $0x0  }
0x5a: {  	[sflag:s25] =	ssyncadd.s32 $0xFFFFC000  }
0x5b: {  	[spmem:s20] =	stream.linear.scatter [tilespmem:s24], [sflag:$0x3], $0x4000, $0x38;
	[tilespmem:$0x1E000] =	vst v63  }
0x5c: {  	_ =	swait.ge [sflag:s25], $0x4000  }
0x5d: {  	[sflag:s25] =	ssyncset.done $0x0  }
0x5e: {  	[sflag:s25] =	ssyncadd.s32 $0xFFFFC000  }
0x5f: {  	[spmem:s21] =	stream.linear.scatter [tilespmem:s24], [sflag:$0x3], $0x4000, $0x38;
	[tilespmem:$0x1E000] =	vst v63  }
0x60: {  	_ =	swait.ge [sflag:s25], $0x4000  }
0x61: {  	[sflag:s25] =	ssyncset.done $0x0  }
0x62: {  	[sflag:s25] =	ssyncadd.s32 $0xFFFFC000  }
0x63: {  	[spmem:s22] =	stream.linear.scatter [tilespmem:s24], [sflag:$0x3], $0x4000, $0x38;
	[tilespmem:$0x1E000] =	vst v63  }
0x64: {  	_ =	swait.ge [sflag:s25], $0x4000  }
0x65: {  	[sflag:s25] =	ssyncset.done $0x0  }
0x66: {  	[sflag:s25] =	ssyncadd.s32 $0xFFFFC000  }
0x67: {  	[spmem:s23] =	stream.linear.scatter [tilespmem:s24], [sflag:$0x3], $0x4000, $0x38;
	[tilespmem:$0x1E000] =	vst v63  }
0x68: {  	_ =	swait.ge [sflag:s25], $0x4000  }
0x69: {  	[sflag:s25] =	ssyncset.done $0x0  }
0x6a: {  	[sflag:s25] =	ssyncadd.s32 $0xFFFFC000  }
0x6b: {  	s10 =	simm.s32 $0x0;
	[bflag:$0x0] =	sbarrier.arrive $0xFFFF  }
0x6c: {  	[tilespmem:s10], [sflag:$0x3] =	stream.linear.gather [hbm4b:s8+s10], $0x1000, $0x38;
	[tilespmem:$0x1E000] =	vst v63  }
0x6d: {  	_ =	swait.ge [sflag:s25], $0x1000  }
0x6e: {  	[sflag:s25] =	ssyncset.done $0x0  }
0x6f: {  	[sflag:s25] =	ssyncadd.s32 $0xFFFFF000  }
0x70: {  	[tilespmem:s26], [sflag:$0x3] =	stream.linear.gather [hbm4b:s9+s10], $0x1000, $0x38;
	[tilespmem:$0x1E000] =	vst v63  }
0x71: {  	_ =	swait.ge [sflag:s25], $0x1000  }
0x72: {  	[sflag:s25] =	ssyncset.done $0x0  }
0x73: {  	[sflag:s25] =	ssyncadd.s32 $0xFFFFF000  }
0x74: {  	[tilespmem:s24], [sflag:$0x1] =	stream.indirect.gather [hbm4b:s0+s28], $0x80, s10, s28, $0xb8;
	[tilespmem:$0x1E000] =	vst v63  }
0x75: {  	s13 =	simm.s32 $0x80  }
0x76: {  	[tilespmem:s29], [sflag:$0x2] =	stream.indirect.gather [hbm4b:s0+s28], $0x80, s13, s28, $0xb8;
	[tilespmem:$0x1E000] =	vst v63  }
0x77: {  	_ =	swait.ge [sflag:s30], $0x4000  }
0x78: {  	[sflag:s30] =	ssyncset.done $0x0  }
0x79: {  	s17 =	simm.s32 $0x1000;
	[sflag:s30] =	ssyncadd.s32 $0xFFFFC000  }
0x7a: {  	[spmem:s5] =	stream.indirect.scatter.add.f32 [tilespmem:s24], [sflag:$0x3], $0x80, s17, s28, $0xb8;
	[tilespmem:$0x1E000] =	vst v63  }
0x7b: {  	_ =	swait.ge [sflag:s25], $0x4000  }
0x7c: {  	[sflag:s25] =	ssyncset.done $0x0  }
0x7d: {  	s18 =	simm.s32 $0x100;
	[sflag:s25] =	ssyncadd.s32 $0xFFFFC000  }
0x7e: {  	[tilespmem:s24], [sflag:$0x1] =	stream.indirect.gather [hbm4b:s0+s28], $0x80, s18, s28, $0xb8;
	[tilespmem:$0x1E000] =	vst v63  }
0x7f: {  	_ =	swait.ge [sflag:s31], $0x4000  }
0x80: {  	[sflag:s31] =	ssyncset.done $0x0  }
0x81: {  	s19 =	simm.s32 $0x1080;
	[sflag:s31] =	ssyncadd.s32 $0xFFFFC000  }
0x82: {  	[spmem:s5] =	stream.indirect.scatter.add.f32 [tilespmem:s29], [sflag:$0x3], $0x80, s19, s28, $0xb8;
	[tilespmem:$0x1E000] =	vst v63  }
0x83: {  	_ =	swait.ge [sflag:s25], $0x4000  }
0x84: {  	s10 =	simm.s32 $0x800;
	s17 =	simm.s32 $0x100;
	[sflag:s25] =	ssyncset.done $0x0  }
.LBB2_4:
0x85: {  	s18 =	sadd.s32 $0x80, s17  }
0x86: {  	[sflag:s25] =	ssyncadd.s32 $0xFFFFC000;
	s19 =	smov.u32 s10;
	s11 =	sadd.s32 $0x400, s10  }
0x87: {  	[tilespmem:s29], [sflag:$0x2] =	stream.indirect.gather [hbm4b:s0+s28], $0x80, s18, s28, $0xb8;
	[tilespmem:$0x1E000] =	vst v63  }
0x88: {  	p1 =	sne.s32 s10, $0x3800;
	_ =	swait.ge [sflag:s30], $0x4000  }
0x89: {  	[sflag:s30] =	ssyncset.done $0x0  }
0x8a: {  	s10 =	sadd.s32 $0x1000, s17;
	[sflag:s30] =	ssyncadd.s32 $0xFFFFC000  }
0x8b: {  	[spmem:s5] =	stream.indirect.scatter.add.f32 [tilespmem:s24], [sflag:$0x3], $0x80, s10, s28, $0xb8;
	[tilespmem:$0x1E000] =	vst v63  }
0x8c: {  	_ =	swait.ge [sflag:s25], $0x4000  }
0x8d: {  	[sflag:s25] =	ssyncset.done $0x0  }
0x8e: {  	s10 =	sadd.s32 $0x100, s17;
	[sflag:s25] =	ssyncadd.s32 $0xFFFFC000  }
0x8f: {  	[tilespmem:s24], [sflag:$0x1] =	stream.indirect.gather [hbm4b:s0+s28], $0x80, s10, s28, $0xb8;
	[tilespmem:$0x1E000] =	vst v63  }
0x90: {  	_ =	swait.ge [sflag:s31], $0x4000  }
.Ltmp3:
0x91: {  	[sflag:s31] =	ssyncset.done $0x0;
	(pc) =	sbr.rel @p1 .LBB2_4-.Ltmp3, $4  }
0x92: {  	s10 =	sadd.s32 $0x1080, s17;
	[sflag:s31] =	ssyncadd.s32 $0xFFFFC000  }
0x93: {  	[spmem:s5] =	stream.indirect.scatter.add.f32 [tilespmem:s29], [sflag:$0x3], $0x80, s10, s28, $0xb8;
	[tilespmem:$0x1E000] =	vst v63  }
0x94: {  	_ =	swait.ge [sflag:s25], $0x4000  }
0x95: {  	s17 =	sshra.s32 s19, $0x2;
	s10 =	smov.u32 s11;
	[sflag:s25] =	ssyncset.done $0x0  }
0x96: {  	s10 =	sadd.s32 $0x80, s17;
	[sflag:s25] =	ssyncadd.s32 $0xFFFFC000  }
0x97: {  	[tilespmem:s29], [sflag:$0x2] =	stream.indirect.gather [hbm4b:s0+s28], $0x80, s10, s28, $0xb8;
	[tilespmem:$0x1E000] =	vst v63  }
0x98: {  	_ =	swait.ge [sflag:s30], $0x4000  }
0x99: {  	[sflag:s30] =	ssyncset.done $0x0  }
0x9a: {  	s13 =	sadd.s32 $0x1000, s17;
	[sflag:s30] =	ssyncadd.s32 $0xFFFFC000  }
0x9b: {  	[spmem:s5] =	stream.indirect.scatter.add.f32 [tilespmem:s24], [sflag:$0x3], $0x80, s13, s28, $0xb8;
	[tilespmem:$0x1E000] =	vst v63  }
0x9c: {  	_ =	swait.ge [sflag:s25], $0x4000  }
0x9d: {  	[sflag:s25] =	ssyncset.done $0x0  }
0x9e: {  	s18 =	sadd.s32 $0x100, s17;
	[sflag:s25] =	ssyncadd.s32 $0xFFFFC000  }
0x9f: {  	[tilespmem:s24], [sflag:$0x1] =	stream.indirect.gather [hbm4b:s0+s28], $0x80, s18, s28, $0xb8;
	[tilespmem:$0x1E000] =	vst v63  }
0xa0: {  	_ =	swait.ge [sflag:s31], $0x4000  }
0xa1: {  	[sflag:s31] =	ssyncset.done $0x0  }
0xa2: {  	s19 =	sadd.s32 $0x1080, s17;
	[sflag:s31] =	ssyncadd.s32 $0xFFFFC000  }
0xa3: {  	[spmem:s5] =	stream.indirect.scatter.add.f32 [tilespmem:s29], [sflag:$0x3], $0x80, s19, s28, $0xb8;
	[tilespmem:$0x1E000] =	vst v63  }
0xa4: {  	_ =	swait.ge [sflag:s25], $0x4000  }
0xa5: {  	[sflag:s25] =	ssyncset.done $0x0  }
0xa6: {  	[sflag:s25] =	ssyncadd.s32 $0xFFFFC000  }
0xa7: {  	[tilespmem:s29], [sflag:$0x2] =	stream.indirect.gather [hbm4b:s0+s28], $0x80, s3, s28, $0xb8;
	[tilespmem:$0x1E000] =	vst v63  }
0xa8: {  	_ =	swait.ge [sflag:s30], $0x4000  }
0xa9: {  	[sflag:s30] =	ssyncset.done $0x0  }
0xaa: {  	[sflag:s30] =	ssyncadd.s32 $0xFFFFC000  }
0xab: {  	[spmem:s5] =	stream.indirect.scatter.add.f32 [tilespmem:s24], [sflag:$0x3], $0x80, s4, s28, $0xb8;
	[tilespmem:$0x1E000] =	vst v63  }
0xac: {  	_ =	swait.ge [sflag:s25], $0x4000  }
0xad: {  	[sflag:s25] =	ssyncset.done $0x0  }
0xae: {  	[sflag:s25] =	ssyncadd.s32 $0xFFFFC000  }
0xaf: {  	_ =	swait.ge [sflag:s31], $0x4000  }
0xb0: {  	[sflag:s31] =	ssyncset.done $0x0  }
.Ltmp4:
0xb1: {  	[sflag:s31] =	ssyncadd.s32 $0xFFFFC000;
	(pc) =	sbr.rel @p0 .LBB2_13-.Ltmp4, $4  }
0xb2: {  	[spmem:s5] =	stream.indirect.scatter.add.f32 [tilespmem:s29], [sflag:$0x3], $0x80, s16, s28, $0xb8;
	[tilespmem:$0x1E000] =	vst v63  }
0xb3: {  	_ =	swait.ge [sflag:s25], $0x4000  }
0xb4: {  	[sflag:s25] =	ssyncset.done $0x0  }
0xb5: {  	[sflag:s25] =	ssyncadd.s32 $0xFFFFC000  }
0xb6: {  	s10 =	simm.s32 $0x0;
	s11 =	rddreg [dreg:$0x8]  }
0xb7: {  	[tilespmem:s10], [sflag:$0x3] =	stream.linear.gather [hbm4b:s11+s10], $0x1000, $0x38;
	[tilespmem:$0x1E000] =	vst v63  }
0xb8: {  	_ =	swait.ge [sflag:s25], $0x1000  }
0xb9: {  	[sflag:s25] =	ssyncset.done $0x0  }
0xba: {  	s12 =	rddreg [dreg:$0x9];
	[sflag:s25] =	ssyncadd.s32 $0xFFFFF000  }
0xbb: {  	[tilespmem:s26], [sflag:$0x3] =	stream.linear.gather [hbm4b:s12+s10], $0x1000, $0x38;
	[tilespmem:$0x1E000] =	vst v63  }
0xbc: {  	_ =	swait.ge [sflag:s25], $0x1000  }
0xbd: {  	[sflag:s25] =	ssyncset.done $0x0  }
0xbe: {  	[sflag:s25] =	ssyncadd.s32 $0xFFFFF000  }
0xbf: {  	[tilespmem:s24], [sflag:$0x1] =	stream.indirect.gather [hbm4b:s0+s28], $0x80, s10, s28, $0xb8;
	[tilespmem:$0x1E000] =	vst v63  }
0xc0: {  	s13 =	simm.s32 $0x80  }
0xc1: {  	[tilespmem:s29], [sflag:$0x2] =	stream.indirect.gather [hbm4b:s0+s28], $0x80, s13, s28, $0xb8;
	[tilespmem:$0x1E000] =	vst v63  }
0xc2: {  	_ =	swait.ge [sflag:s30], $0x4000  }
0xc3: {  	[sflag:s30] =	ssyncset.done $0x0  }
0xc4: {  	s17 =	simm.s32 $0x1000;
	[sflag:s30] =	ssyncadd.s32 $0xFFFFC000  }
0xc5: {  	[spmem:s5] =	stream.indirect.scatter.add.f32 [tilespmem:s24], [sflag:$0x3], $0x80, s17, s28, $0xb8;
	[tilespmem:$0x1E000] =	vst v63  }
0xc6: {  	_ =	swait.ge [sflag:s25], $0x4000  }
0xc7: {  	[sflag:s25] =	ssyncset.done $0x0  }
0xc8: {  	s18 =	simm.s32 $0x100;
	[sflag:s25] =	ssyncadd.s32 $0xFFFFC000  }
0xc9: {  	[tilespmem:s24], [sflag:$0x1] =	stream.indirect.gather [hbm4b:s0+s28], $0x80, s18, s28, $0xb8;
	[tilespmem:$0x1E000] =	vst v63  }
0xca: {  	_ =	swait.ge [sflag:s31], $0x4000  }
0xcb: {  	[sflag:s31] =	ssyncset.done $0x0  }
0xcc: {  	s19 =	simm.s32 $0x1080;
	[sflag:s31] =	ssyncadd.s32 $0xFFFFC000  }
0xcd: {  	[spmem:s5] =	stream.indirect.scatter.add.f32 [tilespmem:s29], [sflag:$0x3], $0x80, s19, s28, $0xb8;
	[tilespmem:$0x1E000] =	vst v63  }
0xce: {  	_ =	swait.ge [sflag:s25], $0x4000  }
0xcf: {  	s10 =	simm.s32 $0x800;
	s17 =	simm.s32 $0x100;
	[sflag:s25] =	ssyncset.done $0x0  }
.LBB2_7:
0xd0: {  	s11 =	sadd.s32 $0x80, s17  }
0xd1: {  	[sflag:s25] =	ssyncadd.s32 $0xFFFFC000;
	s18 =	smov.u32 s10;
	s19 =	sadd.s32 $0x400, s10  }
0xd2: {  	[tilespmem:s29], [sflag:$0x2] =	stream.indirect.gather [hbm4b:s0+s28], $0x80, s11, s28, $0xb8;
	[tilespmem:$0x1E000] =	vst v63  }
0xd3: {  	p1 =	sne.s32 s10, $0x3800;
	_ =	swait.ge [sflag:s30], $0x4000  }
0xd4: {  	[sflag:s30] =	ssyncset.done $0x0  }
0xd5: {  	s10 =	sadd.s32 $0x1000, s17;
	[sflag:s30] =	ssyncadd.s32 $0xFFFFC000  }
0xd6: {  	[spmem:s5] =	stream.indirect.scatter.add.f32 [tilespmem:s24], [sflag:$0x3], $0x80, s10, s28, $0xb8;
	[tilespmem:$0x1E000] =	vst v63  }
0xd7: {  	_ =	swait.ge [sflag:s25], $0x4000  }
0xd8: {  	[sflag:s25] =	ssyncset.done $0x0  }
0xd9: {  	s10 =	sadd.s32 $0x100, s17;
	[sflag:s25] =	ssyncadd.s32 $0xFFFFC000  }
0xda: {  	[tilespmem:s24], [sflag:$0x1] =	stream.indirect.gather [hbm4b:s0+s28], $0x80, s10, s28, $0xb8;
	[tilespmem:$0x1E000] =	vst v63  }
0xdb: {  	_ =	swait.ge [sflag:s31], $0x4000  }
.Ltmp5:
0xdc: {  	[sflag:s31] =	ssyncset.done $0x0;
	(pc) =	sbr.rel @p1 .LBB2_7-.Ltmp5, $4  }
0xdd: {  	s10 =	sadd.s32 $0x1080, s17;
	[sflag:s31] =	ssyncadd.s32 $0xFFFFC000  }
0xde: {  	[spmem:s5] =	stream.indirect.scatter.add.f32 [tilespmem:s29], [sflag:$0x3], $0x80, s10, s28, $0xb8;
	[tilespmem:$0x1E000] =	vst v63  }
0xdf: {  	_ =	swait.ge [sflag:s25], $0x4000  }
0xe0: {  	s17 =	sshra.s32 s18, $0x2;
	s10 =	smov.u32 s19;
	[sflag:s25] =	ssyncset.done $0x0  }
0xe1: {  	s10 =	sadd.s32 $0x80, s17;
	[sflag:s25] =	ssyncadd.s32 $0xFFFFC000  }
0xe2: {  	[tilespmem:s29], [sflag:$0x2] =	stream.indirect.gather [hbm4b:s0+s28], $0x80, s10, s28, $0xb8;
	[tilespmem:$0x1E000] =	vst v63  }
0xe3: {  	_ =	swait.ge [sflag:s30], $0x4000  }
0xe4: {  	[sflag:s30] =	ssyncset.done $0x0  }
0xe5: {  	s12 =	sadd.s32 $0x1000, s17;
	[sflag:s30] =	ssyncadd.s32 $0xFFFFC000  }
0xe6: {  	[spmem:s5] =	stream.indirect.scatter.add.f32 [tilespmem:s24], [sflag:$0x3], $0x80, s12, s28, $0xb8;
	[tilespmem:$0x1E000] =	vst v63  }
0xe7: {  	_ =	swait.ge [sflag:s25], $0x4000  }
0xe8: {  	[sflag:s25] =	ssyncset.done $0x0  }
0xe9: {  	s13 =	sadd.s32 $0x100, s17;
	[sflag:s25] =	ssyncadd.s32 $0xFFFFC000  }
0xea: {  	[tilespmem:s24], [sflag:$0x1] =	stream.indirect.gather [hbm4b:s0+s28], $0x80, s13, s28, $0xb8;
	[tilespmem:$0x1E000] =	vst v63  }
0xeb: {  	_ =	swait.ge [sflag:s31], $0x4000  }
0xec: {  	[sflag:s31] =	ssyncset.done $0x0  }
0xed: {  	s18 =	sadd.s32 $0x1080, s17;
	[sflag:s31] =	ssyncadd.s32 $0xFFFFC000  }
0xee: {  	[spmem:s5] =	stream.indirect.scatter.add.f32 [tilespmem:s29], [sflag:$0x3], $0x80, s18, s28, $0xb8;
	[tilespmem:$0x1E000] =	vst v63  }
0xef: {  	_ =	swait.ge [sflag:s25], $0x4000  }
0xf0: {  	[sflag:s25] =	ssyncset.done $0x0  }
0xf1: {  	[sflag:s25] =	ssyncadd.s32 $0xFFFFC000  }
0xf2: {  	[tilespmem:s29], [sflag:$0x2] =	stream.indirect.gather [hbm4b:s0+s28], $0x80, s3, s28, $0xb8;
	[tilespmem:$0x1E000] =	vst v63  }
0xf3: {  	_ =	swait.ge [sflag:s30], $0x4000  }
0xf4: {  	[sflag:s30] =	ssyncset.done $0x0  }
0xf5: {  	[sflag:s30] =	ssyncadd.s32 $0xFFFFC000  }
0xf6: {  	[spmem:s5] =	stream.indirect.scatter.add.f32 [tilespmem:s24], [sflag:$0x3], $0x80, s4, s28, $0xb8;
	[tilespmem:$0x1E000] =	vst v63  }
0xf7: {  	_ =	swait.ge [sflag:s25], $0x4000  }
0xf8: {  	[sflag:s25] =	ssyncset.done $0x0  }
0xf9: {  	[sflag:s25] =	ssyncadd.s32 $0xFFFFC000  }
0xfa: {  	_ =	swait.ge [sflag:s31], $0x4000  }
0xfb: {  	[sflag:s31] =	ssyncset.done $0x0  }
0xfc: {  	[sflag:s31] =	ssyncadd.s32 $0xFFFFC000  }
0xfd: {  	[spmem:s5] =	stream.indirect.scatter.add.f32 [tilespmem:s29], [sflag:$0x3], $0x80, s16, s28, $0xb8;
	[tilespmem:$0x1E000] =	vst v63  }
0xfe: {  	_ =	swait.ge [sflag:s25], $0x4000  }
0xff: {  	[sflag:s25] =	ssyncset.done $0x0  }
0x100: {  	s19 =	simm.s32 $0x0;
	s11 =	rddreg [dreg:$0xa];
	[sflag:s25] =	ssyncadd.s32 $0xFFFFC000  }
0x101: {  	[tilespmem:s19], [sflag:$0x3] =	stream.linear.gather [hbm4b:s11+s19], $0x1000, $0x38;
	[tilespmem:$0x1E000] =	vst v63  }
0x102: {  	_ =	swait.ge [sflag:s25], $0x1000  }
0x103: {  	[sflag:s25] =	ssyncset.done $0x0  }
0x104: {  	s12 =	rddreg [dreg:$0xb];
	[sflag:s25] =	ssyncadd.s32 $0xFFFFF000  }
0x105: {  	[tilespmem:s26], [sflag:$0x3] =	stream.linear.gather [hbm4b:s12+s19], $0x1000, $0x38;
	[tilespmem:$0x1E000] =	vst v63  }
0x106: {  	_ =	swait.ge [sflag:s25], $0x1000  }
0x107: {  	[sflag:s25] =	ssyncset.done $0x0  }
0x108: {  	[sflag:s25] =	ssyncadd.s32 $0xFFFFF000  }
0x109: {  	[tilespmem:s24], [sflag:$0x1] =	stream.indirect.gather [hbm4b:s0+s28], $0x80, s19, s28, $0xb8;
	[tilespmem:$0x1E000] =	vst v63  }
0x10a: {  	s13 =	simm.s32 $0x80  }
0x10b: {  	[tilespmem:s29], [sflag:$0x2] =	stream.indirect.gather [hbm4b:s0+s28], $0x80, s13, s28, $0xb8;
	[tilespmem:$0x1E000] =	vst v63  }
0x10c: {  	_ =	swait.ge [sflag:s30], $0x4000  }
0x10d: {  	[sflag:s30] =	ssyncset.done $0x0  }
0x10e: {  	s17 =	simm.s32 $0x1000;
	[sflag:s30] =	ssyncadd.s32 $0xFFFFC000  }
0x10f: {  	[spmem:s5] =	stream.indirect.scatter.add.f32 [tilespmem:s24], [sflag:$0x3], $0x80, s17, s28, $0xb8;
	[tilespmem:$0x1E000] =	vst v63  }
0x110: {  	_ =	swait.ge [sflag:s25], $0x4000  }
0x111: {  	[sflag:s25] =	ssyncset.done $0x0  }
0x112: {  	s18 =	simm.s32 $0x100;
	[sflag:s25] =	ssyncadd.s32 $0xFFFFC000  }
0x113: {  	[tilespmem:s24], [sflag:$0x1] =	stream.indirect.gather [hbm4b:s0+s28], $0x80, s18, s28, $0xb8;
	[tilespmem:$0x1E000] =	vst v63  }
0x114: {  	_ =	swait.ge [sflag:s31], $0x4000  }
0x115: {  	[sflag:s31] =	ssyncset.done $0x0  }
0x116: {  	s19 =	simm.s32 $0x1080;
	[sflag:s31] =	ssyncadd.s32 $0xFFFFC000  }
0x117: {  	[spmem:s5] =	stream.indirect.scatter.add.f32 [tilespmem:s29], [sflag:$0x3], $0x80, s19, s28, $0xb8;
	[tilespmem:$0x1E000] =	vst v63  }
0x118: {  	_ =	swait.ge [sflag:s25], $0x4000  }
0x119: {  	s10 =	simm.s32 $0x800;
	s17 =	simm.s32 $0x100;
	[sflag:s25] =	ssyncset.done $0x0  }
.LBB2_9:
0x11a: {  	s11 =	sadd.s32 $0x80, s17  }
0x11b: {  	[sflag:s25] =	ssyncadd.s32 $0xFFFFC000;
	s18 =	smov.u32 s10;
	s19 =	sadd.s32 $0x400, s10  }
0x11c: {  	[tilespmem:s29], [sflag:$0x2] =	stream.indirect.gather [hbm4b:s0+s28], $0x80, s11, s28, $0xb8;
	[tilespmem:$0x1E000] =	vst v63  }
0x11d: {  	p1 =	sne.s32 s10, $0x3800;
	_ =	swait.ge [sflag:s30], $0x4000  }
0x11e: {  	[sflag:s30] =	ssyncset.done $0x0  }
0x11f: {  	s10 =	sadd.s32 $0x1000, s17;
	[sflag:s30] =	ssyncadd.s32 $0xFFFFC000  }
0x120: {  	[spmem:s5] =	stream.indirect.scatter.add.f32 [tilespmem:s24], [sflag:$0x3], $0x80, s10, s28, $0xb8;
	[tilespmem:$0x1E000] =	vst v63  }
0x121: {  	_ =	swait.ge [sflag:s25], $0x4000  }
0x122: {  	[sflag:s25] =	ssyncset.done $0x0  }
0x123: {  	s10 =	sadd.s32 $0x100, s17;
	[sflag:s25] =	ssyncadd.s32 $0xFFFFC000  }
0x124: {  	[tilespmem:s24], [sflag:$0x1] =	stream.indirect.gather [hbm4b:s0+s28], $0x80, s10, s28, $0xb8;
	[tilespmem:$0x1E000] =	vst v63  }
0x125: {  	_ =	swait.ge [sflag:s31], $0x4000  }
.Ltmp6:
0x126: {  	[sflag:s31] =	ssyncset.done $0x0;
	(pc) =	sbr.rel @p1 .LBB2_9-.Ltmp6, $4  }
0x127: {  	s10 =	sadd.s32 $0x1080, s17;
	[sflag:s31] =	ssyncadd.s32 $0xFFFFC000  }
0x128: {  	[spmem:s5] =	stream.indirect.scatter.add.f32 [tilespmem:s29], [sflag:$0x3], $0x80, s10, s28, $0xb8;
	[tilespmem:$0x1E000] =	vst v63  }
0x129: {  	_ =	swait.ge [sflag:s25], $0x4000  }
0x12a: {  	s17 =	sshra.s32 s18, $0x2;
	s10 =	smov.u32 s19;
	[sflag:s25] =	ssyncset.done $0x0  }
0x12b: {  	s10 =	sadd.s32 $0x80, s17;
	[sflag:s25] =	ssyncadd.s32 $0xFFFFC000  }
0x12c: {  	[tilespmem:s29], [sflag:$0x2] =	stream.indirect.gather [hbm4b:s0+s28], $0x80, s10, s28, $0xb8;
	[tilespmem:$0x1E000] =	vst v63  }
0x12d: {  	_ =	swait.ge [sflag:s30], $0x4000  }
0x12e: {  	[sflag:s30] =	ssyncset.done $0x0  }
0x12f: {  	s18 =	sadd.s32 $0x1000, s17;
	[sflag:s30] =	ssyncadd.s32 $0xFFFFC000  }
0x130: {  	[spmem:s5] =	stream.indirect.scatter.add.f32 [tilespmem:s24], [sflag:$0x3], $0x80, s18, s28, $0xb8;
	[tilespmem:$0x1E000] =	vst v63  }
0x131: {  	_ =	swait.ge [sflag:s25], $0x4000  }
0x132: {  	[sflag:s25] =	ssyncset.done $0x0  }
0x133: {  	s19 =	sadd.s32 $0x100, s17;
	[sflag:s25] =	ssyncadd.s32 $0xFFFFC000  }
0x134: {  	[tilespmem:s24], [sflag:$0x1] =	stream.indirect.gather [hbm4b:s0+s28], $0x80, s19, s28, $0xb8;
	[tilespmem:$0x1E000] =	vst v63  }
0x135: {  	_ =	swait.ge [sflag:s31], $0x4000  }
0x136: {  	[sflag:s31] =	ssyncset.done $0x0  }
0x137: {  	s11 =	sadd.s32 $0x1080, s17;
	[sflag:s31] =	ssyncadd.s32 $0xFFFFC000  }
0x138: {  	[spmem:s5] =	stream.indirect.scatter.add.f32 [tilespmem:s29], [sflag:$0x3], $0x80, s11, s28, $0xb8;
	[tilespmem:$0x1E000] =	vst v63  }
0x139: {  	_ =	swait.ge [sflag:s25], $0x4000  }
0x13a: {  	[sflag:s25] =	ssyncset.done $0x0  }
0x13b: {  	[sflag:s25] =	ssyncadd.s32 $0xFFFFC000  }
0x13c: {  	[tilespmem:s29], [sflag:$0x2] =	stream.indirect.gather [hbm4b:s0+s28], $0x80, s3, s28, $0xb8;
	[tilespmem:$0x1E000] =	vst v63  }
0x13d: {  	_ =	swait.ge [sflag:s30], $0x4000  }
0x13e: {  	[sflag:s30] =	ssyncset.done $0x0  }
0x13f: {  	[sflag:s30] =	ssyncadd.s32 $0xFFFFC000  }
0x140: {  	[spmem:s5] =	stream.indirect.scatter.add.f32 [tilespmem:s24], [sflag:$0x3], $0x80, s4, s28, $0xb8;
	[tilespmem:$0x1E000] =	vst v63  }
0x141: {  	_ =	swait.ge [sflag:s25], $0x4000  }
0x142: {  	[sflag:s25] =	ssyncset.done $0x0  }
0x143: {  	[sflag:s25] =	ssyncadd.s32 $0xFFFFC000  }
0x144: {  	_ =	swait.ge [sflag:s31], $0x4000  }
0x145: {  	[sflag:s31] =	ssyncset.done $0x0  }
0x146: {  	[sflag:s31] =	ssyncadd.s32 $0xFFFFC000  }
0x147: {  	[spmem:s5] =	stream.indirect.scatter.add.f32 [tilespmem:s29], [sflag:$0x3], $0x80, s16, s28, $0xb8;
	[tilespmem:$0x1E000] =	vst v63  }
0x148: {  	_ =	swait.ge [sflag:s25], $0x4000  }
0x149: {  	[sflag:s25] =	ssyncset.done $0x0  }
0x14a: {  	s12 =	simm.s32 $0x0;
	[sflag:s25] =	ssyncadd.s32 $0xFFFFC000  }
0x14b: {  	[tilespmem:s12], [sflag:$0x3] =	stream.linear.gather [hbm4b:s14+s12], $0x1000, $0x38;
	[tilespmem:$0x1E000] =	vst v63  }
0x14c: {  	_ =	swait.ge [sflag:s25], $0x1000  }
0x14d: {  	[sflag:s25] =	ssyncset.done $0x0  }
0x14e: {  	[sflag:s25] =	ssyncadd.s32 $0xFFFFF000  }
0x14f: {  	[tilespmem:s26], [sflag:$0x3] =	stream.linear.gather [hbm4b:s15+s12], $0x1000, $0x38;
	[tilespmem:$0x1E000] =	vst v63  }
0x150: {  	_ =	swait.ge [sflag:s25], $0x1000  }
0x151: {  	[sflag:s25] =	ssyncset.done $0x0  }
0x152: {  	[sflag:s25] =	ssyncadd.s32 $0xFFFFF000  }
0x153: {  	[tilespmem:s24], [sflag:$0x1] =	stream.indirect.gather [hbm4b:s0+s28], $0x80, s12, s28, $0xb8;
	[tilespmem:$0x1E000] =	vst v63  }
0x154: {  	s13 =	simm.s32 $0x80  }
0x155: {  	[tilespmem:s29], [sflag:$0x2] =	stream.indirect.gather [hbm4b:s0+s28], $0x80, s13, s28, $0xb8;
	[tilespmem:$0x1E000] =	vst v63  }
0x156: {  	_ =	swait.ge [sflag:s30], $0x4000  }
0x157: {  	[sflag:s30] =	ssyncset.done $0x0  }
0x158: {  	s17 =	simm.s32 $0x1000;
	[sflag:s30] =	ssyncadd.s32 $0xFFFFC000  }
0x159: {  	[spmem:s5] =	stream.indirect.scatter.add.f32 [tilespmem:s24], [sflag:$0x3], $0x80, s17, s28, $0xb8;
	[tilespmem:$0x1E000] =	vst v63  }
0x15a: {  	_ =	swait.ge [sflag:s25], $0x4000  }
0x15b: {  	[sflag:s25] =	ssyncset.done $0x0  }
0x15c: {  	s18 =	simm.s32 $0x100;
	[sflag:s25] =	ssyncadd.s32 $0xFFFFC000  }
0x15d: {  	[tilespmem:s24], [sflag:$0x1] =	stream.indirect.gather [hbm4b:s0+s28], $0x80, s18, s28, $0xb8;
	[tilespmem:$0x1E000] =	vst v63  }
0x15e: {  	_ =	swait.ge [sflag:s31], $0x4000  }
0x15f: {  	[sflag:s31] =	ssyncset.done $0x0  }
0x160: {  	s19 =	simm.s32 $0x1080;
	[sflag:s31] =	ssyncadd.s32 $0xFFFFC000  }
0x161: {  	[spmem:s5] =	stream.indirect.scatter.add.f32 [tilespmem:s29], [sflag:$0x3], $0x80, s19, s28, $0xb8;
	[tilespmem:$0x1E000] =	vst v63  }
0x162: {  	_ =	swait.ge [sflag:s25], $0x4000  }
0x163: {  	s10 =	simm.s32 $0x800;
	s17 =	simm.s32 $0x100;
	[sflag:s25] =	ssyncset.done $0x0  }
.LBB2_11:
0x164: {  	s11 =	sadd.s32 $0x80, s17  }
0x165: {  	[sflag:s25] =	ssyncadd.s32 $0xFFFFC000;
	s18 =	smov.u32 s10;
	s19 =	sadd.s32 $0x400, s10  }
0x166: {  	[tilespmem:s29], [sflag:$0x2] =	stream.indirect.gather [hbm4b:s0+s28], $0x80, s11, s28, $0xb8;
	[tilespmem:$0x1E000] =	vst v63  }
0x167: {  	p1 =	sne.s32 s10, $0x3800;
	_ =	swait.ge [sflag:s30], $0x4000  }
0x168: {  	[sflag:s30] =	ssyncset.done $0x0  }
0x169: {  	s10 =	sadd.s32 $0x1000, s17;
	[sflag:s30] =	ssyncadd.s32 $0xFFFFC000  }
0x16a: {  	[spmem:s5] =	stream.indirect.scatter.add.f32 [tilespmem:s24], [sflag:$0x3], $0x80, s10, s28, $0xb8;
	[tilespmem:$0x1E000] =	vst v63  }
0x16b: {  	_ =	swait.ge [sflag:s25], $0x4000  }
0x16c: {  	[sflag:s25] =	ssyncset.done $0x0  }
0x16d: {  	s10 =	sadd.s32 $0x100, s17;
	[sflag:s25] =	ssyncadd.s32 $0xFFFFC000  }
0x16e: {  	[tilespmem:s24], [sflag:$0x1] =	stream.indirect.gather [hbm4b:s0+s28], $0x80, s10, s28, $0xb8;
	[tilespmem:$0x1E000] =	vst v63  }
0x16f: {  	_ =	swait.ge [sflag:s31], $0x4000  }
.Ltmp7:
0x170: {  	[sflag:s31] =	ssyncset.done $0x0;
	(pc) =	sbr.rel @p1 .LBB2_11-.Ltmp7, $4  }
0x171: {  	s10 =	sadd.s32 $0x1080, s17;
	[sflag:s31] =	ssyncadd.s32 $0xFFFFC000  }
0x172: {  	[spmem:s5] =	stream.indirect.scatter.add.f32 [tilespmem:s29], [sflag:$0x3], $0x80, s10, s28, $0xb8;
	[tilespmem:$0x1E000] =	vst v63  }
0x173: {  	_ =	swait.ge [sflag:s25], $0x4000  }
0x174: {  	s17 =	sshra.s32 s18, $0x2;
	s10 =	smov.u32 s19;
	[sflag:s25] =	ssyncset.done $0x0  }
0x175: {  	s10 =	sadd.s32 $0x80, s17;
	[sflag:s25] =	ssyncadd.s32 $0xFFFFC000  }
0x176: {  	[tilespmem:s29], [sflag:$0x2] =	stream.indirect.gather [hbm4b:s0+s28], $0x80, s10, s28, $0xb8;
	[tilespmem:$0x1E000] =	vst v63  }
0x177: {  	_ =	swait.ge [sflag:s30], $0x4000  }
0x178: {  	[sflag:s30] =	ssyncset.done $0x0  }
0x179: {  	s13 =	sadd.s32 $0x1000, s17;
	[sflag:s30] =	ssyncadd.s32 $0xFFFFC000  }
0x17a: {  	[spmem:s5] =	stream.indirect.scatter.add.f32 [tilespmem:s24], [sflag:$0x3], $0x80, s13, s28, $0xb8;
	[tilespmem:$0x1E000] =	vst v63  }
0x17b: {  	_ =	swait.ge [sflag:s25], $0x4000  }
0x17c: {  	[sflag:s25] =	ssyncset.done $0x0  }
0x17d: {  	s18 =	sadd.s32 $0x100, s17;
	[sflag:s25] =	ssyncadd.s32 $0xFFFFC000  }
0x17e: {  	[tilespmem:s24], [sflag:$0x1] =	stream.indirect.gather [hbm4b:s0+s28], $0x80, s18, s28, $0xb8;
	[tilespmem:$0x1E000] =	vst v63  }
0x17f: {  	_ =	swait.ge [sflag:s31], $0x4000  }
0x180: {  	[sflag:s31] =	ssyncset.done $0x0  }
0x181: {  	s19 =	sadd.s32 $0x1080, s17;
	[sflag:s31] =	ssyncadd.s32 $0xFFFFC000  }
0x182: {  	[spmem:s5] =	stream.indirect.scatter.add.f32 [tilespmem:s29], [sflag:$0x3], $0x80, s19, s28, $0xb8;
	[tilespmem:$0x1E000] =	vst v63  }
0x183: {  	_ =	swait.ge [sflag:s25], $0x4000  }
0x184: {  	[sflag:s25] =	ssyncset.done $0x0  }
0x185: {  	[sflag:s25] =	ssyncadd.s32 $0xFFFFC000  }
0x186: {  	[tilespmem:s29], [sflag:$0x2] =	stream.indirect.gather [hbm4b:s0+s28], $0x80, s3, s28, $0xb8;
	[tilespmem:$0x1E000] =	vst v63  }
0x187: {  	_ =	swait.ge [sflag:s30], $0x4000  }
0x188: {  	[sflag:s30] =	ssyncset.done $0x0  }
0x189: {  	[sflag:s30] =	ssyncadd.s32 $0xFFFFC000  }
0x18a: {  	[spmem:s5] =	stream.indirect.scatter.add.f32 [tilespmem:s24], [sflag:$0x3], $0x80, s4, s28, $0xb8;
	[tilespmem:$0x1E000] =	vst v63  }
0x18b: {  	_ =	swait.ge [sflag:s25], $0x4000  }
0x18c: {  	[sflag:s25] =	ssyncset.done $0x0  }
0x18d: {  	[sflag:s25] =	ssyncadd.s32 $0xFFFFC000  }
0x18e: {  	_ =	swait.ge [sflag:s31], $0x4000  }
0x18f: {  	[sflag:s31] =	ssyncset.done $0x0  }
0x190: {  	[sflag:s31] =	ssyncadd.s32 $0xFFFFC000  }
0x191: {  	[spmem:s5] =	stream.indirect.scatter.add.f32 [tilespmem:s29], [sflag:$0x3], $0x80, s16, s28, $0xb8;
	[tilespmem:$0x1E000] =	vst v63  }
0x192: {  	_ =	swait.ge [sflag:s25], $0x4000  }
0x193: {  	[sflag:s25] =	ssyncset.done $0x0  }
0x194: {  	[sflag:s25] =	ssyncadd.s32 $0xFFFFC000  }
.LBB2_13:
0x195: {  	s10 =	stileid.u32  }
0x196: {  	[bflag:$0x0] =	sbarrier.arrive $0xFFFF;
	s10 =	sshll.u32 s10, $0x6  }
0x197: {  	s18 =	sshrl.u32 s7, $0x3;
	s19 =	rddreg [dreg:$0xc];
	s17 =	sor.u32 $0x1C03, s10  }
0x198: {  	[hbm:s19], [sflag:s17] =	dma.local [spmem:s18], $0x2800  }
0x199: {  	_ =	swait.ge [sflag:s25], $0x2800  }
0x19a: {  	[sflag:s25] =	ssyncset.done $0x0  }
0x19b: {  	s10 =	simm.s32 $0x200;
	s19 =	simm.s32 $0x0;
	[sflag:s25] =	ssyncadd.s32 $0xFFFFD800  }
.LBB2_14:
0x19c: {  	p1 =	sne.s32 s10, $0xFE00;
	[tilespmem:s19+$0x2070] =	vst v0  }
0x19d: {  	[tilespmem:s19+$0x2000] =	vst v0  }
0x19e: {  	[tilespmem:s19+$0x2010] =	vst v0  }
.Ltmp8:
0x19f: {  	[tilespmem:s19+$0x2020] =	vst v0;
	(pc) =	sbr.rel @p1 .LBB2_14-.Ltmp8, $4  }
0x1a0: {  	[tilespmem:s19+$0x2030] =	vst v0  }
0x1a1: {  	[tilespmem:s19+$0x2040] =	vst v0  }
0x1a2: {  	[tilespmem:s19+$0x2050] =	vst v0  }
0x1a3: {  	[tilespmem:s19+$0x2060] =	vst v0;
	s19 =	sshra.s32 s10, $0x2;
	s10 =	sadd.s32 $0x200, s10  }
0x1a4: {  	[tilespmem:s19+$0x2070] =	vst v0  }
0x1a5: {  	[tilespmem:s19+$0x2000] =	vst v0  }
0x1a6: {  	[tilespmem:s19+$0x2010] =	vst v0  }
0x1a7: {  	[tilespmem:s19+$0x2020] =	vst v0  }
0x1a8: {  	[tilespmem:s19+$0x2030] =	vst v0  }
0x1a9: {  	[tilespmem:s19+$0x2040] =	vst v0  }
0x1aa: {  	[tilespmem:s19+$0x2050] =	vst v0  }
0x1ab: {  	[tilespmem:s19+$0x2060] =	vst v0  }
0x1ac: {  	[spmem:s7] =	stream.linear.scatter [tilespmem:s24], [sflag:$0x3], $0x4000, $0x38;
	[tilespmem:$0x1E000] =	vst v63  }
0x1ad: {  	_ =	swait.ge [sflag:s25], $0x4000  }
0x1ae: {  	[sflag:s25] =	ssyncset.done $0x0  }
0x1af: {  	[sflag:s25] =	ssyncadd.s32 $0xFFFFC000  }
0x1b0: {  	[spmem:s20] =	stream.linear.scatter [tilespmem:s24], [sflag:$0x3], $0x4000, $0x38;
	[tilespmem:$0x1E000] =	vst v63  }
0x1b1: {  	_ =	swait.ge [sflag:s25], $0x4000  }
0x1b2: {  	[sflag:s25] =	ssyncset.done $0x0  }
0x1b3: {  	[sflag:s25] =	ssyncadd.s32 $0xFFFFC000  }
0x1b4: {  	[spmem:s21] =	stream.linear.scatter [tilespmem:s24], [sflag:$0x3], $0x4000, $0x38;
	[tilespmem:$0x1E000] =	vst v63  }
0x1b5: {  	_ =	swait.ge [sflag:s25], $0x4000  }
0x1b6: {  	[sflag:s25] =	ssyncset.done $0x0  }
0x1b7: {  	[sflag:s25] =	ssyncadd.s32 $0xFFFFC000  }
0x1b8: {  	[spmem:s22] =	stream.linear.scatter [tilespmem:s24], [sflag:$0x3], $0x4000, $0x38;
	[tilespmem:$0x1E000] =	vst v63  }
0x1b9: {  	_ =	swait.ge [sflag:s25], $0x4000  }
0x1ba: {  	[sflag:s25] =	ssyncset.done $0x0  }
0x1bb: {  	[sflag:s25] =	ssyncadd.s32 $0xFFFFC000  }
0x1bc: {  	[spmem:s23] =	stream.linear.scatter [tilespmem:s24], [sflag:$0x3], $0x4000, $0x38;
	[tilespmem:$0x1E000] =	vst v63  }
0x1bd: {  	_ =	swait.ge [sflag:s25], $0x4000  }
0x1be: {  	[sflag:s25] =	ssyncset.done $0x0  }
0x1bf: {  	[sflag:s25] =	ssyncadd.s32 $0xFFFFC000  }
0x1c0: {  	s10 =	simm.s32 $0x0;
	[bflag:$0x0] =	sbarrier.arrive $0xFFFF  }
0x1c1: {  	[tilespmem:s10], [sflag:$0x3] =	stream.linear.gather [hbm4b:s8+s10], $0x1000, $0x38;
	[tilespmem:$0x1E000] =	vst v63  }
0x1c2: {  	_ =	swait.ge [sflag:s25], $0x1000  }
0x1c3: {  	[sflag:s25] =	ssyncset.done $0x0  }
0x1c4: {  	[sflag:s25] =	ssyncadd.s32 $0xFFFFF000  }
0x1c5: {  	[tilespmem:s26], [sflag:$0x3] =	stream.linear.gather [hbm4b:s9+s10], $0x1000, $0x38;
	[tilespmem:$0x1E000] =	vst v63  }
0x1c6: {  	_ =	swait.ge [sflag:s25], $0x1000  }
0x1c7: {  	[sflag:s25] =	ssyncset.done $0x0  }
0x1c8: {  	[sflag:s25] =	ssyncadd.s32 $0xFFFFF000  }
0x1c9: {  	[tilespmem:s24], [sflag:$0x1] =	stream.indirect.gather [hbm4b:s1+s28], $0x80, s10, s28, $0xb8;
	[tilespmem:$0x1E000] =	vst v63  }
0x1ca: {  	s11 =	simm.s32 $0x80  }
0x1cb: {  	[tilespmem:s29], [sflag:$0x2] =	stream.indirect.gather [hbm4b:s1+s28], $0x80, s11, s28, $0xb8;
	[tilespmem:$0x1E000] =	vst v63  }
0x1cc: {  	_ =	swait.ge [sflag:s30], $0x4000  }
0x1cd: {  	[sflag:s30] =	ssyncset.done $0x0  }
0x1ce: {  	s12 =	simm.s32 $0x1000;
	[sflag:s30] =	ssyncadd.s32 $0xFFFFC000  }
0x1cf: {  	[spmem:s5] =	stream.indirect.scatter.add.f32 [tilespmem:s24], [sflag:$0x3], $0x80, s12, s28, $0xb8;
	[tilespmem:$0x1E000] =	vst v63  }
0x1d0: {  	_ =	swait.ge [sflag:s25], $0x4000  }
0x1d1: {  	[sflag:s25] =	ssyncset.done $0x0  }
0x1d2: {  	s13 =	simm.s32 $0x100;
	[sflag:s25] =	ssyncadd.s32 $0xFFFFC000  }
0x1d3: {  	[tilespmem:s24], [sflag:$0x1] =	stream.indirect.gather [hbm4b:s1+s28], $0x80, s13, s28, $0xb8;
	[tilespmem:$0x1E000] =	vst v63  }
0x1d4: {  	_ =	swait.ge [sflag:s31], $0x4000  }
0x1d5: {  	[sflag:s31] =	ssyncset.done $0x0  }
0x1d6: {  	s19 =	simm.s32 $0x1080;
	[sflag:s31] =	ssyncadd.s32 $0xFFFFC000  }
0x1d7: {  	[spmem:s5] =	stream.indirect.scatter.add.f32 [tilespmem:s29], [sflag:$0x3], $0x80, s19, s28, $0xb8;
	[tilespmem:$0x1E000] =	vst v63  }
0x1d8: {  	_ =	swait.ge [sflag:s25], $0x4000  }
0x1d9: {  	s10 =	simm.s32 $0x800;
	s19 =	simm.s32 $0x100;
	[sflag:s25] =	ssyncset.done $0x0  }
.LBB2_16:
0x1da: {  	s11 =	sadd.s32 $0x80, s19  }
0x1db: {  	[sflag:s25] =	ssyncadd.s32 $0xFFFFC000;
	s12 =	smov.u32 s10;
	s13 =	sadd.s32 $0x400, s10  }
0x1dc: {  	[tilespmem:s29], [sflag:$0x2] =	stream.indirect.gather [hbm4b:s1+s28], $0x80, s11, s28, $0xb8;
	[tilespmem:$0x1E000] =	vst v63  }
0x1dd: {  	p1 =	sne.s32 s10, $0x3800;
	_ =	swait.ge [sflag:s30], $0x4000  }
0x1de: {  	[sflag:s30] =	ssyncset.done $0x0  }
0x1df: {  	s10 =	sadd.s32 $0x1000, s19;
	[sflag:s30] =	ssyncadd.s32 $0xFFFFC000  }
0x1e0: {  	[spmem:s5] =	stream.indirect.scatter.add.f32 [tilespmem:s24], [sflag:$0x3], $0x80, s10, s28, $0xb8;
	[tilespmem:$0x1E000] =	vst v63  }
0x1e1: {  	_ =	swait.ge [sflag:s25], $0x4000  }
0x1e2: {  	[sflag:s25] =	ssyncset.done $0x0  }
0x1e3: {  	s10 =	sadd.s32 $0x100, s19;
	[sflag:s25] =	ssyncadd.s32 $0xFFFFC000  }
0x1e4: {  	[tilespmem:s24], [sflag:$0x1] =	stream.indirect.gather [hbm4b:s1+s28], $0x80, s10, s28, $0xb8;
	[tilespmem:$0x1E000] =	vst v63  }
0x1e5: {  	_ =	swait.ge [sflag:s31], $0x4000  }
.Ltmp9:
0x1e6: {  	[sflag:s31] =	ssyncset.done $0x0;
	(pc) =	sbr.rel @p1 .LBB2_16-.Ltmp9, $4  }
0x1e7: {  	s10 =	sadd.s32 $0x1080, s19;
	[sflag:s31] =	ssyncadd.s32 $0xFFFFC000  }
0x1e8: {  	[spmem:s5] =	stream.indirect.scatter.add.f32 [tilespmem:s29], [sflag:$0x3], $0x80, s10, s28, $0xb8;
	[tilespmem:$0x1E000] =	vst v63  }
0x1e9: {  	_ =	swait.ge [sflag:s25], $0x4000  }
0x1ea: {  	s19 =	sshra.s32 s12, $0x2;
	s10 =	smov.u32 s13;
	[sflag:s25] =	ssyncset.done $0x0  }
0x1eb: {  	s10 =	sadd.s32 $0x80, s19;
	[sflag:s25] =	ssyncadd.s32 $0xFFFFC000  }
0x1ec: {  	[tilespmem:s29], [sflag:$0x2] =	stream.indirect.gather [hbm4b:s1+s28], $0x80, s10, s28, $0xb8;
	[tilespmem:$0x1E000] =	vst v63  }
0x1ed: {  	_ =	swait.ge [sflag:s30], $0x4000  }
0x1ee: {  	[sflag:s30] =	ssyncset.done $0x0  }
0x1ef: {  	s12 =	sadd.s32 $0x1000, s19;
	[sflag:s30] =	ssyncadd.s32 $0xFFFFC000  }
0x1f0: {  	[spmem:s5] =	stream.indirect.scatter.add.f32 [tilespmem:s24], [sflag:$0x3], $0x80, s12, s28, $0xb8;
	[tilespmem:$0x1E000] =	vst v63  }
0x1f1: {  	_ =	swait.ge [sflag:s25], $0x4000  }
0x1f2: {  	[sflag:s25] =	ssyncset.done $0x0  }
0x1f3: {  	s13 =	sadd.s32 $0x100, s19;
	[sflag:s25] =	ssyncadd.s32 $0xFFFFC000  }
0x1f4: {  	[tilespmem:s24], [sflag:$0x1] =	stream.indirect.gather [hbm4b:s1+s28], $0x80, s13, s28, $0xb8;
	[tilespmem:$0x1E000] =	vst v63  }
0x1f5: {  	_ =	swait.ge [sflag:s31], $0x4000  }
0x1f6: {  	[sflag:s31] =	ssyncset.done $0x0  }
0x1f7: {  	s19 =	sadd.s32 $0x1080, s19;
	[sflag:s31] =	ssyncadd.s32 $0xFFFFC000  }
0x1f8: {  	[spmem:s5] =	stream.indirect.scatter.add.f32 [tilespmem:s29], [sflag:$0x3], $0x80, s19, s28, $0xb8;
	[tilespmem:$0x1E000] =	vst v63  }
0x1f9: {  	_ =	swait.ge [sflag:s25], $0x4000  }
0x1fa: {  	[sflag:s25] =	ssyncset.done $0x0  }
0x1fb: {  	[sflag:s25] =	ssyncadd.s32 $0xFFFFC000  }
0x1fc: {  	[tilespmem:s29], [sflag:$0x2] =	stream.indirect.gather [hbm4b:s1+s28], $0x80, s3, s28, $0xb8;
	[tilespmem:$0x1E000] =	vst v63  }
0x1fd: {  	_ =	swait.ge [sflag:s30], $0x4000  }
0x1fe: {  	[sflag:s30] =	ssyncset.done $0x0  }
0x1ff: {  	[sflag:s30] =	ssyncadd.s32 $0xFFFFC000  }
0x200: {  	[spmem:s5] =	stream.indirect.scatter.add.f32 [tilespmem:s24], [sflag:$0x3], $0x80, s4, s28, $0xb8;
	[tilespmem:$0x1E000] =	vst v63  }
0x201: {  	_ =	swait.ge [sflag:s25], $0x4000  }
0x202: {  	[sflag:s25] =	ssyncset.done $0x0  }
0x203: {  	[sflag:s25] =	ssyncadd.s32 $0xFFFFC000  }
0x204: {  	_ =	swait.ge [sflag:s31], $0x4000  }
0x205: {  	[sflag:s31] =	ssyncset.done $0x0  }
.Ltmp10:
0x206: {  	[sflag:s31] =	ssyncadd.s32 $0xFFFFC000;
	(pc) =	sbr.rel @p0 .LBB2_25-.Ltmp10, $4  }
0x207: {  	[spmem:s5] =	stream.indirect.scatter.add.f32 [tilespmem:s29], [sflag:$0x3], $0x80, s16, s28, $0xb8;
	[tilespmem:$0x1E000] =	vst v63  }
0x208: {  	_ =	swait.ge [sflag:s25], $0x4000  }
0x209: {  	[sflag:s25] =	ssyncset.done $0x0  }
0x20a: {  	[sflag:s25] =	ssyncadd.s32 $0xFFFFC000  }
0x20b: {  	s10 =	simm.s32 $0x0;
	s11 =	rddreg [dreg:$0x8]  }
0x20c: {  	[tilespmem:s10], [sflag:$0x3] =	stream.linear.gather [hbm4b:s11+s10], $0x1000, $0x38;
	[tilespmem:$0x1E000] =	vst v63  }
0x20d: {  	_ =	swait.ge [sflag:s25], $0x1000  }
0x20e: {  	[sflag:s25] =	ssyncset.done $0x0  }
0x20f: {  	s19 =	rddreg [dreg:$0x9];
	[sflag:s25] =	ssyncadd.s32 $0xFFFFF000  }
0x210: {  	[tilespmem:s26], [sflag:$0x3] =	stream.linear.gather [hbm4b:s19+s10], $0x1000, $0x38;
	[tilespmem:$0x1E000] =	vst v63  }
0x211: {  	_ =	swait.ge [sflag:s25], $0x1000  }
0x212: {  	[sflag:s25] =	ssyncset.done $0x0  }
0x213: {  	[sflag:s25] =	ssyncadd.s32 $0xFFFFF000  }
0x214: {  	[tilespmem:s24], [sflag:$0x1] =	stream.indirect.gather [hbm4b:s1+s28], $0x80, s10, s28, $0xb8;
	[tilespmem:$0x1E000] =	vst v63  }
0x215: {  	s11 =	simm.s32 $0x80  }
0x216: {  	[tilespmem:s29], [sflag:$0x2] =	stream.indirect.gather [hbm4b:s1+s28], $0x80, s11, s28, $0xb8;
	[tilespmem:$0x1E000] =	vst v63  }
0x217: {  	_ =	swait.ge [sflag:s30], $0x4000  }
0x218: {  	[sflag:s30] =	ssyncset.done $0x0  }
0x219: {  	s12 =	simm.s32 $0x1000;
	[sflag:s30] =	ssyncadd.s32 $0xFFFFC000  }
0x21a: {  	[spmem:s5] =	stream.indirect.scatter.add.f32 [tilespmem:s24], [sflag:$0x3], $0x80, s12, s28, $0xb8;
	[tilespmem:$0x1E000] =	vst v63  }
0x21b: {  	_ =	swait.ge [sflag:s25], $0x4000  }
0x21c: {  	[sflag:s25] =	ssyncset.done $0x0  }
0x21d: {  	s13 =	simm.s32 $0x100;
	[sflag:s25] =	ssyncadd.s32 $0xFFFFC000  }
0x21e: {  	[tilespmem:s24], [sflag:$0x1] =	stream.indirect.gather [hbm4b:s1+s28], $0x80, s13, s28, $0xb8;
	[tilespmem:$0x1E000] =	vst v63  }
0x21f: {  	_ =	swait.ge [sflag:s31], $0x4000  }
0x220: {  	[sflag:s31] =	ssyncset.done $0x0  }
0x221: {  	s19 =	simm.s32 $0x1080;
	[sflag:s31] =	ssyncadd.s32 $0xFFFFC000  }
0x222: {  	[spmem:s5] =	stream.indirect.scatter.add.f32 [tilespmem:s29], [sflag:$0x3], $0x80, s19, s28, $0xb8;
	[tilespmem:$0x1E000] =	vst v63  }
0x223: {  	_ =	swait.ge [sflag:s25], $0x4000  }
0x224: {  	s10 =	simm.s32 $0x800;
	s19 =	simm.s32 $0x100;
	[sflag:s25] =	ssyncset.done $0x0  }
.LBB2_19:
0x225: {  	s11 =	sadd.s32 $0x80, s19  }
0x226: {  	[sflag:s25] =	ssyncadd.s32 $0xFFFFC000;
	s12 =	smov.u32 s10;
	s13 =	sadd.s32 $0x400, s10  }
0x227: {  	[tilespmem:s29], [sflag:$0x2] =	stream.indirect.gather [hbm4b:s1+s28], $0x80, s11, s28, $0xb8;
	[tilespmem:$0x1E000] =	vst v63  }
0x228: {  	p1 =	sne.s32 s10, $0x3800;
	_ =	swait.ge [sflag:s30], $0x4000  }
0x229: {  	[sflag:s30] =	ssyncset.done $0x0  }
0x22a: {  	s10 =	sadd.s32 $0x1000, s19;
	[sflag:s30] =	ssyncadd.s32 $0xFFFFC000  }
0x22b: {  	[spmem:s5] =	stream.indirect.scatter.add.f32 [tilespmem:s24], [sflag:$0x3], $0x80, s10, s28, $0xb8;
	[tilespmem:$0x1E000] =	vst v63  }
0x22c: {  	_ =	swait.ge [sflag:s25], $0x4000  }
0x22d: {  	[sflag:s25] =	ssyncset.done $0x0  }
0x22e: {  	s10 =	sadd.s32 $0x100, s19;
	[sflag:s25] =	ssyncadd.s32 $0xFFFFC000  }
0x22f: {  	[tilespmem:s24], [sflag:$0x1] =	stream.indirect.gather [hbm4b:s1+s28], $0x80, s10, s28, $0xb8;
	[tilespmem:$0x1E000] =	vst v63  }
0x230: {  	_ =	swait.ge [sflag:s31], $0x4000  }
.Ltmp11:
0x231: {  	[sflag:s31] =	ssyncset.done $0x0;
	(pc) =	sbr.rel @p1 .LBB2_19-.Ltmp11, $4  }
0x232: {  	s10 =	sadd.s32 $0x1080, s19;
	[sflag:s31] =	ssyncadd.s32 $0xFFFFC000  }
0x233: {  	[spmem:s5] =	stream.indirect.scatter.add.f32 [tilespmem:s29], [sflag:$0x3], $0x80, s10, s28, $0xb8;
	[tilespmem:$0x1E000] =	vst v63  }
0x234: {  	_ =	swait.ge [sflag:s25], $0x4000  }
0x235: {  	s19 =	sshra.s32 s12, $0x2;
	s10 =	smov.u32 s13;
	[sflag:s25] =	ssyncset.done $0x0  }
0x236: {  	s10 =	sadd.s32 $0x80, s19;
	[sflag:s25] =	ssyncadd.s32 $0xFFFFC000  }
0x237: {  	[tilespmem:s29], [sflag:$0x2] =	stream.indirect.gather [hbm4b:s1+s28], $0x80, s10, s28, $0xb8;
	[tilespmem:$0x1E000] =	vst v63  }
0x238: {  	_ =	swait.ge [sflag:s30], $0x4000  }
0x239: {  	[sflag:s30] =	ssyncset.done $0x0  }
0x23a: {  	s13 =	sadd.s32 $0x1000, s19;
	[sflag:s30] =	ssyncadd.s32 $0xFFFFC000  }
0x23b: {  	[spmem:s5] =	stream.indirect.scatter.add.f32 [tilespmem:s24], [sflag:$0x3], $0x80, s13, s28, $0xb8;
	[tilespmem:$0x1E000] =	vst v63  }
0x23c: {  	_ =	swait.ge [sflag:s25], $0x4000  }
0x23d: {  	[sflag:s25] =	ssyncset.done $0x0  }
0x23e: {  	s11 =	sadd.s32 $0x100, s19;
	[sflag:s25] =	ssyncadd.s32 $0xFFFFC000  }
0x23f: {  	[tilespmem:s24], [sflag:$0x1] =	stream.indirect.gather [hbm4b:s1+s28], $0x80, s11, s28, $0xb8;
	[tilespmem:$0x1E000] =	vst v63  }
0x240: {  	_ =	swait.ge [sflag:s31], $0x4000  }
0x241: {  	[sflag:s31] =	ssyncset.done $0x0  }
0x242: {  	s12 =	sadd.s32 $0x1080, s19;
	[sflag:s31] =	ssyncadd.s32 $0xFFFFC000  }
0x243: {  	[spmem:s5] =	stream.indirect.scatter.add.f32 [tilespmem:s29], [sflag:$0x3], $0x80, s12, s28, $0xb8;
	[tilespmem:$0x1E000] =	vst v63  }
0x244: {  	_ =	swait.ge [sflag:s25], $0x4000  }
0x245: {  	[sflag:s25] =	ssyncset.done $0x0  }
0x246: {  	[sflag:s25] =	ssyncadd.s32 $0xFFFFC000  }
0x247: {  	[tilespmem:s29], [sflag:$0x2] =	stream.indirect.gather [hbm4b:s1+s28], $0x80, s3, s28, $0xb8;
	[tilespmem:$0x1E000] =	vst v63  }
0x248: {  	_ =	swait.ge [sflag:s30], $0x4000  }
0x249: {  	[sflag:s30] =	ssyncset.done $0x0  }
0x24a: {  	[sflag:s30] =	ssyncadd.s32 $0xFFFFC000  }
0x24b: {  	[spmem:s5] =	stream.indirect.scatter.add.f32 [tilespmem:s24], [sflag:$0x3], $0x80, s4, s28, $0xb8;
	[tilespmem:$0x1E000] =	vst v63  }
0x24c: {  	_ =	swait.ge [sflag:s25], $0x4000  }
0x24d: {  	[sflag:s25] =	ssyncset.done $0x0  }
0x24e: {  	[sflag:s25] =	ssyncadd.s32 $0xFFFFC000  }
0x24f: {  	_ =	swait.ge [sflag:s31], $0x4000  }
0x250: {  	[sflag:s31] =	ssyncset.done $0x0  }
0x251: {  	[sflag:s31] =	ssyncadd.s32 $0xFFFFC000  }
0x252: {  	[spmem:s5] =	stream.indirect.scatter.add.f32 [tilespmem:s29], [sflag:$0x3], $0x80, s16, s28, $0xb8;
	[tilespmem:$0x1E000] =	vst v63  }
0x253: {  	_ =	swait.ge [sflag:s25], $0x4000  }
0x254: {  	[sflag:s25] =	ssyncset.done $0x0  }
0x255: {  	s13 =	simm.s32 $0x0;
	s11 =	rddreg [dreg:$0xa];
	[sflag:s25] =	ssyncadd.s32 $0xFFFFC000  }
0x256: {  	[tilespmem:s13], [sflag:$0x3] =	stream.linear.gather [hbm4b:s11+s13], $0x1000, $0x38;
	[tilespmem:$0x1E000] =	vst v63  }
0x257: {  	_ =	swait.ge [sflag:s25], $0x1000  }
0x258: {  	[sflag:s25] =	ssyncset.done $0x0  }
0x259: {  	s19 =	rddreg [dreg:$0xb];
	[sflag:s25] =	ssyncadd.s32 $0xFFFFF000  }
0x25a: {  	[tilespmem:s26], [sflag:$0x3] =	stream.linear.gather [hbm4b:s19+s13], $0x1000, $0x38;
	[tilespmem:$0x1E000] =	vst v63  }
0x25b: {  	_ =	swait.ge [sflag:s25], $0x1000  }
0x25c: {  	[sflag:s25] =	ssyncset.done $0x0  }
0x25d: {  	[sflag:s25] =	ssyncadd.s32 $0xFFFFF000  }
0x25e: {  	[tilespmem:s24], [sflag:$0x1] =	stream.indirect.gather [hbm4b:s1+s28], $0x80, s13, s28, $0xb8;
	[tilespmem:$0x1E000] =	vst v63  }
0x25f: {  	s11 =	simm.s32 $0x80  }
0x260: {  	[tilespmem:s29], [sflag:$0x2] =	stream.indirect.gather [hbm4b:s1+s28], $0x80, s11, s28, $0xb8;
	[tilespmem:$0x1E000] =	vst v63  }
0x261: {  	_ =	swait.ge [sflag:s30], $0x4000  }
0x262: {  	[sflag:s30] =	ssyncset.done $0x0  }
0x263: {  	s12 =	simm.s32 $0x1000;
	[sflag:s30] =	ssyncadd.s32 $0xFFFFC000  }
0x264: {  	[spmem:s5] =	stream.indirect.scatter.add.f32 [tilespmem:s24], [sflag:$0x3], $0x80, s12, s28, $0xb8;
	[tilespmem:$0x1E000] =	vst v63  }
0x265: {  	_ =	swait.ge [sflag:s25], $0x4000  }
0x266: {  	[sflag:s25] =	ssyncset.done $0x0  }
0x267: {  	s13 =	simm.s32 $0x100;
	[sflag:s25] =	ssyncadd.s32 $0xFFFFC000  }
0x268: {  	[tilespmem:s24], [sflag:$0x1] =	stream.indirect.gather [hbm4b:s1+s28], $0x80, s13, s28, $0xb8;
	[tilespmem:$0x1E000] =	vst v63  }
0x269: {  	_ =	swait.ge [sflag:s31], $0x4000  }
0x26a: {  	[sflag:s31] =	ssyncset.done $0x0  }
0x26b: {  	s19 =	simm.s32 $0x1080;
	[sflag:s31] =	ssyncadd.s32 $0xFFFFC000  }
0x26c: {  	[spmem:s5] =	stream.indirect.scatter.add.f32 [tilespmem:s29], [sflag:$0x3], $0x80, s19, s28, $0xb8;
	[tilespmem:$0x1E000] =	vst v63  }
0x26d: {  	_ =	swait.ge [sflag:s25], $0x4000  }
0x26e: {  	s10 =	simm.s32 $0x800;
	s19 =	simm.s32 $0x100;
	[sflag:s25] =	ssyncset.done $0x0  }
.LBB2_21:
0x26f: {  	s11 =	sadd.s32 $0x80, s19  }
0x270: {  	[sflag:s25] =	ssyncadd.s32 $0xFFFFC000;
	s12 =	smov.u32 s10;
	s13 =	sadd.s32 $0x400, s10  }
0x271: {  	[tilespmem:s29], [sflag:$0x2] =	stream.indirect.gather [hbm4b:s1+s28], $0x80, s11, s28, $0xb8;
	[tilespmem:$0x1E000] =	vst v63  }
0x272: {  	p1 =	sne.s32 s10, $0x3800;
	_ =	swait.ge [sflag:s30], $0x4000  }
0x273: {  	[sflag:s30] =	ssyncset.done $0x0  }
0x274: {  	s10 =	sadd.s32 $0x1000, s19;
	[sflag:s30] =	ssyncadd.s32 $0xFFFFC000  }
0x275: {  	[spmem:s5] =	stream.indirect.scatter.add.f32 [tilespmem:s24], [sflag:$0x3], $0x80, s10, s28, $0xb8;
	[tilespmem:$0x1E000] =	vst v63  }
0x276: {  	_ =	swait.ge [sflag:s25], $0x4000  }
0x277: {  	[sflag:s25] =	ssyncset.done $0x0  }
0x278: {  	s10 =	sadd.s32 $0x100, s19;
	[sflag:s25] =	ssyncadd.s32 $0xFFFFC000  }
0x279: {  	[tilespmem:s24], [sflag:$0x1] =	stream.indirect.gather [hbm4b:s1+s28], $0x80, s10, s28, $0xb8;
	[tilespmem:$0x1E000] =	vst v63  }
0x27a: {  	_ =	swait.ge [sflag:s31], $0x4000  }
.Ltmp12:
0x27b: {  	[sflag:s31] =	ssyncset.done $0x0;
	(pc) =	sbr.rel @p1 .LBB2_21-.Ltmp12, $4  }
0x27c: {  	s10 =	sadd.s32 $0x1080, s19;
	[sflag:s31] =	ssyncadd.s32 $0xFFFFC000  }
0x27d: {  	[spmem:s5] =	stream.indirect.scatter.add.f32 [tilespmem:s29], [sflag:$0x3], $0x80, s10, s28, $0xb8;
	[tilespmem:$0x1E000] =	vst v63  }
0x27e: {  	_ =	swait.ge [sflag:s25], $0x4000  }
0x27f: {  	s19 =	sshra.s32 s12, $0x2;
	s10 =	smov.u32 s13;
	[sflag:s25] =	ssyncset.done $0x0  }
0x280: {  	s10 =	sadd.s32 $0x80, s19;
	[sflag:s25] =	ssyncadd.s32 $0xFFFFC000  }
0x281: {  	[tilespmem:s29], [sflag:$0x2] =	stream.indirect.gather [hbm4b:s1+s28], $0x80, s10, s28, $0xb8;
	[tilespmem:$0x1E000] =	vst v63  }
0x282: {  	_ =	swait.ge [sflag:s30], $0x4000  }
0x283: {  	[sflag:s30] =	ssyncset.done $0x0  }
0x284: {  	s11 =	sadd.s32 $0x1000, s19;
	[sflag:s30] =	ssyncadd.s32 $0xFFFFC000  }
0x285: {  	[spmem:s5] =	stream.indirect.scatter.add.f32 [tilespmem:s24], [sflag:$0x3], $0x80, s11, s28, $0xb8;
	[tilespmem:$0x1E000] =	vst v63  }
0x286: {  	_ =	swait.ge [sflag:s25], $0x4000  }
0x287: {  	[sflag:s25] =	ssyncset.done $0x0  }
0x288: {  	s12 =	sadd.s32 $0x100, s19;
	[sflag:s25] =	ssyncadd.s32 $0xFFFFC000  }
0x289: {  	[tilespmem:s24], [sflag:$0x1] =	stream.indirect.gather [hbm4b:s1+s28], $0x80, s12, s28, $0xb8;
	[tilespmem:$0x1E000] =	vst v63  }
0x28a: {  	_ =	swait.ge [sflag:s31], $0x4000  }
0x28b: {  	[sflag:s31] =	ssyncset.done $0x0  }
0x28c: {  	s13 =	sadd.s32 $0x1080, s19;
	[sflag:s31] =	ssyncadd.s32 $0xFFFFC000  }
0x28d: {  	[spmem:s5] =	stream.indirect.scatter.add.f32 [tilespmem:s29], [sflag:$0x3], $0x80, s13, s28, $0xb8;
	[tilespmem:$0x1E000] =	vst v63  }
0x28e: {  	_ =	swait.ge [sflag:s25], $0x4000  }
0x28f: {  	[sflag:s25] =	ssyncset.done $0x0  }
0x290: {  	[sflag:s25] =	ssyncadd.s32 $0xFFFFC000  }
0x291: {  	[tilespmem:s29], [sflag:$0x2] =	stream.indirect.gather [hbm4b:s1+s28], $0x80, s3, s28, $0xb8;
	[tilespmem:$0x1E000] =	vst v63  }
0x292: {  	_ =	swait.ge [sflag:s30], $0x4000  }
0x293: {  	[sflag:s30] =	ssyncset.done $0x0  }
0x294: {  	[sflag:s30] =	ssyncadd.s32 $0xFFFFC000  }
0x295: {  	[spmem:s5] =	stream.indirect.scatter.add.f32 [tilespmem:s24], [sflag:$0x3], $0x80, s4, s28, $0xb8;
	[tilespmem:$0x1E000] =	vst v63  }
0x296: {  	_ =	swait.ge [sflag:s25], $0x4000  }
0x297: {  	[sflag:s25] =	ssyncset.done $0x0  }
0x298: {  	[sflag:s25] =	ssyncadd.s32 $0xFFFFC000  }
0x299: {  	_ =	swait.ge [sflag:s31], $0x4000  }
0x29a: {  	[sflag:s31] =	ssyncset.done $0x0  }
0x29b: {  	[sflag:s31] =	ssyncadd.s32 $0xFFFFC000  }
0x29c: {  	[spmem:s5] =	stream.indirect.scatter.add.f32 [tilespmem:s29], [sflag:$0x3], $0x80, s16, s28, $0xb8;
	[tilespmem:$0x1E000] =	vst v63  }
0x29d: {  	_ =	swait.ge [sflag:s25], $0x4000  }
0x29e: {  	[sflag:s25] =	ssyncset.done $0x0  }
0x29f: {  	s19 =	simm.s32 $0x0;
	[sflag:s25] =	ssyncadd.s32 $0xFFFFC000  }
0x2a0: {  	[tilespmem:s19], [sflag:$0x3] =	stream.linear.gather [hbm4b:s14+s19], $0x1000, $0x38;
	[tilespmem:$0x1E000] =	vst v63  }
0x2a1: {  	_ =	swait.ge [sflag:s25], $0x1000  }
0x2a2: {  	[sflag:s25] =	ssyncset.done $0x0  }
0x2a3: {  	[sflag:s25] =	ssyncadd.s32 $0xFFFFF000  }
0x2a4: {  	[tilespmem:s26], [sflag:$0x3] =	stream.linear.gather [hbm4b:s15+s19], $0x1000, $0x38;
	[tilespmem:$0x1E000] =	vst v63  }
0x2a5: {  	_ =	swait.ge [sflag:s25], $0x1000  }
0x2a6: {  	[sflag:s25] =	ssyncset.done $0x0  }
0x2a7: {  	[sflag:s25] =	ssyncadd.s32 $0xFFFFF000  }
0x2a8: {  	[tilespmem:s24], [sflag:$0x1] =	stream.indirect.gather [hbm4b:s1+s28], $0x80, s19, s28, $0xb8;
	[tilespmem:$0x1E000] =	vst v63  }
0x2a9: {  	s11 =	simm.s32 $0x80  }
0x2aa: {  	[tilespmem:s29], [sflag:$0x2] =	stream.indirect.gather [hbm4b:s1+s28], $0x80, s11, s28, $0xb8;
	[tilespmem:$0x1E000] =	vst v63  }
0x2ab: {  	_ =	swait.ge [sflag:s30], $0x4000  }
0x2ac: {  	[sflag:s30] =	ssyncset.done $0x0  }
0x2ad: {  	s12 =	simm.s32 $0x1000;
	[sflag:s30] =	ssyncadd.s32 $0xFFFFC000  }
0x2ae: {  	[spmem:s5] =	stream.indirect.scatter.add.f32 [tilespmem:s24], [sflag:$0x3], $0x80, s12, s28, $0xb8;
	[tilespmem:$0x1E000] =	vst v63  }
0x2af: {  	_ =	swait.ge [sflag:s25], $0x4000  }
0x2b0: {  	[sflag:s25] =	ssyncset.done $0x0  }
0x2b1: {  	s13 =	simm.s32 $0x100;
	[sflag:s25] =	ssyncadd.s32 $0xFFFFC000  }
0x2b2: {  	[tilespmem:s24], [sflag:$0x1] =	stream.indirect.gather [hbm4b:s1+s28], $0x80, s13, s28, $0xb8;
	[tilespmem:$0x1E000] =	vst v63  }
0x2b3: {  	_ =	swait.ge [sflag:s31], $0x4000  }
0x2b4: {  	[sflag:s31] =	ssyncset.done $0x0  }
0x2b5: {  	s19 =	simm.s32 $0x1080;
	[sflag:s31] =	ssyncadd.s32 $0xFFFFC000  }
0x2b6: {  	[spmem:s5] =	stream.indirect.scatter.add.f32 [tilespmem:s29], [sflag:$0x3], $0x80, s19, s28, $0xb8;
	[tilespmem:$0x1E000] =	vst v63  }
0x2b7: {  	_ =	swait.ge [sflag:s25], $0x4000  }
0x2b8: {  	s10 =	simm.s32 $0x800;
	s19 =	simm.s32 $0x100;
	[sflag:s25] =	ssyncset.done $0x0  }
.LBB2_23:
0x2b9: {  	s11 =	sadd.s32 $0x80, s19  }
0x2ba: {  	[sflag:s25] =	ssyncadd.s32 $0xFFFFC000;
	s12 =	smov.u32 s10;
	s13 =	sadd.s32 $0x400, s10  }
0x2bb: {  	[tilespmem:s29], [sflag:$0x2] =	stream.indirect.gather [hbm4b:s1+s28], $0x80, s11, s28, $0xb8;
	[tilespmem:$0x1E000] =	vst v63  }
0x2bc: {  	p1 =	sne.s32 s10, $0x3800;
	_ =	swait.ge [sflag:s30], $0x4000  }
0x2bd: {  	[sflag:s30] =	ssyncset.done $0x0  }
0x2be: {  	s10 =	sadd.s32 $0x1000, s19;
	[sflag:s30] =	ssyncadd.s32 $0xFFFFC000  }
0x2bf: {  	[spmem:s5] =	stream.indirect.scatter.add.f32 [tilespmem:s24], [sflag:$0x3], $0x80, s10, s28, $0xb8;
	[tilespmem:$0x1E000] =	vst v63  }
0x2c0: {  	_ =	swait.ge [sflag:s25], $0x4000  }
0x2c1: {  	[sflag:s25] =	ssyncset.done $0x0  }
0x2c2: {  	s10 =	sadd.s32 $0x100, s19;
	[sflag:s25] =	ssyncadd.s32 $0xFFFFC000  }
0x2c3: {  	[tilespmem:s24], [sflag:$0x1] =	stream.indirect.gather [hbm4b:s1+s28], $0x80, s10, s28, $0xb8;
	[tilespmem:$0x1E000] =	vst v63  }
0x2c4: {  	_ =	swait.ge [sflag:s31], $0x4000  }
.Ltmp13:
0x2c5: {  	[sflag:s31] =	ssyncset.done $0x0;
	(pc) =	sbr.rel @p1 .LBB2_23-.Ltmp13, $4  }
0x2c6: {  	s10 =	sadd.s32 $0x1080, s19;
	[sflag:s31] =	ssyncadd.s32 $0xFFFFC000  }
0x2c7: {  	[spmem:s5] =	stream.indirect.scatter.add.f32 [tilespmem:s29], [sflag:$0x3], $0x80, s10, s28, $0xb8;
	[tilespmem:$0x1E000] =	vst v63  }
0x2c8: {  	_ =	swait.ge [sflag:s25], $0x4000  }
0x2c9: {  	s19 =	sshra.s32 s12, $0x2;
	s10 =	smov.u32 s13;
	[sflag:s25] =	ssyncset.done $0x0  }
0x2ca: {  	s10 =	sadd.s32 $0x80, s19;
	[sflag:s25] =	ssyncadd.s32 $0xFFFFC000  }
0x2cb: {  	[tilespmem:s29], [sflag:$0x2] =	stream.indirect.gather [hbm4b:s1+s28], $0x80, s10, s28, $0xb8;
	[tilespmem:$0x1E000] =	vst v63  }
0x2cc: {  	_ =	swait.ge [sflag:s30], $0x4000  }
0x2cd: {  	[sflag:s30] =	ssyncset.done $0x0  }
0x2ce: {  	s12 =	sadd.s32 $0x1000, s19;
	[sflag:s30] =	ssyncadd.s32 $0xFFFFC000  }
0x2cf: {  	[spmem:s5] =	stream.indirect.scatter.add.f32 [tilespmem:s24], [sflag:$0x3], $0x80, s12, s28, $0xb8;
	[tilespmem:$0x1E000] =	vst v63  }
0x2d0: {  	_ =	swait.ge [sflag:s25], $0x4000  }
0x2d1: {  	[sflag:s25] =	ssyncset.done $0x0  }
0x2d2: {  	s13 =	sadd.s32 $0x100, s19;
	[sflag:s25] =	ssyncadd.s32 $0xFFFFC000  }
0x2d3: {  	[tilespmem:s24], [sflag:$0x1] =	stream.indirect.gather [hbm4b:s1+s28], $0x80, s13, s28, $0xb8;
	[tilespmem:$0x1E000] =	vst v63  }
0x2d4: {  	_ =	swait.ge [sflag:s31], $0x4000  }
0x2d5: {  	[sflag:s31] =	ssyncset.done $0x0  }
0x2d6: {  	s19 =	sadd.s32 $0x1080, s19;
	[sflag:s31] =	ssyncadd.s32 $0xFFFFC000  }
0x2d7: {  	[spmem:s5] =	stream.indirect.scatter.add.f32 [tilespmem:s29], [sflag:$0x3], $0x80, s19, s28, $0xb8;
	[tilespmem:$0x1E000] =	vst v63  }
0x2d8: {  	_ =	swait.ge [sflag:s25], $0x4000  }
0x2d9: {  	[sflag:s25] =	ssyncset.done $0x0  }
0x2da: {  	[sflag:s25] =	ssyncadd.s32 $0xFFFFC000  }
0x2db: {  	[tilespmem:s29], [sflag:$0x2] =	stream.indirect.gather [hbm4b:s1+s28], $0x80, s3, s28, $0xb8;
	[tilespmem:$0x1E000] =	vst v63  }
0x2dc: {  	_ =	swait.ge [sflag:s30], $0x4000  }
0x2dd: {  	[sflag:s30] =	ssyncset.done $0x0  }
0x2de: {  	[sflag:s30] =	ssyncadd.s32 $0xFFFFC000  }
0x2df: {  	[spmem:s5] =	stream.indirect.scatter.add.f32 [tilespmem:s24], [sflag:$0x3], $0x80, s4, s28, $0xb8;
	[tilespmem:$0x1E000] =	vst v63  }
0x2e0: {  	_ =	swait.ge [sflag:s25], $0x4000  }
0x2e1: {  	[sflag:s25] =	ssyncset.done $0x0  }
0x2e2: {  	[sflag:s25] =	ssyncadd.s32 $0xFFFFC000  }
0x2e3: {  	_ =	swait.ge [sflag:s31], $0x4000  }
0x2e4: {  	[sflag:s31] =	ssyncset.done $0x0  }
0x2e5: {  	[sflag:s31] =	ssyncadd.s32 $0xFFFFC000  }
0x2e6: {  	[spmem:s5] =	stream.indirect.scatter.add.f32 [tilespmem:s29], [sflag:$0x3], $0x80, s16, s28, $0xb8;
	[tilespmem:$0x1E000] =	vst v63  }
0x2e7: {  	_ =	swait.ge [sflag:s25], $0x4000  }
0x2e8: {  	[sflag:s25] =	ssyncset.done $0x0  }
0x2e9: {  	[sflag:s25] =	ssyncadd.s32 $0xFFFFC000  }
.LBB2_25:
0x2ea: {  	[bflag:$0x0] =	sbarrier.arrive $0xFFFF  }
0x2eb: {  	s10 =	rddreg [dreg:$0xd]  }
0x2ec: {  	[hbm:s10], [sflag:s17] =	dma.local [spmem:s18], $0x2800  }
0x2ed: {  	_ =	swait.ge [sflag:s25], $0x2800  }
0x2ee: {  	[sflag:s25] =	ssyncset.done $0x0  }
0x2ef: {  	s19 =	simm.s32 $0x0;
	s10 =	simm.s32 $0x200;
	[sflag:s25] =	ssyncadd.s32 $0xFFFFD800  }
.LBB2_26:
0x2f0: {  	p1 =	sne.s32 s10, $0xFE00;
	[tilespmem:s19+$0x2070] =	vst v0  }
0x2f1: {  	[tilespmem:s19+$0x2000] =	vst v0  }
0x2f2: {  	[tilespmem:s19+$0x2010] =	vst v0  }
.Ltmp14:
0x2f3: {  	[tilespmem:s19+$0x2020] =	vst v0;
	(pc) =	sbr.rel @p1 .LBB2_26-.Ltmp14, $4  }
0x2f4: {  	[tilespmem:s19+$0x2030] =	vst v0  }
0x2f5: {  	[tilespmem:s19+$0x2040] =	vst v0  }
0x2f6: {  	[tilespmem:s19+$0x2050] =	vst v0  }
0x2f7: {  	[tilespmem:s19+$0x2060] =	vst v0;
	s19 =	sshra.s32 s10, $0x2;
	s10 =	sadd.s32 $0x200, s10  }
0x2f8: {  	[tilespmem:s19+$0x2070] =	vst v0  }
0x2f9: {  	[tilespmem:s19+$0x2000] =	vst v0  }
0x2fa: {  	[tilespmem:s19+$0x2010] =	vst v0  }
0x2fb: {  	[tilespmem:s19+$0x2020] =	vst v0  }
0x2fc: {  	[tilespmem:s19+$0x2030] =	vst v0  }
0x2fd: {  	[tilespmem:s19+$0x2040] =	vst v0  }
0x2fe: {  	[tilespmem:s19+$0x2050] =	vst v0  }
0x2ff: {  	[tilespmem:s19+$0x2060] =	vst v0  }
0x300: {  	[spmem:s7] =	stream.linear.scatter [tilespmem:s24], [sflag:$0x3], $0x4000, $0x38;
	[tilespmem:$0x1E000] =	vst v63  }
0x301: {  	_ =	swait.ge [sflag:s25], $0x4000  }
0x302: {  	[sflag:s25] =	ssyncset.done $0x0  }
0x303: {  	[sflag:s25] =	ssyncadd.s32 $0xFFFFC000  }
0x304: {  	[spmem:s20] =	stream.linear.scatter [tilespmem:s24], [sflag:$0x3], $0x4000, $0x38;
	[tilespmem:$0x1E000] =	vst v63  }
0x305: {  	_ =	swait.ge [sflag:s25], $0x4000  }
0x306: {  	[sflag:s25] =	ssyncset.done $0x0  }
0x307: {  	[sflag:s25] =	ssyncadd.s32 $0xFFFFC000  }
0x308: {  	[spmem:s21] =	stream.linear.scatter [tilespmem:s24], [sflag:$0x3], $0x4000, $0x38;
	[tilespmem:$0x1E000] =	vst v63  }
0x309: {  	_ =	swait.ge [sflag:s25], $0x4000  }
0x30a: {  	[sflag:s25] =	ssyncset.done $0x0  }
0x30b: {  	[sflag:s25] =	ssyncadd.s32 $0xFFFFC000  }
0x30c: {  	[spmem:s22] =	stream.linear.scatter [tilespmem:s24], [sflag:$0x3], $0x4000, $0x38;
	[tilespmem:$0x1E000] =	vst v63  }
0x30d: {  	_ =	swait.ge [sflag:s25], $0x4000  }
0x30e: {  	[sflag:s25] =	ssyncset.done $0x0  }
0x30f: {  	[sflag:s25] =	ssyncadd.s32 $0xFFFFC000  }
0x310: {  	[spmem:s23] =	stream.linear.scatter [tilespmem:s24], [sflag:$0x3], $0x4000, $0x38;
	[tilespmem:$0x1E000] =	vst v63  }
0x311: {  	_ =	swait.ge [sflag:s25], $0x4000  }
0x312: {  	[sflag:s25] =	ssyncset.done $0x0  }
0x313: {  	[sflag:s25] =	ssyncadd.s32 $0xFFFFC000  }
0x314: {  	s10 =	simm.s32 $0x0;
	[bflag:$0x0] =	sbarrier.arrive $0xFFFF  }
0x315: {  	[tilespmem:s10], [sflag:$0x3] =	stream.linear.gather [hbm4b:s8+s10], $0x1000, $0x38;
	[tilespmem:$0x1E000] =	vst v63  }
0x316: {  	_ =	swait.ge [sflag:s25], $0x1000  }
0x317: {  	[sflag:s25] =	ssyncset.done $0x0  }
0x318: {  	[sflag:s25] =	ssyncadd.s32 $0xFFFFF000  }
0x319: {  	[tilespmem:s26], [sflag:$0x3] =	stream.linear.gather [hbm4b:s9+s10], $0x1000, $0x38;
	[tilespmem:$0x1E000] =	vst v63  }
0x31a: {  	_ =	swait.ge [sflag:s25], $0x1000  }
0x31b: {  	[sflag:s25] =	ssyncset.done $0x0  }
0x31c: {  	[sflag:s25] =	ssyncadd.s32 $0xFFFFF000  }
0x31d: {  	[tilespmem:s24], [sflag:$0x1] =	stream.indirect.gather [hbm4b:s2+s28], $0x80, s10, s28, $0xb8;
	[tilespmem:$0x1E000] =	vst v63  }
0x31e: {  	s11 =	simm.s32 $0x80  }
0x31f: {  	[tilespmem:s29], [sflag:$0x2] =	stream.indirect.gather [hbm4b:s2+s28], $0x80, s11, s28, $0xb8;
	[tilespmem:$0x1E000] =	vst v63  }
0x320: {  	_ =	swait.ge [sflag:s30], $0x4000  }
0x321: {  	[sflag:s30] =	ssyncset.done $0x0  }
0x322: {  	s12 =	simm.s32 $0x1000;
	[sflag:s30] =	ssyncadd.s32 $0xFFFFC000  }
0x323: {  	[spmem:s5] =	stream.indirect.scatter.add.f32 [tilespmem:s24], [sflag:$0x3], $0x80, s12, s28, $0xb8;
	[tilespmem:$0x1E000] =	vst v63  }
0x324: {  	_ =	swait.ge [sflag:s25], $0x4000  }
0x325: {  	[sflag:s25] =	ssyncset.done $0x0  }
0x326: {  	s13 =	simm.s32 $0x100;
	[sflag:s25] =	ssyncadd.s32 $0xFFFFC000  }
0x327: {  	[tilespmem:s24], [sflag:$0x1] =	stream.indirect.gather [hbm4b:s2+s28], $0x80, s13, s28, $0xb8;
	[tilespmem:$0x1E000] =	vst v63  }
0x328: {  	_ =	swait.ge [sflag:s31], $0x4000  }
0x329: {  	[sflag:s31] =	ssyncset.done $0x0  }
0x32a: {  	s19 =	simm.s32 $0x1080;
	[sflag:s31] =	ssyncadd.s32 $0xFFFFC000  }
0x32b: {  	[spmem:s5] =	stream.indirect.scatter.add.f32 [tilespmem:s29], [sflag:$0x3], $0x80, s19, s28, $0xb8;
	[tilespmem:$0x1E000] =	vst v63  }
0x32c: {  	_ =	swait.ge [sflag:s25], $0x4000  }
0x32d: {  	s10 =	simm.s32 $0x800;
	s19 =	simm.s32 $0x100;
	[sflag:s25] =	ssyncset.done $0x0  }
.LBB2_28:
0x32e: {  	s11 =	sadd.s32 $0x80, s19  }
0x32f: {  	[sflag:s25] =	ssyncadd.s32 $0xFFFFC000;
	s12 =	smov.u32 s10;
	s13 =	sadd.s32 $0x400, s10  }
0x330: {  	[tilespmem:s29], [sflag:$0x2] =	stream.indirect.gather [hbm4b:s2+s28], $0x80, s11, s28, $0xb8;
	[tilespmem:$0x1E000] =	vst v63  }
0x331: {  	p1 =	sne.s32 s10, $0x3800;
	_ =	swait.ge [sflag:s30], $0x4000  }
0x332: {  	[sflag:s30] =	ssyncset.done $0x0  }
0x333: {  	s10 =	sadd.s32 $0x1000, s19;
	[sflag:s30] =	ssyncadd.s32 $0xFFFFC000  }
0x334: {  	[spmem:s5] =	stream.indirect.scatter.add.f32 [tilespmem:s24], [sflag:$0x3], $0x80, s10, s28, $0xb8;
	[tilespmem:$0x1E000] =	vst v63  }
0x335: {  	_ =	swait.ge [sflag:s25], $0x4000  }
0x336: {  	[sflag:s25] =	ssyncset.done $0x0  }
0x337: {  	s10 =	sadd.s32 $0x100, s19;
	[sflag:s25] =	ssyncadd.s32 $0xFFFFC000  }
0x338: {  	[tilespmem:s24], [sflag:$0x1] =	stream.indirect.gather [hbm4b:s2+s28], $0x80, s10, s28, $0xb8;
	[tilespmem:$0x1E000] =	vst v63  }
0x339: {  	_ =	swait.ge [sflag:s31], $0x4000  }
.Ltmp15:
0x33a: {  	[sflag:s31] =	ssyncset.done $0x0;
	(pc) =	sbr.rel @p1 .LBB2_28-.Ltmp15, $4  }
0x33b: {  	s10 =	sadd.s32 $0x1080, s19;
	[sflag:s31] =	ssyncadd.s32 $0xFFFFC000  }
0x33c: {  	[spmem:s5] =	stream.indirect.scatter.add.f32 [tilespmem:s29], [sflag:$0x3], $0x80, s10, s28, $0xb8;
	[tilespmem:$0x1E000] =	vst v63  }
0x33d: {  	_ =	swait.ge [sflag:s25], $0x4000  }
0x33e: {  	s19 =	sshra.s32 s12, $0x2;
	s10 =	smov.u32 s13;
	[sflag:s25] =	ssyncset.done $0x0  }
0x33f: {  	s10 =	sadd.s32 $0x80, s19;
	[sflag:s25] =	ssyncadd.s32 $0xFFFFC000  }
0x340: {  	[tilespmem:s29], [sflag:$0x2] =	stream.indirect.gather [hbm4b:s2+s28], $0x80, s10, s28, $0xb8;
	[tilespmem:$0x1E000] =	vst v63  }
0x341: {  	_ =	swait.ge [sflag:s30], $0x4000  }
0x342: {  	[sflag:s30] =	ssyncset.done $0x0  }
0x343: {  	s12 =	sadd.s32 $0x1000, s19;
	[sflag:s30] =	ssyncadd.s32 $0xFFFFC000  }
0x344: {  	[spmem:s5] =	stream.indirect.scatter.add.f32 [tilespmem:s24], [sflag:$0x3], $0x80, s12, s28, $0xb8;
	[tilespmem:$0x1E000] =	vst v63  }
0x345: {  	_ =	swait.ge [sflag:s25], $0x4000  }
0x346: {  	[sflag:s25] =	ssyncset.done $0x0  }
0x347: {  	s13 =	sadd.s32 $0x100, s19;
	[sflag:s25] =	ssyncadd.s32 $0xFFFFC000  }
0x348: {  	[tilespmem:s24], [sflag:$0x1] =	stream.indirect.gather [hbm4b:s2+s28], $0x80, s13, s28, $0xb8;
	[tilespmem:$0x1E000] =	vst v63  }
0x349: {  	_ =	swait.ge [sflag:s31], $0x4000  }
0x34a: {  	[sflag:s31] =	ssyncset.done $0x0  }
0x34b: {  	s19 =	sadd.s32 $0x1080, s19;
	[sflag:s31] =	ssyncadd.s32 $0xFFFFC000  }
0x34c: {  	[spmem:s5] =	stream.indirect.scatter.add.f32 [tilespmem:s29], [sflag:$0x3], $0x80, s19, s28, $0xb8;
	[tilespmem:$0x1E000] =	vst v63  }
0x34d: {  	_ =	swait.ge [sflag:s25], $0x4000  }
0x34e: {  	[sflag:s25] =	ssyncset.done $0x0  }
0x34f: {  	[sflag:s25] =	ssyncadd.s32 $0xFFFFC000  }
0x350: {  	[tilespmem:s29], [sflag:$0x2] =	stream.indirect.gather [hbm4b:s2+s28], $0x80, s3, s28, $0xb8;
	[tilespmem:$0x1E000] =	vst v63  }
0x351: {  	_ =	swait.ge [sflag:s30], $0x4000  }
0x352: {  	[sflag:s30] =	ssyncset.done $0x0  }
0x353: {  	[sflag:s30] =	ssyncadd.s32 $0xFFFFC000  }
0x354: {  	[spmem:s5] =	stream.indirect.scatter.add.f32 [tilespmem:s24], [sflag:$0x3], $0x80, s4, s28, $0xb8;
	[tilespmem:$0x1E000] =	vst v63  }
0x355: {  	_ =	swait.ge [sflag:s25], $0x4000  }
0x356: {  	[sflag:s25] =	ssyncset.done $0x0  }
0x357: {  	[sflag:s25] =	ssyncadd.s32 $0xFFFFC000  }
0x358: {  	_ =	swait.ge [sflag:s31], $0x4000  }
0x359: {  	[sflag:s31] =	ssyncset.done $0x0  }
.Ltmp16:
0x35a: {  	[sflag:s31] =	ssyncadd.s32 $0xFFFFC000;
	(pc) =	sbr.rel @p0 .LBB2_37-.Ltmp16, $4  }
0x35b: {  	[spmem:s5] =	stream.indirect.scatter.add.f32 [tilespmem:s29], [sflag:$0x3], $0x80, s16, s28, $0xb8;
	[tilespmem:$0x1E000] =	vst v63  }
0x35c: {  	_ =	swait.ge [sflag:s25], $0x4000  }
0x35d: {  	[sflag:s25] =	ssyncset.done $0x0  }
0x35e: {  	[sflag:s25] =	ssyncadd.s32 $0xFFFFC000  }
0x35f: {  	s10 =	simm.s32 $0x0;
	s11 =	rddreg [dreg:$0x8]  }
0x360: {  	[tilespmem:s10], [sflag:$0x3] =	stream.linear.gather [hbm4b:s11+s10], $0x1000, $0x38;
	[tilespmem:$0x1E000] =	vst v63  }
0x361: {  	_ =	swait.ge [sflag:s25], $0x1000  }
0x362: {  	[sflag:s25] =	ssyncset.done $0x0  }
0x363: {  	s19 =	rddreg [dreg:$0x9];
	[sflag:s25] =	ssyncadd.s32 $0xFFFFF000  }
0x364: {  	[tilespmem:s26], [sflag:$0x3] =	stream.linear.gather [hbm4b:s19+s10], $0x1000, $0x38;
	[tilespmem:$0x1E000] =	vst v63  }
0x365: {  	_ =	swait.ge [sflag:s25], $0x1000  }
0x366: {  	[sflag:s25] =	ssyncset.done $0x0  }
0x367: {  	[sflag:s25] =	ssyncadd.s32 $0xFFFFF000  }
0x368: {  	[tilespmem:s24], [sflag:$0x1] =	stream.indirect.gather [hbm4b:s2+s28], $0x80, s10, s28, $0xb8;
	[tilespmem:$0x1E000] =	vst v63  }
0x369: {  	s11 =	simm.s32 $0x80  }
0x36a: {  	[tilespmem:s29], [sflag:$0x2] =	stream.indirect.gather [hbm4b:s2+s28], $0x80, s11, s28, $0xb8;
	[tilespmem:$0x1E000] =	vst v63  }
0x36b: {  	_ =	swait.ge [sflag:s30], $0x4000  }
0x36c: {  	[sflag:s30] =	ssyncset.done $0x0  }
0x36d: {  	s12 =	simm.s32 $0x1000;
	[sflag:s30] =	ssyncadd.s32 $0xFFFFC000  }
0x36e: {  	[spmem:s5] =	stream.indirect.scatter.add.f32 [tilespmem:s24], [sflag:$0x3], $0x80, s12, s28, $0xb8;
	[tilespmem:$0x1E000] =	vst v63  }
0x36f: {  	_ =	swait.ge [sflag:s25], $0x4000  }
0x370: {  	[sflag:s25] =	ssyncset.done $0x0  }
0x371: {  	s13 =	simm.s32 $0x100;
	[sflag:s25] =	ssyncadd.s32 $0xFFFFC000  }
0x372: {  	[tilespmem:s24], [sflag:$0x1] =	stream.indirect.gather [hbm4b:s2+s28], $0x80, s13, s28, $0xb8;
	[tilespmem:$0x1E000] =	vst v63  }
0x373: {  	_ =	swait.ge [sflag:s31], $0x4000  }
0x374: {  	[sflag:s31] =	ssyncset.done $0x0  }
0x375: {  	s19 =	simm.s32 $0x1080;
	[sflag:s31] =	ssyncadd.s32 $0xFFFFC000  }
0x376: {  	[spmem:s5] =	stream.indirect.scatter.add.f32 [tilespmem:s29], [sflag:$0x3], $0x80, s19, s28, $0xb8;
	[tilespmem:$0x1E000] =	vst v63  }
0x377: {  	_ =	swait.ge [sflag:s25], $0x4000  }
0x378: {  	s10 =	simm.s32 $0x800;
	s19 =	simm.s32 $0x100;
	[sflag:s25] =	ssyncset.done $0x0  }
.LBB2_31:
0x379: {  	s11 =	sadd.s32 $0x80, s19  }
0x37a: {  	[sflag:s25] =	ssyncadd.s32 $0xFFFFC000;
	s12 =	smov.u32 s10;
	s13 =	sadd.s32 $0x400, s10  }
0x37b: {  	[tilespmem:s29], [sflag:$0x2] =	stream.indirect.gather [hbm4b:s2+s28], $0x80, s11, s28, $0xb8;
	[tilespmem:$0x1E000] =	vst v63  }
0x37c: {  	p1 =	sne.s32 s10, $0x3800;
	_ =	swait.ge [sflag:s30], $0x4000  }
0x37d: {  	[sflag:s30] =	ssyncset.done $0x0  }
0x37e: {  	s10 =	sadd.s32 $0x1000, s19;
	[sflag:s30] =	ssyncadd.s32 $0xFFFFC000  }
0x37f: {  	[spmem:s5] =	stream.indirect.scatter.add.f32 [tilespmem:s24], [sflag:$0x3], $0x80, s10, s28, $0xb8;
	[tilespmem:$0x1E000] =	vst v63  }
0x380: {  	_ =	swait.ge [sflag:s25], $0x4000  }
0x381: {  	[sflag:s25] =	ssyncset.done $0x0  }
0x382: {  	s10 =	sadd.s32 $0x100, s19;
	[sflag:s25] =	ssyncadd.s32 $0xFFFFC000  }
0x383: {  	[tilespmem:s24], [sflag:$0x1] =	stream.indirect.gather [hbm4b:s2+s28], $0x80, s10, s28, $0xb8;
	[tilespmem:$0x1E000] =	vst v63  }
0x384: {  	_ =	swait.ge [sflag:s31], $0x4000  }
.Ltmp17:
0x385: {  	[sflag:s31] =	ssyncset.done $0x0;
	(pc) =	sbr.rel @p1 .LBB2_31-.Ltmp17, $4  }
0x386: {  	s10 =	sadd.s32 $0x1080, s19;
	[sflag:s31] =	ssyncadd.s32 $0xFFFFC000  }
0x387: {  	[spmem:s5] =	stream.indirect.scatter.add.f32 [tilespmem:s29], [sflag:$0x3], $0x80, s10, s28, $0xb8;
	[tilespmem:$0x1E000] =	vst v63  }
0x388: {  	_ =	swait.ge [sflag:s25], $0x4000  }
0x389: {  	s19 =	sshra.s32 s12, $0x2;
	s10 =	smov.u32 s13;
	[sflag:s25] =	ssyncset.done $0x0  }
0x38a: {  	s10 =	sadd.s32 $0x80, s19;
	[sflag:s25] =	ssyncadd.s32 $0xFFFFC000  }
0x38b: {  	[tilespmem:s29], [sflag:$0x2] =	stream.indirect.gather [hbm4b:s2+s28], $0x80, s10, s28, $0xb8;
	[tilespmem:$0x1E000] =	vst v63  }
0x38c: {  	_ =	swait.ge [sflag:s30], $0x4000  }
0x38d: {  	[sflag:s30] =	ssyncset.done $0x0  }
0x38e: {  	s13 =	sadd.s32 $0x1000, s19;
	[sflag:s30] =	ssyncadd.s32 $0xFFFFC000  }
0x38f: {  	[spmem:s5] =	stream.indirect.scatter.add.f32 [tilespmem:s24], [sflag:$0x3], $0x80, s13, s28, $0xb8;
	[tilespmem:$0x1E000] =	vst v63  }
0x390: {  	_ =	swait.ge [sflag:s25], $0x4000  }
0x391: {  	[sflag:s25] =	ssyncset.done $0x0  }
0x392: {  	s11 =	sadd.s32 $0x100, s19;
	[sflag:s25] =	ssyncadd.s32 $0xFFFFC000  }
0x393: {  	[tilespmem:s24], [sflag:$0x1] =	stream.indirect.gather [hbm4b:s2+s28], $0x80, s11, s28, $0xb8;
	[tilespmem:$0x1E000] =	vst v63  }
0x394: {  	_ =	swait.ge [sflag:s31], $0x4000  }
0x395: {  	[sflag:s31] =	ssyncset.done $0x0  }
0x396: {  	s12 =	sadd.s32 $0x1080, s19;
	[sflag:s31] =	ssyncadd.s32 $0xFFFFC000  }
0x397: {  	[spmem:s5] =	stream.indirect.scatter.add.f32 [tilespmem:s29], [sflag:$0x3], $0x80, s12, s28, $0xb8;
	[tilespmem:$0x1E000] =	vst v63  }
0x398: {  	_ =	swait.ge [sflag:s25], $0x4000  }
0x399: {  	[sflag:s25] =	ssyncset.done $0x0  }
0x39a: {  	[sflag:s25] =	ssyncadd.s32 $0xFFFFC000  }
0x39b: {  	[tilespmem:s29], [sflag:$0x2] =	stream.indirect.gather [hbm4b:s2+s28], $0x80, s3, s28, $0xb8;
	[tilespmem:$0x1E000] =	vst v63  }
0x39c: {  	_ =	swait.ge [sflag:s30], $0x4000  }
0x39d: {  	[sflag:s30] =	ssyncset.done $0x0  }
0x39e: {  	[sflag:s30] =	ssyncadd.s32 $0xFFFFC000  }
0x39f: {  	[spmem:s5] =	stream.indirect.scatter.add.f32 [tilespmem:s24], [sflag:$0x3], $0x80, s4, s28, $0xb8;
	[tilespmem:$0x1E000] =	vst v63  }
0x3a0: {  	_ =	swait.ge [sflag:s25], $0x4000  }
0x3a1: {  	[sflag:s25] =	ssyncset.done $0x0  }
0x3a2: {  	[sflag:s25] =	ssyncadd.s32 $0xFFFFC000  }
0x3a3: {  	_ =	swait.ge [sflag:s31], $0x4000  }
0x3a4: {  	[sflag:s31] =	ssyncset.done $0x0  }
0x3a5: {  	[sflag:s31] =	ssyncadd.s32 $0xFFFFC000  }
0x3a6: {  	[spmem:s5] =	stream.indirect.scatter.add.f32 [tilespmem:s29], [sflag:$0x3], $0x80, s16, s28, $0xb8;
	[tilespmem:$0x1E000] =	vst v63  }
0x3a7: {  	_ =	swait.ge [sflag:s25], $0x4000  }
0x3a8: {  	[sflag:s25] =	ssyncset.done $0x0  }
0x3a9: {  	s13 =	simm.s32 $0x0;
	s11 =	rddreg [dreg:$0xa];
	[sflag:s25] =	ssyncadd.s32 $0xFFFFC000  }
0x3aa: {  	[tilespmem:s13], [sflag:$0x3] =	stream.linear.gather [hbm4b:s11+s13], $0x1000, $0x38;
	[tilespmem:$0x1E000] =	vst v63  }
0x3ab: {  	_ =	swait.ge [sflag:s25], $0x1000  }
0x3ac: {  	[sflag:s25] =	ssyncset.done $0x0  }
0x3ad: {  	s19 =	rddreg [dreg:$0xb];
	[sflag:s25] =	ssyncadd.s32 $0xFFFFF000  }
0x3ae: {  	[tilespmem:s26], [sflag:$0x3] =	stream.linear.gather [hbm4b:s19+s13], $0x1000, $0x38;
	[tilespmem:$0x1E000] =	vst v63  }
0x3af: {  	_ =	swait.ge [sflag:s25], $0x1000  }
0x3b0: {  	[sflag:s25] =	ssyncset.done $0x0  }
0x3b1: {  	[sflag:s25] =	ssyncadd.s32 $0xFFFFF000  }
0x3b2: {  	[tilespmem:s24], [sflag:$0x1] =	stream.indirect.gather [hbm4b:s2+s28], $0x80, s13, s28, $0xb8;
	[tilespmem:$0x1E000] =	vst v63  }
0x3b3: {  	s11 =	simm.s32 $0x80  }
0x3b4: {  	[tilespmem:s29], [sflag:$0x2] =	stream.indirect.gather [hbm4b:s2+s28], $0x80, s11, s28, $0xb8;
	[tilespmem:$0x1E000] =	vst v63  }
0x3b5: {  	_ =	swait.ge [sflag:s30], $0x4000  }
0x3b6: {  	[sflag:s30] =	ssyncset.done $0x0  }
0x3b7: {  	s12 =	simm.s32 $0x1000;
	[sflag:s30] =	ssyncadd.s32 $0xFFFFC000  }
0x3b8: {  	[spmem:s5] =	stream.indirect.scatter.add.f32 [tilespmem:s24], [sflag:$0x3], $0x80, s12, s28, $0xb8;
	[tilespmem:$0x1E000] =	vst v63  }
0x3b9: {  	_ =	swait.ge [sflag:s25], $0x4000  }
0x3ba: {  	[sflag:s25] =	ssyncset.done $0x0  }
0x3bb: {  	s13 =	simm.s32 $0x100;
	[sflag:s25] =	ssyncadd.s32 $0xFFFFC000  }
0x3bc: {  	[tilespmem:s24], [sflag:$0x1] =	stream.indirect.gather [hbm4b:s2+s28], $0x80, s13, s28, $0xb8;
	[tilespmem:$0x1E000] =	vst v63  }
0x3bd: {  	_ =	swait.ge [sflag:s31], $0x4000  }
0x3be: {  	[sflag:s31] =	ssyncset.done $0x0  }
0x3bf: {  	s19 =	simm.s32 $0x1080;
	[sflag:s31] =	ssyncadd.s32 $0xFFFFC000  }
0x3c0: {  	[spmem:s5] =	stream.indirect.scatter.add.f32 [tilespmem:s29], [sflag:$0x3], $0x80, s19, s28, $0xb8;
	[tilespmem:$0x1E000] =	vst v63  }
0x3c1: {  	_ =	swait.ge [sflag:s25], $0x4000  }
0x3c2: {  	s10 =	simm.s32 $0x800;
	s19 =	simm.s32 $0x100;
	[sflag:s25] =	ssyncset.done $0x0  }
.LBB2_33:
0x3c3: {  	s11 =	sadd.s32 $0x80, s19  }
0x3c4: {  	[sflag:s25] =	ssyncadd.s32 $0xFFFFC000;
	s12 =	smov.u32 s10;
	s13 =	sadd.s32 $0x400, s10  }
0x3c5: {  	[tilespmem:s29], [sflag:$0x2] =	stream.indirect.gather [hbm4b:s2+s28], $0x80, s11, s28, $0xb8;
	[tilespmem:$0x1E000] =	vst v63  }
0x3c6: {  	p1 =	sne.s32 s10, $0x3800;
	_ =	swait.ge [sflag:s30], $0x4000  }
0x3c7: {  	[sflag:s30] =	ssyncset.done $0x0  }
0x3c8: {  	s10 =	sadd.s32 $0x1000, s19;
	[sflag:s30] =	ssyncadd.s32 $0xFFFFC000  }
0x3c9: {  	[spmem:s5] =	stream.indirect.scatter.add.f32 [tilespmem:s24], [sflag:$0x3], $0x80, s10, s28, $0xb8;
	[tilespmem:$0x1E000] =	vst v63  }
0x3ca: {  	_ =	swait.ge [sflag:s25], $0x4000  }
0x3cb: {  	[sflag:s25] =	ssyncset.done $0x0  }
0x3cc: {  	s10 =	sadd.s32 $0x100, s19;
	[sflag:s25] =	ssyncadd.s32 $0xFFFFC000  }
0x3cd: {  	[tilespmem:s24], [sflag:$0x1] =	stream.indirect.gather [hbm4b:s2+s28], $0x80, s10, s28, $0xb8;
	[tilespmem:$0x1E000] =	vst v63  }
0x3ce: {  	_ =	swait.ge [sflag:s31], $0x4000  }
.Ltmp18:
0x3cf: {  	[sflag:s31] =	ssyncset.done $0x0;
	(pc) =	sbr.rel @p1 .LBB2_33-.Ltmp18, $4  }
0x3d0: {  	s10 =	sadd.s32 $0x1080, s19;
	[sflag:s31] =	ssyncadd.s32 $0xFFFFC000  }
0x3d1: {  	[spmem:s5] =	stream.indirect.scatter.add.f32 [tilespmem:s29], [sflag:$0x3], $0x80, s10, s28, $0xb8;
	[tilespmem:$0x1E000] =	vst v63  }
0x3d2: {  	_ =	swait.ge [sflag:s25], $0x4000  }
0x3d3: {  	s19 =	sshra.s32 s12, $0x2;
	s10 =	smov.u32 s13;
	[sflag:s25] =	ssyncset.done $0x0  }
0x3d4: {  	s10 =	sadd.s32 $0x80, s19;
	[sflag:s25] =	ssyncadd.s32 $0xFFFFC000  }
0x3d5: {  	[tilespmem:s29], [sflag:$0x2] =	stream.indirect.gather [hbm4b:s2+s28], $0x80, s10, s28, $0xb8;
	[tilespmem:$0x1E000] =	vst v63  }
0x3d6: {  	_ =	swait.ge [sflag:s30], $0x4000  }
0x3d7: {  	[sflag:s30] =	ssyncset.done $0x0  }
0x3d8: {  	s11 =	sadd.s32 $0x1000, s19;
	[sflag:s30] =	ssyncadd.s32 $0xFFFFC000  }
0x3d9: {  	[spmem:s5] =	stream.indirect.scatter.add.f32 [tilespmem:s24], [sflag:$0x3], $0x80, s11, s28, $0xb8;
	[tilespmem:$0x1E000] =	vst v63  }
0x3da: {  	_ =	swait.ge [sflag:s25], $0x4000  }
0x3db: {  	[sflag:s25] =	ssyncset.done $0x0  }
0x3dc: {  	s12 =	sadd.s32 $0x100, s19;
	[sflag:s25] =	ssyncadd.s32 $0xFFFFC000  }
0x3dd: {  	[tilespmem:s24], [sflag:$0x1] =	stream.indirect.gather [hbm4b:s2+s28], $0x80, s12, s28, $0xb8;
	[tilespmem:$0x1E000] =	vst v63  }
0x3de: {  	_ =	swait.ge [sflag:s31], $0x4000  }
0x3df: {  	[sflag:s31] =	ssyncset.done $0x0  }
0x3e0: {  	s13 =	sadd.s32 $0x1080, s19;
	[sflag:s31] =	ssyncadd.s32 $0xFFFFC000  }
0x3e1: {  	[spmem:s5] =	stream.indirect.scatter.add.f32 [tilespmem:s29], [sflag:$0x3], $0x80, s13, s28, $0xb8;
	[tilespmem:$0x1E000] =	vst v63  }
0x3e2: {  	_ =	swait.ge [sflag:s25], $0x4000  }
0x3e3: {  	[sflag:s25] =	ssyncset.done $0x0  }
0x3e4: {  	[sflag:s25] =	ssyncadd.s32 $0xFFFFC000  }
0x3e5: {  	[tilespmem:s29], [sflag:$0x2] =	stream.indirect.gather [hbm4b:s2+s28], $0x80, s3, s28, $0xb8;
	[tilespmem:$0x1E000] =	vst v63  }
0x3e6: {  	_ =	swait.ge [sflag:s30], $0x4000  }
0x3e7: {  	[sflag:s30] =	ssyncset.done $0x0  }
0x3e8: {  	[sflag:s30] =	ssyncadd.s32 $0xFFFFC000  }
0x3e9: {  	[spmem:s5] =	stream.indirect.scatter.add.f32 [tilespmem:s24], [sflag:$0x3], $0x80, s4, s28, $0xb8;
	[tilespmem:$0x1E000] =	vst v63  }
0x3ea: {  	_ =	swait.ge [sflag:s25], $0x4000  }
0x3eb: {  	[sflag:s25] =	ssyncset.done $0x0  }
0x3ec: {  	[sflag:s25] =	ssyncadd.s32 $0xFFFFC000  }
0x3ed: {  	_ =	swait.ge [sflag:s31], $0x4000  }
0x3ee: {  	[sflag:s31] =	ssyncset.done $0x0  }
0x3ef: {  	[sflag:s31] =	ssyncadd.s32 $0xFFFFC000  }
0x3f0: {  	[spmem:s5] =	stream.indirect.scatter.add.f32 [tilespmem:s29], [sflag:$0x3], $0x80, s16, s28, $0xb8;
	[tilespmem:$0x1E000] =	vst v63  }
0x3f1: {  	_ =	swait.ge [sflag:s25], $0x4000  }
0x3f2: {  	[sflag:s25] =	ssyncset.done $0x0  }
0x3f3: {  	s19 =	simm.s32 $0x0;
	[sflag:s25] =	ssyncadd.s32 $0xFFFFC000  }
0x3f4: {  	[tilespmem:s19], [sflag:$0x3] =	stream.linear.gather [hbm4b:s14+s19], $0x1000, $0x38;
	[tilespmem:$0x1E000] =	vst v63  }
0x3f5: {  	_ =	swait.ge [sflag:s25], $0x1000  }
0x3f6: {  	[sflag:s25] =	ssyncset.done $0x0  }
0x3f7: {  	[sflag:s25] =	ssyncadd.s32 $0xFFFFF000  }
0x3f8: {  	[tilespmem:s26], [sflag:$0x3] =	stream.linear.gather [hbm4b:s15+s19], $0x1000, $0x38;
	[tilespmem:$0x1E000] =	vst v63  }
0x3f9: {  	_ =	swait.ge [sflag:s25], $0x1000  }
0x3fa: {  	[sflag:s25] =	ssyncset.done $0x0  }
0x3fb: {  	[sflag:s25] =	ssyncadd.s32 $0xFFFFF000  }
0x3fc: {  	[tilespmem:s24], [sflag:$0x1] =	stream.indirect.gather [hbm4b:s2+s28], $0x80, s19, s28, $0xb8;
	[tilespmem:$0x1E000] =	vst v63  }
0x3fd: {  	s11 =	simm.s32 $0x80  }
0x3fe: {  	[tilespmem:s29], [sflag:$0x2] =	stream.indirect.gather [hbm4b:s2+s28], $0x80, s11, s28, $0xb8;
	[tilespmem:$0x1E000] =	vst v63  }
0x3ff: {  	_ =	swait.ge [sflag:s30], $0x4000  }
0x400: {  	[sflag:s30] =	ssyncset.done $0x0  }
0x401: {  	s12 =	simm.s32 $0x1000;
	[sflag:s30] =	ssyncadd.s32 $0xFFFFC000  }
0x402: {  	[spmem:s5] =	stream.indirect.scatter.add.f32 [tilespmem:s24], [sflag:$0x3], $0x80, s12, s28, $0xb8;
	[tilespmem:$0x1E000] =	vst v63  }
0x403: {  	_ =	swait.ge [sflag:s25], $0x4000  }
0x404: {  	[sflag:s25] =	ssyncset.done $0x0  }
0x405: {  	s13 =	simm.s32 $0x100;
	[sflag:s25] =	ssyncadd.s32 $0xFFFFC000  }
0x406: {  	[tilespmem:s24], [sflag:$0x1] =	stream.indirect.gather [hbm4b:s2+s28], $0x80, s13, s28, $0xb8;
	[tilespmem:$0x1E000] =	vst v63  }
0x407: {  	_ =	swait.ge [sflag:s31], $0x4000  }
0x408: {  	[sflag:s31] =	ssyncset.done $0x0  }
0x409: {  	s19 =	simm.s32 $0x1080;
	[sflag:s31] =	ssyncadd.s32 $0xFFFFC000  }
0x40a: {  	[spmem:s5] =	stream.indirect.scatter.add.f32 [tilespmem:s29], [sflag:$0x3], $0x80, s19, s28, $0xb8;
	[tilespmem:$0x1E000] =	vst v63  }
0x40b: {  	_ =	swait.ge [sflag:s25], $0x4000  }
0x40c: {  	s10 =	simm.s32 $0x800;
	s19 =	simm.s32 $0x100;
	[sflag:s25] =	ssyncset.done $0x0  }
.LBB2_35:
0x40d: {  	s11 =	sadd.s32 $0x80, s19  }
0x40e: {  	[sflag:s25] =	ssyncadd.s32 $0xFFFFC000;
	s12 =	smov.u32 s10;
	s13 =	sadd.s32 $0x400, s10  }
0x40f: {  	[tilespmem:s29], [sflag:$0x2] =	stream.indirect.gather [hbm4b:s2+s28], $0x80, s11, s28, $0xb8;
	[tilespmem:$0x1E000] =	vst v63  }
0x410: {  	p1 =	sne.s32 s10, $0x3800;
	_ =	swait.ge [sflag:s30], $0x4000  }
0x411: {  	[sflag:s30] =	ssyncset.done $0x0  }
0x412: {  	s10 =	sadd.s32 $0x1000, s19;
	[sflag:s30] =	ssyncadd.s32 $0xFFFFC000  }
0x413: {  	[spmem:s5] =	stream.indirect.scatter.add.f32 [tilespmem:s24], [sflag:$0x3], $0x80, s10, s28, $0xb8;
	[tilespmem:$0x1E000] =	vst v63  }
0x414: {  	_ =	swait.ge [sflag:s25], $0x4000  }
0x415: {  	[sflag:s25] =	ssyncset.done $0x0  }
0x416: {  	s10 =	sadd.s32 $0x100, s19;
	[sflag:s25] =	ssyncadd.s32 $0xFFFFC000  }
0x417: {  	[tilespmem:s24], [sflag:$0x1] =	stream.indirect.gather [hbm4b:s2+s28], $0x80, s10, s28, $0xb8;
	[tilespmem:$0x1E000] =	vst v63  }
0x418: {  	_ =	swait.ge [sflag:s31], $0x4000  }
.Ltmp19:
0x419: {  	[sflag:s31] =	ssyncset.done $0x0;
	(pc) =	sbr.rel @p1 .LBB2_35-.Ltmp19, $4  }
0x41a: {  	s10 =	sadd.s32 $0x1080, s19;
	[sflag:s31] =	ssyncadd.s32 $0xFFFFC000  }
0x41b: {  	[spmem:s5] =	stream.indirect.scatter.add.f32 [tilespmem:s29], [sflag:$0x3], $0x80, s10, s28, $0xb8;
	[tilespmem:$0x1E000] =	vst v63  }
0x41c: {  	_ =	swait.ge [sflag:s25], $0x4000  }
0x41d: {  	s19 =	sshra.s32 s12, $0x2;
	s10 =	smov.u32 s13;
	[sflag:s25] =	ssyncset.done $0x0  }
.Ltmp20:
0x41e: {  	_ = 	snop;
	(pc) =	sbr.rel .LBB2_36-.Ltmp20, $1  }
0x41f: {  	_ =	sdelay $0x3  }
.LBB2_38:
0x420: {  	_ =	sfence.sel $0x180000  }
0x421: {  	[bflag:$0x0] =	sbarrier.arrive $0xFFFF  }
0x422: {  	_ =	strace $0x90000047  }
0x423: {  	s0 =	stileid.u32;
	[bflag:$0x2] =	sbarrier.arrive $0xFFFF  }
0x424: {  	p0 =	sne.s32 s0, $0x0;
	s0 =	rddreg [dreg:$0x7]  }
0x425: {  	s0 =	sadd.s32 @!p0 $0x100000, s0  }
0x426: {  	[sflag:s0] =	ssyncadd.tile.s32 @!p0 $0x1;
	_ =	shalt  }
.Lfunc_end2:
_tile_overlayer_lowered:
.L_overlay_start_2:
0x427: {  	(tag) =	ssettag $0x2  }
0x428: {  	s0 =	rddreg [dreg:$0x0];
	s2 =	stileid.u32  }
0x429: {  	s1 =	rddreg [dreg:$0x1];
	p0 =	sne.s32 s2, $0x0  }
0x42a: {  	s3 =	rddreg [dreg:$0x2];
	[bflag:$0x3] =	sbarrier.arrive $0xFFFF;
	s2 =	simm.s32 @!p0 $0x1C03  }
0x42b: {  	[timem:s3], [sflag:s2] =	dma.local @!p0 [hbm:s0], s1  }
0x42c: {  	s0 =	simm.s32 @!p0 $0x3  }
0x42d: {  	_ =	swait.ge @!p0 [sflag:s0], s1  }
0x42e: {  	s1 =	ssub.s32 @!p0 $0x0, s1;
	[sflag:s0] =	ssyncset.done @!p0 $0x0  }
0x42f: {  	[sflag:s0] =	ssyncadd.s32 @!p0 s1  }
0x430: {  	[bflag:$0x3] =	sbarrier.arrive $0xFFFF  }
0x431: {  	_ =	shalt  }

</sc_bundles>
